<compile_context>
chip_gen: v7x
topology: tpu7x:2x2x1
jax: 0.10.2.dev20260603
libtpu: 0.0.44.dev20260713+nightly
codegen_flags: <defaults>
</compile_context>

<pallas_src>
import jax
import jax.numpy as jnp
from jax import lax
from jax.experimental import pallas as pl
from jax.experimental.pallas import tpu as pltpu
from jax.experimental.pallas import tpu_sc as plsc

B, C, H, W = 8, 3, 512, 512
HW = H * W
N = B * HW
NV = 131072
NW = 32
P = N // NW
M = 8192
G = M // 128
NSUB = P // M
RT = NV // 16
MA = 2048


def _iota16():
    return lax.iota(jnp.int32, 16)


def _x_off(wid, c, j):
    b = wid // 4
    ht = (wid % 4) * 16 + j * 2
    return ((b * C + c) * 64 + ht) * 4096


def _accum_body(img_hbm, seg_hbm, t_out, idx2d, xb0, xb1, xb2, ones, zb,
                tb0, tb1, tb2, tb3, sem, sem2):
    cid = lax.axis_index("c")
    sid = lax.axis_index("s")
    wid = sid * 2 + cid
    tabs = (tb0, tb1, tb2, tb3)

    def fill(i, _):
        ones[pl.ds(i * 16, 16)] = jnp.full((16,), 1.0, jnp.float32)
        zb[pl.ds(i * 16, 16)] = jnp.zeros((16,), jnp.float32)
        return 0
    lax.fori_loop(0, M // 16, fill, 0)

    def ztab(k, _):
        r0 = pl.multiple_of(sid * RT + k * 2048, 2048)
        for t in tabs:
            pltpu.sync_copy(zb.at[pl.ds(0, 2048)], t.at[pl.ds(r0, 2048)])
        return 0
    lax.fori_loop(0, RT // 2048, ztab, 0)
    plsc.subcore_barrier()

    base_px = wid * P

    def sub(j, _):
        px0 = base_px + j * M
        lds = [pltpu.async_copy(
            seg_hbm.at[pl.ds(pl.multiple_of(px0 // 128, G), G)], idx2d,
            sem2)]
        for c, xb in enumerate((xb0, xb1, xb2)):
            off = pl.multiple_of(_x_off(wid, c, j), M)
            lds.append(pltpu.async_copy(img_hbm.at[pl.ds(off, M)], xb, sem2))
        for ld in lds:
            ld.wait()

        def scat(q, _):
            cps = []
            for u in range(4):
                g = q * 4 + u
                rs = (g >> 5) * 32 + (g & 3) * 8 + ((g >> 2) & 7)
                s0 = pl.multiple_of(rs * 128, 128)
                idx = idx2d.at[g]
                cps += [pltpu.async_copy(src.at[pl.ds(s0, 128)], t.at[idx],
                                         sem, add=True)
                        for src, t in zip((xb0, xb1, xb2), tabs)]
                cps.append(pltpu.async_copy(ones.at[pl.ds(0, 128)],
                                            tabs[3].at[idx], sem, add=True))
            for cp in cps:
                cp.wait()
            return 0
        lax.fori_loop(0, G // 4, scat, 0)
        return 0
    lax.fori_loop(0, NSUB, sub, 0)
    plsc.subcore_barrier()

    def dump(k, _):
        r0 = pl.multiple_of(sid * RT + k * RT, RT)
        for c, t in enumerate(tabs):
            pltpu.sync_copy(t.at[pl.ds(r0, RT)],
                            t_out.at[cid, c, pl.ds(r0, RT)])
        return 0
    lax.fori_loop(0, 1, dump, 0)


def _apply_body(img_hbm, seg_hbm, t_in, fvr_hbm, out_hbm, idx2d, xb0, xb1,
                xb2, ai, a2b, c0b, sb, cb, ab, fb, pki, obuf, ajp, aj2, sem,
                sem2):
    cid = lax.axis_index("c")
    sid = lax.axis_index("s")
    wid = sid * 2 + cid

    def pa(k, _):
        r0 = pl.multiple_of(sid * RT + k * MA, MA)
        pltpu.sync_copy(t_in.at[0, 3, pl.ds(r0, MA)], cb)
        pltpu.sync_copy(t_in.at[1, 3, pl.ds(r0, MA)], ab)

        def inv_cnt(i, _):
            s = pl.ds(i * 16, 16)
            cb[s] = 1.0 / jnp.maximum(cb[s] + ab[s], 1.0)
            return 0
        lax.fori_loop(0, MA // 16, inv_cnt, 0)

        pltpu.sync_copy(fvr_hbm.at[pl.ds(pl.multiple_of(r0 * 4, MA), 4 * MA)],
                        fb)
        pltpu.sync_copy(t_in.at[0, 0, pl.ds(r0, MA)], sb)
        pltpu.sync_copy(t_in.at[1, 0, pl.ds(r0, MA)], ab)

        def ca0(i, _):
            s = pl.ds(i * 16, 16)
            foff = ((i >> 3) * 4) * 128 + (i & 7) * 16
            f = fb[pl.ds(foff, 16)]
            c0b[s] = f - (sb[s] + ab[s]) * cb[s]
            return 0
        lax.fori_loop(0, MA // 16, ca0, 0)

        pltpu.sync_copy(t_in.at[0, 1, pl.ds(r0, MA)], sb)
        pltpu.sync_copy(t_in.at[1, 1, pl.ds(r0, MA)], ab)

        def ca1(i, _):
            s = pl.ds(i * 16, 16)
            foff = ((i >> 3) * 4 + 1) * 128 + (i & 7) * 16
            f = fb[pl.ds(foff, 16)]
            v1 = f - (sb[s] + ab[s]) * cb[s]
            pki[s] = plsc.bitcast(
                plsc.pack(c0b[s], v1, format=plsc.PackFormat.INTERLEAVED),
                jnp.int32)
            return 0
        lax.fori_loop(0, MA // 16, ca1, 0)
        pltpu.sync_copy(pki, ajp.at[pl.ds(r0, MA)])

        pltpu.sync_copy(t_in.at[0, 2, pl.ds(r0, MA)], sb)
        pltpu.sync_copy(t_in.at[1, 2, pl.ds(r0, MA)], ab)

        def ca2(i, _):
            s = pl.ds(i * 16, 16)
            foff = ((i >> 3) * 4 + 2) * 128 + (i & 7) * 16
            f = fb[pl.ds(foff, 16)]
            ab[s] = f - (sb[s] + ab[s]) * cb[s]
            return 0
        lax.fori_loop(0, MA // 16, ca2, 0)
        pltpu.sync_copy(ab, aj2.at[pl.ds(r0, MA)])
        return 0
    lax.fori_loop(0, RT // MA, pa, 0)
    plsc.subcore_barrier()

    base_px = wid * P

    def pb(j, _):
        px0 = base_px + j * M
        lds = [pltpu.async_copy(
            seg_hbm.at[pl.ds(pl.multiple_of(px0 // 128, G), G)], idx2d,
            sem2)]
        for c, xb in enumerate((xb0, xb1, xb2)):
            off = pl.multiple_of(_x_off(wid, c, j), M)
            lds.append(pltpu.async_copy(img_hbm.at[pl.ds(off, M)], xb, sem2))
        for ld in lds:
            ld.wait()

        def gath(q, _):
            cps = []
            for u in range(8):
                g = q * 8 + u
                s0 = pl.multiple_of(g * 128, 128)
                idx = idx2d.at[g]
                cps.append(pltpu.async_copy(ajp.at[idx],
                                            ai.at[pl.ds(s0, 128)], sem))
                cps.append(pltpu.async_copy(aj2.at[idx],
                                            a2b.at[pl.ds(s0, 128)], sem))
            for cp in cps:
                cp.wait()
            return 0
        lax.fori_loop(0, G // 8, gath, 0)

        def cbod(i, _):
            g = i >> 3
            rs = (g >> 5) * 32 + (g & 3) * 8 + ((g >> 2) & 7)
            xoff = rs * 128 + (i & 7) * 16
            s = pl.ds(i * 16, 16)
            a0v, a1v = plsc.unpack(
                plsc.bitcast(ai[s], jnp.bfloat16),
                format=plsc.PackFormat.INTERLEAVED,
                preferred_element_type=jnp.float32)
            for c, (xb, a) in enumerate(zip((xb0, xb1, xb2),
                                            (a0v, a1v, None))):
                ooff = (g * 4 + c) * 128 + (i & 7) * 16
                av = a2b[s] if c == 2 else a
                obuf[pl.ds(ooff, 16)] = xb[pl.ds(xoff, 16)] + av
            return 0
        lax.fori_loop(0, M // 16, cbod, 0)
        pltpu.sync_copy(obuf, out_hbm.at[pl.ds(pl.multiple_of(px0 * 4, M),
                                               4 * M)])
        return 0
    lax.fori_loop(0, NSUB, pb, 0)


def kernel(img, seg, fV_regions):
    img_stripe = (img.reshape(B, C, H // 8, 8, W // 128, 128)
                  .transpose(0, 1, 2, 4, 3, 5).reshape(-1))
    seg2d = seg.reshape(-1, 128)
    fvr_g4 = (jnp.pad(fV_regions, ((0, 0), (0, 1)))
              .reshape(NV // 128, 128, 4).transpose(0, 2, 1)
              .reshape(NV // 128 * 4, 128).reshape(-1))
    mesh = plsc.VectorSubcoreMesh(core_axis_name="c", subcore_axis_name="s")

    accum = pl.kernel(
        _accum_body,
        out_type=jax.ShapeDtypeStruct((2, 4, NV), jnp.float32),
        mesh=mesh,
        compiler_params=pltpu.CompilerParams(needs_layout_passes=False),
        scratch_types=[
            pltpu.VMEM((G, 128), jnp.int32),
            pltpu.VMEM((M,), jnp.float32),
            pltpu.VMEM((M,), jnp.float32),
            pltpu.VMEM((M,), jnp.float32),
            pltpu.VMEM((M,), jnp.float32),
            pltpu.VMEM((M,), jnp.float32),
            pltpu.VMEM_SHARED((NV,), jnp.float32),
            pltpu.VMEM_SHARED((NV,), jnp.float32),
            pltpu.VMEM_SHARED((NV,), jnp.float32),
            pltpu.VMEM_SHARED((NV,), jnp.float32),
            pltpu.SemaphoreType.DMA,
            pltpu.SemaphoreType.DMA,
        ],
    )
    t_part = accum(img_stripe, seg2d)

    apply_k = pl.kernel(
        _apply_body,
        out_type=jax.ShapeDtypeStruct((N * 4,), jnp.float32),
        mesh=mesh,
        compiler_params=pltpu.CompilerParams(needs_layout_passes=False),
        scratch_types=[
            pltpu.VMEM((G, 128), jnp.int32),
            pltpu.VMEM((M,), jnp.float32),
            pltpu.VMEM((M,), jnp.float32),
            pltpu.VMEM((M,), jnp.float32),
            pltpu.VMEM((M,), jnp.int32),
            pltpu.VMEM((M,), jnp.float32),
            pltpu.VMEM((MA,), jnp.float32),
            pltpu.VMEM((MA,), jnp.float32),
            pltpu.VMEM((MA,), jnp.float32),
            pltpu.VMEM((MA,), jnp.float32),
            pltpu.VMEM((4 * MA,), jnp.float32),
            pltpu.VMEM((MA,), jnp.int32),
            pltpu.VMEM((4 * M,), jnp.float32),
            pltpu.VMEM_SHARED((NV,), jnp.int32),
            pltpu.VMEM_SHARED((NV,), jnp.float32),
            pltpu.SemaphoreType.DMA,
            pltpu.SemaphoreType.DMA,
        ],
    )
    out = apply_k(img_stripe, seg2d, t_part, fvr_g4)
    return (out.reshape(N // 128, 4, 128).transpose(0, 2, 1)
            .reshape(N, 4)[:, :3])

# --- scband reference (transcript-rebuilt; emitter-appended) ---
"""Pipeline reference for scband-dpxtokenizer-50629074485721 (READ-ONLY COPY).

The authoritative reference and input builder live on the scoring server;
editing this copy changes nothing except your own understanding.
"""

import jax, jax.numpy as jnp
import numpy as np


def setup_inputs(seed: int = 0) -> dict:
    key = jax.random.key(seed)
    k1, k2, k3 = jax.random.split(key, 3)
    B, C, H, W = 8, 3, 512, 512
    nV = 131072
    img = jax.random.normal(k1, (B, C, H, W), dtype=jnp.float32)
    seg = jax.random.randint(k2, (B * H * W,), 0, nV, dtype=jnp.int32)
    fV_regions = jax.random.normal(k3, (nV, C), dtype=jnp.float32)
    return {"img": img, "seg": seg, "fV_regions": fV_regions}


def reference(img, seg, fV_regions):
    # Core segment-reduce kernel of DPXTokenizer.mean_injection:
    #   fV = img.permute(0,2,3,1).reshape(-1, C)
    #   replaced_mean = res.fV - scatter_mean_2d(fV, res.seg)
    #   return fV + replaced_mean[res.seg]
    B, C, H, W = img.shape
    fV = jnp.transpose(img, (0, 2, 3, 1)).reshape(-1, C)  # [BHW, C]
    nV = fV_regions.shape[0]
    # scatter_mean_2d: per-segment mean of pixel features
    sums = jax.ops.segment_sum(fV, seg, num_segments=nV)  # [nV, C]
    counts = jax.ops.segment_sum(jnp.ones((fV.shape[0],), dtype=fV.dtype), seg, num_segments=nV)
    means = sums / jnp.maximum(counts, 1.0)[:, None]
    replaced_mean = fV_regions - means  # [nV, C]
    # gather back to pixels
    out = fV + replaced_mean[seg]  # [BHW, C]
    return out

if __name__ == "__main__":
    import jax
    _d = setup_inputs()
    print(jax.jit(kernel)(*tuple(_d.values())))

</pallas_src>

<mosaic_0001>
#map = affine_map<(d0, d1) -> (0)>
#map1 = affine_map<(d0, d1) -> (0, 0)>
#map2 = affine_map<(d0, d1) -> (0, 0, 0)>
module attributes {stable_mosaic.version = 14 : i64} {
  func.func @_accum_body(%arg0: i32, %arg1: i32, %arg2: memref<6291456xf32, #tpu.memory_space<hbm>>, %arg3: memref<16384x128xi32, #tpu.memory_space<hbm>>, %arg4: memref<2x4x131072xf32, #tpu.memory_space<hbm>>, %arg5: memref<64x128xi32, #tpu.memory_space<vmem>>, %arg6: memref<8192xf32, #tpu.memory_space<vmem>>, %arg7: memref<8192xf32, #tpu.memory_space<vmem>>, %arg8: memref<8192xf32, #tpu.memory_space<vmem>>, %arg9: memref<8192xf32, #tpu.memory_space<vmem>>, %arg10: memref<8192xf32, #tpu.memory_space<vmem>>, %arg11: memref<131072xf32, #tpu.memory_space<vmem_shared>>, %arg12: memref<131072xf32, #tpu.memory_space<vmem_shared>>, %arg13: memref<131072xf32, #tpu.memory_space<vmem_shared>>, %arg14: memref<131072xf32, #tpu.memory_space<vmem_shared>>, %arg15: memref<!tpu.dma_semaphore, #tpu.memory_space<semaphore_mem>>, %arg16: memref<!tpu.dma_semaphore, #tpu.memory_space<semaphore_mem>>) attributes {dimension_semantics = [#tpu.dimension_semantics<core_parallel>, #tpu.dimension_semantics<subcore_parallel>], iteration_bounds = array<i64: 2, 16>, scalar_prefetch = 0 : i64, scratch_operands = 12 : i64, tpu.core_type = #tpu.core_type<sc_vector_subcore>, window_params = [{transform_indices = #map}, {transform_indices = #map1}, {transform_indices = #map2}]} {
    %mul3A = arith.constant 2 : i32
    %mul3A_0 = arith.muli %arg1, %mul3A : i32
    %add3A = arith.addi %mul3A_0, %arg0 : i32
    %scan3A = arith.constant 0 : i32
    %scan3A_1 = arith.constant 0 : i32
    %scan3A_2 = arith.constant 512 : i32
    %scan3A_3 = arith.addi %scan3A_1, %scan3A_2 : i32
    %scan3A_4 = arith.constant 1 : i32
    %scan3A_5 = scf.for %scan3A_36 = %scan3A_1 to %scan3A_3 step %scan3A_4 iter_args(%scan3A_37 = %scan3A) -> (i32)  : i32 {
      %broadcast_in_dim3A = arith.constant 1.000000e+00 : f32
      %broadcast_in_dim3A_38 = vector.broadcast %broadcast_in_dim3A : f32 to vector<16xf32>
      %mul3A_39 = arith.constant 16 : i32
      %mul3A_40 = arith.muli %scan3A_36, %mul3A_39 : i32
      %swap3A = arith.index_cast %mul3A_40 : i32 to index
      %swap3A_41 = tpu.vector_load %arg9[%swap3A] {strides = array<i32>} : memref<8192xf32, #tpu.memory_space<vmem>>, vector<16xf32>,
      tpu.vector_store %arg9[%swap3A], %broadcast_in_dim3A_38 {strides = array<i32>} : memref<8192xf32, #tpu.memory_space<vmem>>, vector<16xf32>,
      %broadcast_in_dim3A_42 = arith.constant 0.000000e+00 : f32
      %broadcast_in_dim3A_43 = vector.broadcast %broadcast_in_dim3A_42 : f32 to vector<16xf32>
      %mul3A_44 = arith.constant 16 : i32
      %mul3A_45 = arith.muli %scan3A_36, %mul3A_44 : i32
      %swap3A_46 = arith.index_cast %mul3A_45 : i32 to index
      %swap3A_47 = tpu.vector_load %arg10[%swap3A_46] {strides = array<i32>} : memref<8192xf32, #tpu.memory_space<vmem>>, vector<16xf32>,
      tpu.vector_store %arg10[%swap3A_46], %broadcast_in_dim3A_43 {strides = array<i32>} : memref<8192xf32, #tpu.memory_space<vmem>>, vector<16xf32>,
      %scan3A_48 = arith.constant 0 : i32
      scf.yield %scan3A_48 : i32
    }
    %scan3A_6 = arith.constant 512 : i32
    %scan3A_7 = arith.constant 0 : i32
    %scan3A_8 = arith.constant 0 : i32
    %scan3A_9 = arith.constant 4 : i32
    %scan3A_10 = arith.addi %scan3A_8, %scan3A_9 : i32
    %scan3A_11 = arith.constant 1 : i32
    %scan3A_12 = scf.for %scan3A_36 = %scan3A_8 to %scan3A_10 step %scan3A_11 iter_args(%scan3A_37 = %scan3A_7) -> (i32)  : i32 {
      %mul3A_38 = arith.constant 8192 : i32
      %mul3A_39 = arith.muli %arg1, %mul3A_38 : i32
      %mul3A_40 = arith.constant 2048 : i32
      %mul3A_41 = arith.muli %scan3A_36, %mul3A_40 : i32
      %add3A_42 = arith.addi %mul3A_39, %mul3A_41 : i32
      %multiple_of3A_43 = tpu.assume_multiple %add3A_42, 2048 : i32
      "tpu.region"() ({
        %run_scoped3A_45 = tpu.sem_alloc : memref<!tpu.dma_semaphore, #tpu.memory_space<semaphore_mem>>
        %dma_start3A = arith.constant 0 : i32
        %dma_start3A_46 = tpu.memref_slice %arg10[%dma_start3A] : memref<8192xf32, #tpu.memory_space<vmem>> -> memref<2048xf32, #tpu.memory_space<vmem>>
        %dma_start3A_47 = tpu.memref_slice %arg11[%multiple_of3A_43] : memref<131072xf32, #tpu.memory_space<vmem_shared>> -> memref<2048xf32, #tpu.memory_space<vmem_shared>>
        %dma_start3A_48 = tpu.memref_slice %arg11[%multiple_of3A_43] : memref<131072xf32, #tpu.memory_space<vmem_shared>> -> memref<2048xf32, #tpu.memory_space<vmem_shared>>
        %dma_start3A_49 = arith.constant 0 : i32
        %dma_start3A_50 = tpu.memref_slice %arg10[%dma_start3A_49] : memref<8192xf32, #tpu.memory_space<vmem>> -> memref<2048xf32, #tpu.memory_space<vmem>>
        tpu.enqueue_dma source(%dma_start3A_50 : memref<2048xf32, #tpu.memory_space<vmem>>) target(%dma_start3A_48 : memref<2048xf32, #tpu.memory_space<vmem_shared>>) target_semaphore(%run_scoped3A_45 : memref<!tpu.dma_semaphore, #tpu.memory_space<semaphore_mem>>)
        %dma_wait3A = arith.constant 0 : i32
        %dma_wait3A_51 = tpu.memref_slice %arg10[%dma_wait3A] : memref<8192xf32, #tpu.memory_space<vmem>> -> memref<2048xf32, #tpu.memory_space<vmem>>
        %dma_wait3A_52 = tpu.memref_slice %arg11[%multiple_of3A_43] : memref<131072xf32, #tpu.memory_space<vmem_shared>> -> memref<2048xf32, #tpu.memory_space<vmem_shared>>
        %dma_wait3A_53 = tpu.memref_slice %arg11[%multiple_of3A_43] : memref<131072xf32, #tpu.memory_space<vmem_shared>> -> memref<2048xf32, #tpu.memory_space<vmem_shared>>
        %dma_wait3A_54 = arith.constant 0 : i32
        %dma_wait3A_55 = tpu.memref_slice %arg10[%dma_wait3A_54] : memref<8192xf32, #tpu.memory_space<vmem>> -> memref<2048xf32, #tpu.memory_space<vmem>>
        tpu.wait_dma2 semaphore(%run_scoped3A_45 : memref<!tpu.dma_semaphore, #tpu.memory_space<semaphore_mem>>) src(%dma_wait3A_55 : memref<2048xf32, #tpu.memory_space<vmem>>) dst(%dma_wait3A_53 : memref<2048xf32, #tpu.memory_space<vmem_shared>>)
        tpu.yield
      }) : () -> ()
      "tpu.region"() ({
        %run_scoped3A_45 = tpu.sem_alloc : memref<!tpu.dma_semaphore, #tpu.memory_space<semaphore_mem>>
        %dma_start3A = arith.constant 0 : i32
        %dma_start3A_46 = tpu.memref_slice %arg10[%dma_start3A] : memref<8192xf32, #tpu.memory_space<vmem>> -> memref<2048xf32, #tpu.memory_space<vmem>>
        %dma_start3A_47 = tpu.memref_slice %arg12[%multiple_of3A_43] : memref<131072xf32, #tpu.memory_space<vmem_shared>> -> memref<2048xf32, #tpu.memory_space<vmem_shared>>
        %dma_start3A_48 = tpu.memref_slice %arg12[%multiple_of3A_43] : memref<131072xf32, #tpu.memory_space<vmem_shared>> -> memref<2048xf32, #tpu.memory_space<vmem_shared>>
        %dma_start3A_49 = arith.constant 0 : i32
        %dma_start3A_50 = tpu.memref_slice %arg10[%dma_start3A_49] : memref<8192xf32, #tpu.memory_space<vmem>> -> memref<2048xf32, #tpu.memory_space<vmem>>
        tpu.enqueue_dma source(%dma_start3A_50 : memref<2048xf32, #tpu.memory_space<vmem>>) target(%dma_start3A_48 : memref<2048xf32, #tpu.memory_space<vmem_shared>>) target_semaphore(%run_scoped3A_45 : memref<!tpu.dma_semaphore, #tpu.memory_space<semaphore_mem>>)
        %dma_wait3A = arith.constant 0 : i32
        %dma_wait3A_51 = tpu.memref_slice %arg10[%dma_wait3A] : memref<8192xf32, #tpu.memory_space<vmem>> -> memref<2048xf32, #tpu.memory_space<vmem>>
        %dma_wait3A_52 = tpu.memref_slice %arg12[%multiple_of3A_43] : memref<131072xf32, #tpu.memory_space<vmem_shared>> -> memref<2048xf32, #tpu.memory_space<vmem_shared>>
        %dma_wait3A_53 = tpu.memref_slice %arg12[%multiple_of3A_43] : memref<131072xf32, #tpu.memory_space<vmem_shared>> -> memref<2048xf32, #tpu.memory_space<vmem_shared>>
        %dma_wait3A_54 = arith.constant 0 : i32
        %dma_wait3A_55 = tpu.memref_slice %arg10[%dma_wait3A_54] : memref<8192xf32, #tpu.memory_space<vmem>> -> memref<2048xf32, #tpu.memory_space<vmem>>
        tpu.wait_dma2 semaphore(%run_scoped3A_45 : memref<!tpu.dma_semaphore, #tpu.memory_space<semaphore_mem>>) src(%dma_wait3A_55 : memref<2048xf32, #tpu.memory_space<vmem>>) dst(%dma_wait3A_53 : memref<2048xf32, #tpu.memory_space<vmem_shared>>)
        tpu.yield
      }) : () -> ()
      "tpu.region"() ({
        %run_scoped3A_45 = tpu.sem_alloc : memref<!tpu.dma_semaphore, #tpu.memory_space<semaphore_mem>>
        %dma_start3A = arith.constant 0 : i32
        %dma_start3A_46 = tpu.memref_slice %arg10[%dma_start3A] : memref<8192xf32, #tpu.memory_space<vmem>> -> memref<2048xf32, #tpu.memory_space<vmem>>
        %dma_start3A_47 = tpu.memref_slice %arg13[%multiple_of3A_43] : memref<131072xf32, #tpu.memory_space<vmem_shared>> -> memref<2048xf32, #tpu.memory_space<vmem_shared>>
        %dma_start3A_48 = tpu.memref_slice %arg13[%multiple_of3A_43] : memref<131072xf32, #tpu.memory_space<vmem_shared>> -> memref<2048xf32, #tpu.memory_space<vmem_shared>>
        %dma_start3A_49 = arith.constant 0 : i32
        %dma_start3A_50 = tpu.memref_slice %arg10[%dma_start3A_49] : memref<8192xf32, #tpu.memory_space<vmem>> -> memref<2048xf32, #tpu.memory_space<vmem>>
        tpu.enqueue_dma source(%dma_start3A_50 : memref<2048xf32, #tpu.memory_space<vmem>>) target(%dma_start3A_48 : memref<2048xf32, #tpu.memory_space<vmem_shared>>) target_semaphore(%run_scoped3A_45 : memref<!tpu.dma_semaphore, #tpu.memory_space<semaphore_mem>>)
        %dma_wait3A = arith.constant 0 : i32
        %dma_wait3A_51 = tpu.memref_slice %arg10[%dma_wait3A] : memref<8192xf32, #tpu.memory_space<vmem>> -> memref<2048xf32, #tpu.memory_space<vmem>>
        %dma_wait3A_52 = tpu.memref_slice %arg13[%multiple_of3A_43] : memref<131072xf32, #tpu.memory_space<vmem_shared>> -> memref<2048xf32, #tpu.memory_space<vmem_shared>>
        %dma_wait3A_53 = tpu.memref_slice %arg13[%multiple_of3A_43] : memref<131072xf32, #tpu.memory_space<vmem_shared>> -> memref<2048xf32, #tpu.memory_space<vmem_shared>>
        %dma_wait3A_54 = arith.constant 0 : i32
        %dma_wait3A_55 = tpu.memref_slice %arg10[%dma_wait3A_54] : memref<8192xf32, #tpu.memory_space<vmem>> -> memref<2048xf32, #tpu.memory_space<vmem>>
        tpu.wait_dma2 semaphore(%run_scoped3A_45 : memref<!tpu.dma_semaphore, #tpu.memory_space<semaphore_mem>>) src(%dma_wait3A_55 : memref<2048xf32, #tpu.memory_space<vmem>>) dst(%dma_wait3A_53 : memref<2048xf32, #tpu.memory_space<vmem_shared>>)
        tpu.yield
      }) : () -> ()
      "tpu.region"() ({
        %run_scoped3A_45 = tpu.sem_alloc : memref<!tpu.dma_semaphore, #tpu.memory_space<semaphore_mem>>
        %dma_start3A = arith.constant 0 : i32
        %dma_start3A_46 = tpu.memref_slice %arg10[%dma_start3A] : memref<8192xf32, #tpu.memory_space<vmem>> -> memref<2048xf32, #tpu.memory_space<vmem>>
        %dma_start3A_47 = tpu.memref_slice %arg14[%multiple_of3A_43] : memref<131072xf32, #tpu.memory_space<vmem_shared>> -> memref<2048xf32, #tpu.memory_space<vmem_shared>>
        %dma_start3A_48 = tpu.memref_slice %arg14[%multiple_of3A_43] : memref<131072xf32, #tpu.memory_space<vmem_shared>> -> memref<2048xf32, #tpu.memory_space<vmem_shared>>
        %dma_start3A_49 = arith.constant 0 : i32
        %dma_start3A_50 = tpu.memref_slice %arg10[%dma_start3A_49] : memref<8192xf32, #tpu.memory_space<vmem>> -> memref<2048xf32, #tpu.memory_space<vmem>>
        tpu.enqueue_dma source(%dma_start3A_50 : memref<2048xf32, #tpu.memory_space<vmem>>) target(%dma_start3A_48 : memref<2048xf32, #tpu.memory_space<vmem_shared>>) target_semaphore(%run_scoped3A_45 : memref<!tpu.dma_semaphore, #tpu.memory_space<semaphore_mem>>)
        %dma_wait3A = arith.constant 0 : i32
        %dma_wait3A_51 = tpu.memref_slice %arg10[%dma_wait3A] : memref<8192xf32, #tpu.memory_space<vmem>> -> memref<2048xf32, #tpu.memory_space<vmem>>
        %dma_wait3A_52 = tpu.memref_slice %arg14[%multiple_of3A_43] : memref<131072xf32, #tpu.memory_space<vmem_shared>> -> memref<2048xf32, #tpu.memory_space<vmem_shared>>
        %dma_wait3A_53 = tpu.memref_slice %arg14[%multiple_of3A_43] : memref<131072xf32, #tpu.memory_space<vmem_shared>> -> memref<2048xf32, #tpu.memory_space<vmem_shared>>
        %dma_wait3A_54 = arith.constant 0 : i32
        %dma_wait3A_55 = tpu.memref_slice %arg10[%dma_wait3A_54] : memref<8192xf32, #tpu.memory_space<vmem>> -> memref<2048xf32, #tpu.memory_space<vmem>>
        tpu.wait_dma2 semaphore(%run_scoped3A_45 : memref<!tpu.dma_semaphore, #tpu.memory_space<semaphore_mem>>) src(%dma_wait3A_55 : memref<2048xf32, #tpu.memory_space<vmem>>) dst(%dma_wait3A_53 : memref<2048xf32, #tpu.memory_space<vmem_shared>>)
        tpu.yield
      }) : () -> ()
      %scan3A_44 = arith.constant 0 : i32
      scf.yield %scan3A_44 : i32
    }
    %scan3A_13 = arith.constant 4 : i32
    %barrier3A = arith.constant 0 : index
    tpu.barrier barrier_id(%barrier3A)
    %mul3A_14 = arith.constant 65536 : i32
    %mul3A_15 = arith.muli %add3A, %mul3A_14 : i32
    %scan3A_16 = arith.constant 0 : i32
    %scan3A_17 = arith.constant 0 : i32
    %scan3A_18 = arith.constant 8 : i32
    %scan3A_19 = arith.addi %scan3A_17, %scan3A_18 : i32
    %scan3A_20 = arith.constant 1 : i32
    %scan3A_21 = scf.for %scan3A_36 = %scan3A_17 to %scan3A_19 step %scan3A_20 iter_args(%scan3A_37 = %scan3A_16) -> (i32)  : i32 {
      %mul3A_38 = arith.constant 8192 : i32
      %mul3A_39 = arith.muli %scan3A_36, %mul3A_38 : i32
      %add3A_40 = arith.addi %mul3A_15, %mul3A_39 : i32
      %jit3A = arith.constant 128 : i32
      %div3A = arith.divsi %add3A_40, %jit3A : i32
      %sign3A = arith.constant 0 : i32
      %sign3A_41 = arith.cmpi sgt, %add3A_40, %sign3A : i32
      %sign3A_42 = arith.extui %sign3A_41 : i1 to i32
      %sign3A_43 = arith.constant 0 : i32
      %sign3A_44 = arith.cmpi slt, %add3A_40, %sign3A_43 : i32
      %sign3A_45 = arith.extui %sign3A_44 : i1 to i32
      %sign3A_46 = arith.subi %sign3A_42, %sign3A_45 : i32
      %sign3A_47 = arith.constant 0 : i32
      %sign3A_48 = arith.cmpi sgt, %jit3A, %sign3A_47 : i32
      %sign3A_49 = arith.extui %sign3A_48 : i1 to i32
      %sign3A_50 = arith.constant 0 : i32
      %sign3A_51 = arith.cmpi slt, %jit3A, %sign3A_50 : i32
      %sign3A_52 = arith.extui %sign3A_51 : i1 to i32
      %sign3A_53 = arith.subi %sign3A_49, %sign3A_52 : i32
      %ne3A = arith.cmpi ne, %sign3A_46, %sign3A_53 : i32
      %rem3A = arith.remsi %add3A_40, %jit3A : i32
      %ne3A_54 = arith.constant 0 : i32
      %ne3A_55 = arith.cmpi ne, %rem3A, %ne3A_54 : i32
      %and3A = arith.andi %ne3A, %ne3A_55 : i1
      %sub3A = arith.constant 1 : i32
      %sub3A_56 = arith.subi %div3A, %sub3A : i32
      %select_n3A = arith.select %and3A, %sub3A_56, %div3A : i32
      %multiple_of3A_57 = tpu.assume_multiple %select_n3A, 64 : i32
      %dma_start3A = arith.constant 0 : i32
      %dma_start3A_58 = tpu.memref_slice %arg3[%multiple_of3A_57, %dma_start3A] : memref<16384x128xi32, #tpu.memory_space<hbm>> -> memref<64x128xi32, #tpu.memory_space<hbm>>
      %dma_start3A_59 = arith.constant 0 : i32
      %dma_start3A_60 = tpu.memref_slice %arg3[%multiple_of3A_57, %dma_start3A_59] : memref<16384x128xi32, #tpu.memory_space<hbm>> -> memref<64x128xi32, #tpu.memory_space<hbm>>
      tpu.enqueue_dma source(%dma_start3A_60 : memref<64x128xi32, #tpu.memory_space<hbm>>) target(%arg5 : memref<64x128xi32, #tpu.memory_space<vmem>>) target_semaphore(%arg16 : memref<!tpu.dma_semaphore, #tpu.memory_space<semaphore_mem>>)
      %jit3A_61 = arith.constant 4 : i32
      %div3A_62 = arith.divsi %add3A, %jit3A_61 : i32
      %sign3A_63 = arith.constant 0 : i32
      %sign3A_64 = arith.cmpi sgt, %add3A, %sign3A_63 : i32
      %sign3A_65 = arith.extui %sign3A_64 : i1 to i32
      %sign3A_66 = arith.constant 0 : i32
      %sign3A_67 = arith.cmpi slt, %add3A, %sign3A_66 : i32
      %sign3A_68 = arith.extui %sign3A_67 : i1 to i32
      %sign3A_69 = arith.subi %sign3A_65, %sign3A_68 : i32
      %sign3A_70 = arith.constant 0 : i32
      %sign3A_71 = arith.cmpi sgt, %jit3A_61, %sign3A_70 : i32
      %sign3A_72 = arith.extui %sign3A_71 : i1 to i32
      %sign3A_73 = arith.constant 0 : i32
      %sign3A_74 = arith.cmpi slt, %jit3A_61, %sign3A_73 : i32
      %sign3A_75 = arith.extui %sign3A_74 : i1 to i32
      %sign3A_76 = arith.subi %sign3A_72, %sign3A_75 : i32
      %ne3A_77 = arith.cmpi ne, %sign3A_69, %sign3A_76 : i32
      %rem3A_78 = arith.remsi %add3A, %jit3A_61 : i32
      %ne3A_79 = arith.constant 0 : i32
      %ne3A_80 = arith.cmpi ne, %rem3A_78, %ne3A_79 : i32
      %and3A_81 = arith.andi %ne3A_77, %ne3A_80 : i1
      %sub3A_82 = arith.constant 1 : i32
      %sub3A_83 = arith.subi %div3A_62, %sub3A_82 : i32
      %select_n3A_84 = arith.select %and3A_81, %sub3A_83, %div3A_62 : i32
      %jit3A_85 = arith.constant 4 : i32
      %eq3A = arith.constant 0 : i32
      %eq3A_86 = arith.cmpi eq, %jit3A_85, %eq3A : i32
      %jit3A_87 = arith.constant 1 : i32
      %select_n3A_88 = arith.select %eq3A_86, %jit3A_87, %jit3A_85 : i32
      %rem3A_89 = arith.remsi %add3A, %select_n3A_88 : i32
      %ne3A_90 = arith.constant 0 : i32
      %ne3A_91 = arith.cmpi ne, %rem3A_89, %ne3A_90 : i32
      %lt3A = arith.constant 0 : i32
      %lt3A_92 = arith.cmpi slt, %rem3A_89, %lt3A : i32
      %lt3A_93 = arith.constant 0 : i32
      %lt3A_94 = arith.cmpi slt, %select_n3A_88, %lt3A_93 : i32
      %ne3A_95 = arith.xori %lt3A_92, %lt3A_94 : i1
      %and3A_96 = arith.andi %ne3A_95, %ne3A_91 : i1
      %add3A_97 = arith.addi %rem3A_89, %select_n3A_88 : i32
      %select_n3A_98 = arith.select %and3A_96, %add3A_97, %rem3A_89 : i32
      %mul3A_99 = arith.constant 16 : i32
      %mul3A_100 = arith.muli %select_n3A_98, %mul3A_99 : i32
      %mul3A_101 = arith.constant 2 : i32
      %mul3A_102 = arith.muli %scan3A_36, %mul3A_101 : i32
      %add3A_103 = arith.addi %mul3A_100, %mul3A_102 : i32
      %mul3A_104 = arith.constant 3 : i32
      %mul3A_105 = arith.muli %select_n3A_84, %mul3A_104 : i32
      %add3A_106 = arith.constant 0 : i32
      %add3A_107 = arith.addi %mul3A_105, %add3A_106 : i32
      %mul3A_108 = arith.constant 64 : i32
      %mul3A_109 = arith.muli %add3A_107, %mul3A_108 : i32
      %add3A_110 = arith.addi %mul3A_109, %add3A_103 : i32
      %mul3A_111 = arith.constant 4096 : i32
      %mul3A_112 = arith.muli %add3A_110, %mul3A_111 : i32
      %multiple_of3A_113 = tpu.assume_multiple %mul3A_112, 8192 : i32
      %dma_start3A_114 = tpu.memref_slice %arg2[%multiple_of3A_113] : memref<6291456xf32, #tpu.memory_space<hbm>> -> memref<8192xf32, #tpu.memory_space<hbm>>
      %dma_start3A_115 = tpu.memref_slice %arg2[%multiple_of3A_113] : memref<6291456xf32, #tpu.memory_space<hbm>> -> memref<8192xf32, #tpu.memory_space<hbm>>
      tpu.enqueue_dma source(%dma_start3A_115 : memref<8192xf32, #tpu.memory_space<hbm>>) target(%arg6 : memref<8192xf32, #tpu.memory_space<vmem>>) target_semaphore(%arg16 : memref<!tpu.dma_semaphore, #tpu.memory_space<semaphore_mem>>)
      %jit3A_116 = arith.constant 4 : i32
      %div3A_117 = arith.divsi %add3A, %jit3A_116 : i32
      %sign3A_118 = arith.constant 0 : i32
      %sign3A_119 = arith.cmpi sgt, %add3A, %sign3A_118 : i32
      %sign3A_120 = arith.extui %sign3A_119 : i1 to i32
      %sign3A_121 = arith.constant 0 : i32
      %sign3A_122 = arith.cmpi slt, %add3A, %sign3A_121 : i32
      %sign3A_123 = arith.extui %sign3A_122 : i1 to i32
      %sign3A_124 = arith.subi %sign3A_120, %sign3A_123 : i32
      %sign3A_125 = arith.constant 0 : i32
      %sign3A_126 = arith.cmpi sgt, %jit3A_116, %sign3A_125 : i32
      %sign3A_127 = arith.extui %sign3A_126 : i1 to i32
      %sign3A_128 = arith.constant 0 : i32
      %sign3A_129 = arith.cmpi slt, %jit3A_116, %sign3A_128 : i32
      %sign3A_130 = arith.extui %sign3A_129 : i1 to i32
      %sign3A_131 = arith.subi %sign3A_127, %sign3A_130 : i32
      %ne3A_132 = arith.cmpi ne, %sign3A_124, %sign3A_131 : i32
      %rem3A_133 = arith.remsi %add3A, %jit3A_116 : i32
      %ne3A_134 = arith.constant 0 : i32
      %ne3A_135 = arith.cmpi ne, %rem3A_133, %ne3A_134 : i32
      %and3A_136 = arith.andi %ne3A_132, %ne3A_135 : i1
      %sub3A_137 = arith.constant 1 : i32
      %sub3A_138 = arith.subi %div3A_117, %sub3A_137 : i32
      %select_n3A_139 = arith.select %and3A_136, %sub3A_138, %div3A_117 : i32
      %jit3A_140 = arith.constant 4 : i32
      %eq3A_141 = arith.constant 0 : i32
      %eq3A_142 = arith.cmpi eq, %jit3A_140, %eq3A_141 : i32
      %jit3A_143 = arith.constant 1 : i32
      %select_n3A_144 = arith.select %eq3A_142, %jit3A_143, %jit3A_140 : i32
      %rem3A_145 = arith.remsi %add3A, %select_n3A_144 : i32
      %ne3A_146 = arith.constant 0 : i32
      %ne3A_147 = arith.cmpi ne, %rem3A_145, %ne3A_146 : i32
      %lt3A_148 = arith.constant 0 : i32
      %lt3A_149 = arith.cmpi slt, %rem3A_145, %lt3A_148 : i32
      %lt3A_150 = arith.constant 0 : i32
      %lt3A_151 = arith.cmpi slt, %select_n3A_144, %lt3A_150 : i32
      %ne3A_152 = arith.xori %lt3A_149, %lt3A_151 : i1
      %and3A_153 = arith.andi %ne3A_152, %ne3A_147 : i1
      %add3A_154 = arith.addi %rem3A_145, %select_n3A_144 : i32
      %select_n3A_155 = arith.select %and3A_153, %add3A_154, %rem3A_145 : i32
      %mul3A_156 = arith.constant 16 : i32
      %mul3A_157 = arith.muli %select_n3A_155, %mul3A_156 : i32
      %mul3A_158 = arith.constant 2 : i32
      %mul3A_159 = arith.muli %scan3A_36, %mul3A_158 : i32
      %add3A_160 = arith.addi %mul3A_157, %mul3A_159 : i32
      %mul3A_161 = arith.constant 3 : i32
      %mul3A_162 = arith.muli %select_n3A_139, %mul3A_161 : i32
      %add3A_163 = arith.constant 1 : i32
      %add3A_164 = arith.addi %mul3A_162, %add3A_163 : i32
      %mul3A_165 = arith.constant 64 : i32
      %mul3A_166 = arith.muli %add3A_164, %mul3A_165 : i32
      %add3A_167 = arith.addi %mul3A_166, %add3A_160 : i32
      %mul3A_168 = arith.constant 4096 : i32
      %mul3A_169 = arith.muli %add3A_167, %mul3A_168 : i32
      %multiple_of3A_170 = tpu.assume_multiple %mul3A_169, 8192 : i32
      %dma_start3A_171 = tpu.memref_slice %arg2[%multiple_of3A_170] : memref<6291456xf32, #tpu.memory_space<hbm>> -> memref<8192xf32, #tpu.memory_space<hbm>>
      %dma_start3A_172 = tpu.memref_slice %arg2[%multiple_of3A_170] : memref<6291456xf32, #tpu.memory_space<hbm>> -> memref<8192xf32, #tpu.memory_space<hbm>>
      tpu.enqueue_dma source(%dma_start3A_172 : memref<8192xf32, #tpu.memory_space<hbm>>) target(%arg7 : memref<8192xf32, #tpu.memory_space<vmem>>) target_semaphore(%arg16 : memref<!tpu.dma_semaphore, #tpu.memory_space<semaphore_mem>>)
      %jit3A_173 = arith.constant 4 : i32
      %div3A_174 = arith.divsi %add3A, %jit3A_173 : i32
      %sign3A_175 = arith.constant 0 : i32
      %sign3A_176 = arith.cmpi sgt, %add3A, %sign3A_175 : i32
      %sign3A_177 = arith.extui %sign3A_176 : i1 to i32
      %sign3A_178 = arith.constant 0 : i32
      %sign3A_179 = arith.cmpi slt, %add3A, %sign3A_178 : i32
      %sign3A_180 = arith.extui %sign3A_179 : i1 to i32
      %sign3A_181 = arith.subi %sign3A_177, %sign3A_180 : i32
      %sign3A_182 = arith.constant 0 : i32
      %sign3A_183 = arith.cmpi sgt, %jit3A_173, %sign3A_182 : i32
      %sign3A_184 = arith.extui %sign3A_183 : i1 to i32
      %sign3A_185 = arith.constant 0 : i32
      %sign3A_186 = arith.cmpi slt, %jit3A_173, %sign3A_185 : i32
      %sign3A_187 = arith.extui %sign3A_186 : i1 to i32
      %sign3A_188 = arith.subi %sign3A_184, %sign3A_187 : i32
      %ne3A_189 = arith.cmpi ne, %sign3A_181, %sign3A_188 : i32
      %rem3A_190 = arith.remsi %add3A, %jit3A_173 : i32
      %ne3A_191 = arith.constant 0 : i32
      %ne3A_192 = arith.cmpi ne, %rem3A_190, %ne3A_191 : i32
      %and3A_193 = arith.andi %ne3A_189, %ne3A_192 : i1
      %sub3A_194 = arith.constant 1 : i32
      %sub3A_195 = arith.subi %div3A_174, %sub3A_194 : i32
      %select_n3A_196 = arith.select %and3A_193, %sub3A_195, %div3A_174 : i32
      %jit3A_197 = arith.constant 4 : i32
      %eq3A_198 = arith.constant 0 : i32
      %eq3A_199 = arith.cmpi eq, %jit3A_197, %eq3A_198 : i32
      %jit3A_200 = arith.constant 1 : i32
      %select_n3A_201 = arith.select %eq3A_199, %jit3A_200, %jit3A_197 : i32
      %rem3A_202 = arith.remsi %add3A, %select_n3A_201 : i32
      %ne3A_203 = arith.constant 0 : i32
      %ne3A_204 = arith.cmpi ne, %rem3A_202, %ne3A_203 : i32
      %lt3A_205 = arith.constant 0 : i32
      %lt3A_206 = arith.cmpi slt, %rem3A_202, %lt3A_205 : i32
      %lt3A_207 = arith.constant 0 : i32
      %lt3A_208 = arith.cmpi slt, %select_n3A_201, %lt3A_207 : i32
      %ne3A_209 = arith.xori %lt3A_206, %lt3A_208 : i1
      %and3A_210 = arith.andi %ne3A_209, %ne3A_204 : i1
      %add3A_211 = arith.addi %rem3A_202, %select_n3A_201 : i32
      %select_n3A_212 = arith.select %and3A_210, %add3A_211, %rem3A_202 : i32
      %mul3A_213 = arith.constant 16 : i32
      %mul3A_214 = arith.muli %select_n3A_212, %mul3A_213 : i32
      %mul3A_215 = arith.constant 2 : i32
      %mul3A_216 = arith.muli %scan3A_36, %mul3A_215 : i32
      %add3A_217 = arith.addi %mul3A_214, %mul3A_216 : i32
      %mul3A_218 = arith.constant 3 : i32
      %mul3A_219 = arith.muli %select_n3A_196, %mul3A_218 : i32
      %add3A_220 = arith.constant 2 : i32
      %add3A_221 = arith.addi %mul3A_219, %add3A_220 : i32
      %mul3A_222 = arith.constant 64 : i32
      %mul3A_223 = arith.muli %add3A_221, %mul3A_222 : i32
      %add3A_224 = arith.addi %mul3A_223, %add3A_217 : i32
      %mul3A_225 = arith.constant 4096 : i32
      %mul3A_226 = arith.muli %add3A_224, %mul3A_225 : i32
      %multiple_of3A_227 = tpu.assume_multiple %mul3A_226, 8192 : i32
      %dma_start3A_228 = tpu.memref_slice %arg2[%multiple_of3A_227] : memref<6291456xf32, #tpu.memory_space<hbm>> -> memref<8192xf32, #tpu.memory_space<hbm>>
      %dma_start3A_229 = tpu.memref_slice %arg2[%multiple_of3A_227] : memref<6291456xf32, #tpu.memory_space<hbm>> -> memref<8192xf32, #tpu.memory_space<hbm>>
      tpu.enqueue_dma source(%dma_start3A_229 : memref<8192xf32, #tpu.memory_space<hbm>>) target(%arg8 : memref<8192xf32, #tpu.memory_space<vmem>>) target_semaphore(%arg16 : memref<!tpu.dma_semaphore, #tpu.memory_space<semaphore_mem>>)
      %dma_wait3A = arith.constant 0 : i32
      %dma_wait3A_230 = tpu.memref_slice %arg3[%multiple_of3A_57, %dma_wait3A] : memref<16384x128xi32, #tpu.memory_space<hbm>> -> memref<64x128xi32, #tpu.memory_space<hbm>>
      %dma_wait3A_231 = arith.constant 0 : i32
      %dma_wait3A_232 = tpu.memref_slice %arg3[%multiple_of3A_57, %dma_wait3A_231] : memref<16384x128xi32, #tpu.memory_space<hbm>> -> memref<64x128xi32, #tpu.memory_space<hbm>>
      tpu.wait_dma2 semaphore(%arg16 : memref<!tpu.dma_semaphore, #tpu.memory_space<semaphore_mem>>) src(%dma_wait3A_232 : memref<64x128xi32, #tpu.memory_space<hbm>>) dst(%arg5 : memref<64x128xi32, #tpu.memory_space<vmem>>)
      %dma_wait3A_233 = tpu.memref_slice %arg2[%multiple_of3A_113] : memref<6291456xf32, #tpu.memory_space<hbm>> -> memref<8192xf32, #tpu.memory_space<hbm>>
      %dma_wait3A_234 = tpu.memref_slice %arg2[%multiple_of3A_113] : memref<6291456xf32, #tpu.memory_space<hbm>> -> memref<8192xf32, #tpu.memory_space<hbm>>
      tpu.wait_dma2 semaphore(%arg16 : memref<!tpu.dma_semaphore, #tpu.memory_space<semaphore_mem>>) src(%dma_wait3A_234 : memref<8192xf32, #tpu.memory_space<hbm>>) dst(%arg6 : memref<8192xf32, #tpu.memory_space<vmem>>)
      %dma_wait3A_235 = tpu.memref_slice %arg2[%multiple_of3A_170] : memref<6291456xf32, #tpu.memory_space<hbm>> -> memref<8192xf32, #tpu.memory_space<hbm>>
      %dma_wait3A_236 = tpu.memref_slice %arg2[%multiple_of3A_170] : memref<6291456xf32, #tpu.memory_space<hbm>> -> memref<8192xf32, #tpu.memory_space<hbm>>
      tpu.wait_dma2 semaphore(%arg16 : memref<!tpu.dma_semaphore, #tpu.memory_space<semaphore_mem>>) src(%dma_wait3A_236 : memref<8192xf32, #tpu.memory_space<hbm>>) dst(%arg7 : memref<8192xf32, #tpu.memory_space<vmem>>)
      %dma_wait3A_237 = tpu.memref_slice %arg2[%multiple_of3A_227] : memref<6291456xf32, #tpu.memory_space<hbm>> -> memref<8192xf32, #tpu.memory_space<hbm>>
      %dma_wait3A_238 = tpu.memref_slice %arg2[%multiple_of3A_227] : memref<6291456xf32, #tpu.memory_space<hbm>> -> memref<8192xf32, #tpu.memory_space<hbm>>
      tpu.wait_dma2 semaphore(%arg16 : memref<!tpu.dma_semaphore, #tpu.memory_space<semaphore_mem>>) src(%dma_wait3A_238 : memref<8192xf32, #tpu.memory_space<hbm>>) dst(%arg8 : memref<8192xf32, #tpu.memory_space<vmem>>)
      %scan3A_239 = arith.constant 0 : i32
      %scan3A_240 = arith.constant 0 : i32
      %scan3A_241 = arith.constant 16 : i32
      %scan3A_242 = arith.addi %scan3A_240, %scan3A_241 : i32
      %scan3A_243 = arith.constant 1 : i32
      %scan3A_244 = scf.for %scan3A_247 = %scan3A_240 to %scan3A_242 step %scan3A_243 iter_args(%scan3A_248 = %scan3A_239) -> (i32)  : i32 {
        %mul3A_249 = arith.constant 4 : i32
        %mul3A_250 = arith.muli %scan3A_247, %mul3A_249 : i32
        %add3A_251 = arith.constant 0 : i32
        %add3A_252 = arith.addi %mul3A_250, %add3A_251 : i32
        %shift_right_arithmetic3A = arith.constant 5 : i32
        %shift_right_arithmetic3A_253 = arith.shrsi %add3A_252, %shift_right_arithmetic3A : i32
        %mul3A_254 = arith.constant 32 : i32
        %mul3A_255 = arith.muli %shift_right_arithmetic3A_253, %mul3A_254 : i32
        %and3A_256 = arith.constant 3 : i32
        %and3A_257 = arith.andi %add3A_252, %and3A_256 : i32
        %mul3A_258 = arith.constant 8 : i32
        %mul3A_259 = arith.muli %and3A_257, %mul3A_258 : i32
        %add3A_260 = arith.addi %mul3A_255, %mul3A_259 : i32
        %shift_right_arithmetic3A_261 = arith.constant 2 : i32
        %shift_right_arithmetic3A_262 = arith.shrsi %add3A_252, %shift_right_arithmetic3A_261 : i32
        %and3A_263 = arith.constant 7 : i32
        %and3A_264 = arith.andi %shift_right_arithmetic3A_262, %and3A_263 : i32
        %add3A_265 = arith.addi %add3A_260, %and3A_264 : i32
        %mul3A_266 = arith.constant 128 : i32
        %mul3A_267 = arith.muli %add3A_265, %mul3A_266 : i32
        %multiple_of3A_268 = tpu.assume_multiple %mul3A_267, 128 : i32
        %dma_start3A_269 = tpu.memref_slice %arg6[%multiple_of3A_268] : memref<8192xf32, #tpu.memory_space<vmem>> -> memref<128xf32, #tpu.memory_space<vmem>>
        %dma_start3A_270 = arith.constant 0 : i32
        %dma_start3A_271 = tpu.memref_slice %arg5[%add3A_252, %dma_start3A_270] : memref<64x128xi32, #tpu.memory_space<vmem>> -> memref<1x128xi32, #tpu.memory_space<vmem>>
        %dma_start3A_272 = tpu.memref_squeeze %dma_start3A_271 : memref<1x128xi32, #tpu.memory_space<vmem>> -> memref<128xi32, #tpu.memory_space<vmem>>
        %dma_start3A_273 = arith.constant 0 : i32
        %dma_start3A_274 = tpu.memref_slice %arg11[%dma_start3A_273] : memref<131072xf32, #tpu.memory_space<vmem_shared>> -> memref<131072xf32, #tpu.memory_space<vmem_shared>>
        tpu.enqueue_indirect_dma source(%dma_start3A_269 : memref<128xf32, #tpu.memory_space<vmem>>) target(%dma_start3A_274 : memref<131072xf32, #tpu.memory_space<vmem_shared>>) offsets(%dma_start3A_272 : memref<128xi32, #tpu.memory_space<vmem>>) semaphore(%arg15 : memref<!tpu.dma_semaphore, #tpu.memory_space<semaphore_mem>>) {add = true}
        %dma_start3A_275 = tpu.memref_slice %arg7[%multiple_of3A_268] : memref<8192xf32, #tpu.memory_space<vmem>> -> memref<128xf32, #tpu.memory_space<vmem>>
        %dma_start3A_276 = arith.constant 0 : i32
        %dma_start3A_277 = tpu.memref_slice %arg5[%add3A_252, %dma_start3A_276] : memref<64x128xi32, #tpu.memory_space<vmem>> -> memref<1x128xi32, #tpu.memory_space<vmem>>
        %dma_start3A_278 = tpu.memref_squeeze %dma_start3A_277 : memref<1x128xi32, #tpu.memory_space<vmem>> -> memref<128xi32, #tpu.memory_space<vmem>>
        %dma_start3A_279 = arith.constant 0 : i32
        %dma_start3A_280 = tpu.memref_slice %arg12[%dma_start3A_279] : memref<131072xf32, #tpu.memory_space<vmem_shared>> -> memref<131072xf32, #tpu.memory_space<vmem_shared>>
        tpu.enqueue_indirect_dma source(%dma_start3A_275 : memref<128xf32, #tpu.memory_space<vmem>>) target(%dma_start3A_280 : memref<131072xf32, #tpu.memory_space<vmem_shared>>) offsets(%dma_start3A_278 : memref<128xi32, #tpu.memory_space<vmem>>) semaphore(%arg15 : memref<!tpu.dma_semaphore, #tpu.memory_space<semaphore_mem>>) {add = true}
        %dma_start3A_281 = tpu.memref_slice %arg8[%multiple_of3A_268] : memref<8192xf32, #tpu.memory_space<vmem>> -> memref<128xf32, #tpu.memory_space<vmem>>
        %dma_start3A_282 = arith.constant 0 : i32
        %dma_start3A_283 = tpu.memref_slice %arg5[%add3A_252, %dma_start3A_282] : memref<64x128xi32, #tpu.memory_space<vmem>> -> memref<1x128xi32, #tpu.memory_space<vmem>>
        %dma_start3A_284 = tpu.memref_squeeze %dma_start3A_283 : memref<1x128xi32, #tpu.memory_space<vmem>> -> memref<128xi32, #tpu.memory_space<vmem>>
        %dma_start3A_285 = arith.constant 0 : i32
        %dma_start3A_286 = tpu.memref_slice %arg13[%dma_start3A_285] : memref<131072xf32, #tpu.memory_space<vmem_shared>> -> memref<131072xf32, #tpu.memory_space<vmem_shared>>
        tpu.enqueue_indirect_dma source(%dma_start3A_281 : memref<128xf32, #tpu.memory_space<vmem>>) target(%dma_start3A_286 : memref<131072xf32, #tpu.memory_space<vmem_shared>>) offsets(%dma_start3A_284 : memref<128xi32, #tpu.memory_space<vmem>>) semaphore(%arg15 : memref<!tpu.dma_semaphore, #tpu.memory_space<semaphore_mem>>) {add = true}
        %dma_start3A_287 = arith.constant 0 : i32
        %dma_start3A_288 = tpu.memref_slice %arg9[%dma_start3A_287] : memref<8192xf32, #tpu.memory_space<vmem>> -> memref<128xf32, #tpu.memory_space<vmem>>
        %dma_start3A_289 = arith.constant 0 : i32
        %dma_start3A_290 = tpu.memref_slice %arg5[%add3A_252, %dma_start3A_289] : memref<64x128xi32, #tpu.memory_space<vmem>> -> memref<1x128xi32, #tpu.memory_space<vmem>>
        %dma_start3A_291 = tpu.memref_squeeze %dma_start3A_290 : memref<1x128xi32, #tpu.memory_space<vmem>> -> memref<128xi32, #tpu.memory_space<vmem>>
        %dma_start3A_292 = arith.constant 0 : i32
        %dma_start3A_293 = tpu.memref_slice %arg14[%dma_start3A_292] : memref<131072xf32, #tpu.memory_space<vmem_shared>> -> memref<131072xf32, #tpu.memory_space<vmem_shared>>
        tpu.enqueue_indirect_dma source(%dma_start3A_288 : memref<128xf32, #tpu.memory_space<vmem>>) target(%dma_start3A_293 : memref<131072xf32, #tpu.memory_space<vmem_shared>>) offsets(%dma_start3A_291 : memref<128xi32, #tpu.memory_space<vmem>>) semaphore(%arg15 : memref<!tpu.dma_semaphore, #tpu.memory_space<semaphore_mem>>) {add = true}
        %mul3A_294 = arith.constant 4 : i32
        %mul3A_295 = arith.muli %scan3A_247, %mul3A_294 : i32
        %add3A_296 = arith.constant 1 : i32
        %add3A_297 = arith.addi %mul3A_295, %add3A_296 : i32
        %shift_right_arithmetic3A_298 = arith.constant 5 : i32
        %shift_right_arithmetic3A_299 = arith.shrsi %add3A_297, %shift_right_arithmetic3A_298 : i32
        %mul3A_300 = arith.constant 32 : i32
        %mul3A_301 = arith.muli %shift_right_arithmetic3A_299, %mul3A_300 : i32
        %and3A_302 = arith.constant 3 : i32
        %and3A_303 = arith.andi %add3A_297, %and3A_302 : i32
        %mul3A_304 = arith.constant 8 : i32
        %mul3A_305 = arith.muli %and3A_303, %mul3A_304 : i32
        %add3A_306 = arith.addi %mul3A_301, %mul3A_305 : i32
        %shift_right_arithmetic3A_307 = arith.constant 2 : i32
        %shift_right_arithmetic3A_308 = arith.shrsi %add3A_297, %shift_right_arithmetic3A_307 : i32
        %and3A_309 = arith.constant 7 : i32
        %and3A_310 = arith.andi %shift_right_arithmetic3A_308, %and3A_309 : i32
        %add3A_311 = arith.addi %add3A_306, %and3A_310 : i32
        %mul3A_312 = arith.constant 128 : i32
        %mul3A_313 = arith.muli %add3A_311, %mul3A_312 : i32
        %multiple_of3A_314 = tpu.assume_multiple %mul3A_313, 128 : i32
        %dma_start3A_315 = tpu.memref_slice %arg6[%multiple_of3A_314] : memref<8192xf32, #tpu.memory_space<vmem>> -> memref<128xf32, #tpu.memory_space<vmem>>
        %dma_start3A_316 = arith.constant 0 : i32
        %dma_start3A_317 = tpu.memref_slice %arg5[%add3A_297, %dma_start3A_316] : memref<64x128xi32, #tpu.memory_space<vmem>> -> memref<1x128xi32, #tpu.memory_space<vmem>>
        %dma_start3A_318 = tpu.memref_squeeze %dma_start3A_317 : memref<1x128xi32, #tpu.memory_space<vmem>> -> memref<128xi32, #tpu.memory_space<vmem>>
        %dma_start3A_319 = arith.constant 0 : i32
        %dma_start3A_320 = tpu.memref_slice %arg11[%dma_start3A_319] : memref<131072xf32, #tpu.memory_space<vmem_shared>> -> memref<131072xf32, #tpu.memory_space<vmem_shared>>
        tpu.enqueue_indirect_dma source(%dma_start3A_315 : memref<128xf32, #tpu.memory_space<vmem>>) target(%dma_start3A_320 : memref<131072xf32, #tpu.memory_space<vmem_shared>>) offsets(%dma_start3A_318 : memref<128xi32, #tpu.memory_space<vmem>>) semaphore(%arg15 : memref<!tpu.dma_semaphore, #tpu.memory_space<semaphore_mem>>) {add = true}
        %dma_start3A_321 = tpu.memref_slice %arg7[%multiple_of3A_314] : memref<8192xf32, #tpu.memory_space<vmem>> -> memref<128xf32, #tpu.memory_space<vmem>>
        %dma_start3A_322 = arith.constant 0 : i32
        %dma_start3A_323 = tpu.memref_slice %arg5[%add3A_297, %dma_start3A_322] : memref<64x128xi32, #tpu.memory_space<vmem>> -> memref<1x128xi32, #tpu.memory_space<vmem>>
        %dma_start3A_324 = tpu.memref_squeeze %dma_start3A_323 : memref<1x128xi32, #tpu.memory_space<vmem>> -> memref<128xi32, #tpu.memory_space<vmem>>
        %dma_start3A_325 = arith.constant 0 : i32
        %dma_start3A_326 = tpu.memref_slice %arg12[%dma_start3A_325] : memref<131072xf32, #tpu.memory_space<vmem_shared>> -> memref<131072xf32, #tpu.memory_space<vmem_shared>>
        tpu.enqueue_indirect_dma source(%dma_start3A_321 : memref<128xf32, #tpu.memory_space<vmem>>) target(%dma_start3A_326 : memref<131072xf32, #tpu.memory_space<vmem_shared>>) offsets(%dma_start3A_324 : memref<128xi32, #tpu.memory_space<vmem>>) semaphore(%arg15 : memref<!tpu.dma_semaphore, #tpu.memory_space<semaphore_mem>>) {add = true}
        %dma_start3A_327 = tpu.memref_slice %arg8[%multiple_of3A_314] : memref<8192xf32, #tpu.memory_space<vmem>> -> memref<128xf32, #tpu.memory_space<vmem>>
        %dma_start3A_328 = arith.constant 0 : i32
        %dma_start3A_329 = tpu.memref_slice %arg5[%add3A_297, %dma_start3A_328] : memref<64x128xi32, #tpu.memory_space<vmem>> -> memref<1x128xi32, #tpu.memory_space<vmem>>
        %dma_start3A_330 = tpu.memref_squeeze %dma_start3A_329 : memref<1x128xi32, #tpu.memory_space<vmem>> -> memref<128xi32, #tpu.memory_space<vmem>>
        %dma_start3A_331 = arith.constant 0 : i32
        %dma_start3A_332 = tpu.memref_slice %arg13[%dma_start3A_331] : memref<131072xf32, #tpu.memory_space<vmem_shared>> -> memref<131072xf32, #tpu.memory_space<vmem_shared>>
        tpu.enqueue_indirect_dma source(%dma_start3A_327 : memref<128xf32, #tpu.memory_space<vmem>>) target(%dma_start3A_332 : memref<131072xf32, #tpu.memory_space<vmem_shared>>) offsets(%dma_start3A_330 : memref<128xi32, #tpu.memory_space<vmem>>) semaphore(%arg15 : memref<!tpu.dma_semaphore, #tpu.memory_space<semaphore_mem>>) {add = true}
        %dma_start3A_333 = arith.constant 0 : i32
        %dma_start3A_334 = tpu.memref_slice %arg9[%dma_start3A_333] : memref<8192xf32, #tpu.memory_space<vmem>> -> memref<128xf32, #tpu.memory_space<vmem>>
        %dma_start3A_335 = arith.constant 0 : i32
        %dma_start3A_336 = tpu.memref_slice %arg5[%add3A_297, %dma_start3A_335] : memref<64x128xi32, #tpu.memory_space<vmem>> -> memref<1x128xi32, #tpu.memory_space<vmem>>
        %dma_start3A_337 = tpu.memref_squeeze %dma_start3A_336 : memref<1x128xi32, #tpu.memory_space<vmem>> -> memref<128xi32, #tpu.memory_space<vmem>>
        %dma_start3A_338 = arith.constant 0 : i32
        %dma_start3A_339 = tpu.memref_slice %arg14[%dma_start3A_338] : memref<131072xf32, #tpu.memory_space<vmem_shared>> -> memref<131072xf32, #tpu.memory_space<vmem_shared>>
        tpu.enqueue_indirect_dma source(%dma_start3A_334 : memref<128xf32, #tpu.memory_space<vmem>>) target(%dma_start3A_339 : memref<131072xf32, #tpu.memory_space<vmem_shared>>) offsets(%dma_start3A_337 : memref<128xi32, #tpu.memory_space<vmem>>) semaphore(%arg15 : memref<!tpu.dma_semaphore, #tpu.memory_space<semaphore_mem>>) {add = true}
        %mul3A_340 = arith.constant 4 : i32
        %mul3A_341 = arith.muli %scan3A_247, %mul3A_340 : i32
        %add3A_342 = arith.constant 2 : i32
        %add3A_343 = arith.addi %mul3A_341, %add3A_342 : i32
        %shift_right_arithmetic3A_344 = arith.constant 5 : i32
        %shift_right_arithmetic3A_345 = arith.shrsi %add3A_343, %shift_right_arithmetic3A_344 : i32
        %mul3A_346 = arith.constant 32 : i32
        %mul3A_347 = arith.muli %shift_right_arithmetic3A_345, %mul3A_346 : i32
        %and3A_348 = arith.constant 3 : i32
        %and3A_349 = arith.andi %add3A_343, %and3A_348 : i32
        %mul3A_350 = arith.constant 8 : i32
        %mul3A_351 = arith.muli %and3A_349, %mul3A_350 : i32
        %add3A_352 = arith.addi %mul3A_347, %mul3A_351 : i32
        %shift_right_arithmetic3A_353 = arith.constant 2 : i32
        %shift_right_arithmetic3A_354 = arith.shrsi %add3A_343, %shift_right_arithmetic3A_353 : i32
        %and3A_355 = arith.constant 7 : i32
        %and3A_356 = arith.andi %shift_right_arithmetic3A_354, %and3A_355 : i32
        %add3A_357 = arith.addi %add3A_352, %and3A_356 : i32
        %mul3A_358 = arith.constant 128 : i32
        %mul3A_359 = arith.muli %add3A_357, %mul3A_358 : i32
        %multiple_of3A_360 = tpu.assume_multiple %mul3A_359, 128 : i32
        %dma_start3A_361 = tpu.memref_slice %arg6[%multiple_of3A_360] : memref<8192xf32, #tpu.memory_space<vmem>> -> memref<128xf32, #tpu.memory_space<vmem>>
        %dma_start3A_362 = arith.constant 0 : i32
        %dma_start3A_363 = tpu.memref_slice %arg5[%add3A_343, %dma_start3A_362] : memref<64x128xi32, #tpu.memory_space<vmem>> -> memref<1x128xi32, #tpu.memory_space<vmem>>
        %dma_start3A_364 = tpu.memref_squeeze %dma_start3A_363 : memref<1x128xi32, #tpu.memory_space<vmem>> -> memref<128xi32, #tpu.memory_space<vmem>>
        %dma_start3A_365 = arith.constant 0 : i32
        %dma_start3A_366 = tpu.memref_slice %arg11[%dma_start3A_365] : memref<131072xf32, #tpu.memory_space<vmem_shared>> -> memref<131072xf32, #tpu.memory_space<vmem_shared>>
        tpu.enqueue_indirect_dma source(%dma_start3A_361 : memref<128xf32, #tpu.memory_space<vmem>>) target(%dma_start3A_366 : memref<131072xf32, #tpu.memory_space<vmem_shared>>) offsets(%dma_start3A_364 : memref<128xi32, #tpu.memory_space<vmem>>) semaphore(%arg15 : memref<!tpu.dma_semaphore, #tpu.memory_space<semaphore_mem>>) {add = true}
        %dma_start3A_367 = tpu.memref_slice %arg7[%multiple_of3A_360] : memref<8192xf32, #tpu.memory_space<vmem>> -> memref<128xf32, #tpu.memory_space<vmem>>
        %dma_start3A_368 = arith.constant 0 : i32
        %dma_start3A_369 = tpu.memref_slice %arg5[%add3A_343, %dma_start3A_368] : memref<64x128xi32, #tpu.memory_space<vmem>> -> memref<1x128xi32, #tpu.memory_space<vmem>>
        %dma_start3A_370 = tpu.memref_squeeze %dma_start3A_369 : memref<1x128xi32, #tpu.memory_space<vmem>> -> memref<128xi32, #tpu.memory_space<vmem>>
        %dma_start3A_371 = arith.constant 0 : i32
        %dma_start3A_372 = tpu.memref_slice %arg12[%dma_start3A_371] : memref<131072xf32, #tpu.memory_space<vmem_shared>> -> memref<131072xf32, #tpu.memory_space<vmem_shared>>
        tpu.enqueue_indirect_dma source(%dma_start3A_367 : memref<128xf32, #tpu.memory_space<vmem>>) target(%dma_start3A_372 : memref<131072xf32, #tpu.memory_space<vmem_shared>>) offsets(%dma_start3A_370 : memref<128xi32, #tpu.memory_space<vmem>>) semaphore(%arg15 : memref<!tpu.dma_semaphore, #tpu.memory_space<semaphore_mem>>) {add = true}
        %dma_start3A_373 = tpu.memref_slice %arg8[%multiple_of3A_360] : memref<8192xf32, #tpu.memory_space<vmem>> -> memref<128xf32, #tpu.memory_space<vmem>>
        %dma_start3A_374 = arith.constant 0 : i32
        %dma_start3A_375 = tpu.memref_slice %arg5[%add3A_343, %dma_start3A_374] : memref<64x128xi32, #tpu.memory_space<vmem>> -> memref<1x128xi32, #tpu.memory_space<vmem>>
        %dma_start3A_376 = tpu.memref_squeeze %dma_start3A_375 : memref<1x128xi32, #tpu.memory_space<vmem>> -> memref<128xi32, #tpu.memory_space<vmem>>
        %dma_start3A_377 = arith.constant 0 : i32
        %dma_start3A_378 = tpu.memref_slice %arg13[%dma_start3A_377] : memref<131072xf32, #tpu.memory_space<vmem_shared>> -> memref<131072xf32, #tpu.memory_space<vmem_shared>>
        tpu.enqueue_indirect_dma source(%dma_start3A_373 : memref<128xf32, #tpu.memory_space<vmem>>) target(%dma_start3A_378 : memref<131072xf32, #tpu.memory_space<vmem_shared>>) offsets(%dma_start3A_376 : memref<128xi32, #tpu.memory_space<vmem>>) semaphore(%arg15 : memref<!tpu.dma_semaphore, #tpu.memory_space<semaphore_mem>>) {add = true}
        %dma_start3A_379 = arith.constant 0 : i32
        %dma_start3A_380 = tpu.memref_slice %arg9[%dma_start3A_379] : memref<8192xf32, #tpu.memory_space<vmem>> -> memref<128xf32, #tpu.memory_space<vmem>>
        %dma_start3A_381 = arith.constant 0 : i32
        %dma_start3A_382 = tpu.memref_slice %arg5[%add3A_343, %dma_start3A_381] : memref<64x128xi32, #tpu.memory_space<vmem>> -> memref<1x128xi32, #tpu.memory_space<vmem>>
        %dma_start3A_383 = tpu.memref_squeeze %dma_start3A_382 : memref<1x128xi32, #tpu.memory_space<vmem>> -> memref<128xi32, #tpu.memory_space<vmem>>
        %dma_start3A_384 = arith.constant 0 : i32
        %dma_start3A_385 = tpu.memref_slice %arg14[%dma_start3A_384] : memref<131072xf32, #tpu.memory_space<vmem_shared>> -> memref<131072xf32, #tpu.memory_space<vmem_shared>>
        tpu.enqueue_indirect_dma source(%dma_start3A_380 : memref<128xf32, #tpu.memory_space<vmem>>) target(%dma_start3A_385 : memref<131072xf32, #tpu.memory_space<vmem_shared>>) offsets(%dma_start3A_383 : memref<128xi32, #tpu.memory_space<vmem>>) semaphore(%arg15 : memref<!tpu.dma_semaphore, #tpu.memory_space<semaphore_mem>>) {add = true}
        %mul3A_386 = arith.constant 4 : i32
        %mul3A_387 = arith.muli %scan3A_247, %mul3A_386 : i32
        %add3A_388 = arith.constant 3 : i32
        %add3A_389 = arith.addi %mul3A_387, %add3A_388 : i32
        %shift_right_arithmetic3A_390 = arith.constant 5 : i32
        %shift_right_arithmetic3A_391 = arith.shrsi %add3A_389, %shift_right_arithmetic3A_390 : i32
        %mul3A_392 = arith.constant 32 : i32
        %mul3A_393 = arith.muli %shift_right_arithmetic3A_391, %mul3A_392 : i32
        %and3A_394 = arith.constant 3 : i32
        %and3A_395 = arith.andi %add3A_389, %and3A_394 : i32
        %mul3A_396 = arith.constant 8 : i32
        %mul3A_397 = arith.muli %and3A_395, %mul3A_396 : i32
        %add3A_398 = arith.addi %mul3A_393, %mul3A_397 : i32
        %shift_right_arithmetic3A_399 = arith.constant 2 : i32
        %shift_right_arithmetic3A_400 = arith.shrsi %add3A_389, %shift_right_arithmetic3A_399 : i32
        %and3A_401 = arith.constant 7 : i32
        %and3A_402 = arith.andi %shift_right_arithmetic3A_400, %and3A_401 : i32
        %add3A_403 = arith.addi %add3A_398, %and3A_402 : i32
        %mul3A_404 = arith.constant 128 : i32
        %mul3A_405 = arith.muli %add3A_403, %mul3A_404 : i32
        %multiple_of3A_406 = tpu.assume_multiple %mul3A_405, 128 : i32
        %dma_start3A_407 = tpu.memref_slice %arg6[%multiple_of3A_406] : memref<8192xf32, #tpu.memory_space<vmem>> -> memref<128xf32, #tpu.memory_space<vmem>>
        %dma_start3A_408 = arith.constant 0 : i32
        %dma_start3A_409 = tpu.memref_slice %arg5[%add3A_389, %dma_start3A_408] : memref<64x128xi32, #tpu.memory_space<vmem>> -> memref<1x128xi32, #tpu.memory_space<vmem>>
        %dma_start3A_410 = tpu.memref_squeeze %dma_start3A_409 : memref<1x128xi32, #tpu.memory_space<vmem>> -> memref<128xi32, #tpu.memory_space<vmem>>
        %dma_start3A_411 = arith.constant 0 : i32
        %dma_start3A_412 = tpu.memref_slice %arg11[%dma_start3A_411] : memref<131072xf32, #tpu.memory_space<vmem_shared>> -> memref<131072xf32, #tpu.memory_space<vmem_shared>>
        tpu.enqueue_indirect_dma source(%dma_start3A_407 : memref<128xf32, #tpu.memory_space<vmem>>) target(%dma_start3A_412 : memref<131072xf32, #tpu.memory_space<vmem_shared>>) offsets(%dma_start3A_410 : memref<128xi32, #tpu.memory_space<vmem>>) semaphore(%arg15 : memref<!tpu.dma_semaphore, #tpu.memory_space<semaphore_mem>>) {add = true}
        %dma_start3A_413 = tpu.memref_slice %arg7[%multiple_of3A_406] : memref<8192xf32, #tpu.memory_space<vmem>> -> memref<128xf32, #tpu.memory_space<vmem>>
        %dma_start3A_414 = arith.constant 0 : i32
        %dma_start3A_415 = tpu.memref_slice %arg5[%add3A_389, %dma_start3A_414] : memref<64x128xi32, #tpu.memory_space<vmem>> -> memref<1x128xi32, #tpu.memory_space<vmem>>
        %dma_start3A_416 = tpu.memref_squeeze %dma_start3A_415 : memref<1x128xi32, #tpu.memory_space<vmem>> -> memref<128xi32, #tpu.memory_space<vmem>>
        %dma_start3A_417 = arith.constant 0 : i32
        %dma_start3A_418 = tpu.memref_slice %arg12[%dma_start3A_417] : memref<131072xf32, #tpu.memory_space<vmem_shared>> -> memref<131072xf32, #tpu.memory_space<vmem_shared>>
        tpu.enqueue_indirect_dma source(%dma_start3A_413 : memref<128xf32, #tpu.memory_space<vmem>>) target(%dma_start3A_418 : memref<131072xf32, #tpu.memory_space<vmem_shared>>) offsets(%dma_start3A_416 : memref<128xi32, #tpu.memory_space<vmem>>) semaphore(%arg15 : memref<!tpu.dma_semaphore, #tpu.memory_space<semaphore_mem>>) {add = true}
        %dma_start3A_419 = tpu.memref_slice %arg8[%multiple_of3A_406] : memref<8192xf32, #tpu.memory_space<vmem>> -> memref<128xf32, #tpu.memory_space<vmem>>
        %dma_start3A_420 = arith.constant 0 : i32
        %dma_start3A_421 = tpu.memref_slice %arg5[%add3A_389, %dma_start3A_420] : memref<64x128xi32, #tpu.memory_space<vmem>> -> memref<1x128xi32, #tpu.memory_space<vmem>>
        %dma_start3A_422 = tpu.memref_squeeze %dma_start3A_421 : memref<1x128xi32, #tpu.memory_space<vmem>> -> memref<128xi32, #tpu.memory_space<vmem>>
        %dma_start3A_423 = arith.constant 0 : i32
        %dma_start3A_424 = tpu.memref_slice %arg13[%dma_start3A_423] : memref<131072xf32, #tpu.memory_space<vmem_shared>> -> memref<131072xf32, #tpu.memory_space<vmem_shared>>
        tpu.enqueue_indirect_dma source(%dma_start3A_419 : memref<128xf32, #tpu.memory_space<vmem>>) target(%dma_start3A_424 : memref<131072xf32, #tpu.memory_space<vmem_shared>>) offsets(%dma_start3A_422 : memref<128xi32, #tpu.memory_space<vmem>>) semaphore(%arg15 : memref<!tpu.dma_semaphore, #tpu.memory_space<semaphore_mem>>) {add = true}
        %dma_start3A_425 = arith.constant 0 : i32
        %dma_start3A_426 = tpu.memref_slice %arg9[%dma_start3A_425] : memref<8192xf32, #tpu.memory_space<vmem>> -> memref<128xf32, #tpu.memory_space<vmem>>
        %dma_start3A_427 = arith.constant 0 : i32
        %dma_start3A_428 = tpu.memref_slice %arg5[%add3A_389, %dma_start3A_427] : memref<64x128xi32, #tpu.memory_space<vmem>> -> memref<1x128xi32, #tpu.memory_space<vmem>>
        %dma_start3A_429 = tpu.memref_squeeze %dma_start3A_428 : memref<1x128xi32, #tpu.memory_space<vmem>> -> memref<128xi32, #tpu.memory_space<vmem>>
        %dma_start3A_430 = arith.constant 0 : i32
        %dma_start3A_431 = tpu.memref_slice %arg14[%dma_start3A_430] : memref<131072xf32, #tpu.memory_space<vmem_shared>> -> memref<131072xf32, #tpu.memory_space<vmem_shared>>
        tpu.enqueue_indirect_dma source(%dma_start3A_426 : memref<128xf32, #tpu.memory_space<vmem>>) target(%dma_start3A_431 : memref<131072xf32, #tpu.memory_space<vmem_shared>>) offsets(%dma_start3A_429 : memref<128xi32, #tpu.memory_space<vmem>>) semaphore(%arg15 : memref<!tpu.dma_semaphore, #tpu.memory_space<semaphore_mem>>) {add = true}
        %dma_wait3A_432 = tpu.memref_slice %arg6[%multiple_of3A_268] : memref<8192xf32, #tpu.memory_space<vmem>> -> memref<128xf32, #tpu.memory_space<vmem>>
        %dma_wait3A_433 = arith.constant 0 : i32
        %dma_wait3A_434 = tpu.memref_slice %arg5[%add3A_252, %dma_wait3A_433] : memref<64x128xi32, #tpu.memory_space<vmem>> -> memref<1x128xi32, #tpu.memory_space<vmem>>
        %dma_wait3A_435 = tpu.memref_squeeze %dma_wait3A_434 : memref<1x128xi32, #tpu.memory_space<vmem>> -> memref<128xi32, #tpu.memory_space<vmem>>
        %dma_wait3A_436 = arith.constant 0 : i32
        %dma_wait3A_437 = tpu.memref_slice %arg11[%dma_wait3A_436] : memref<131072xf32, #tpu.memory_space<vmem_shared>> -> memref<131072xf32, #tpu.memory_space<vmem_shared>>
        tpu.wait_indirect_dma semaphore(%arg15 : memref<!tpu.dma_semaphore, #tpu.memory_space<semaphore_mem>>) src(%dma_wait3A_432 : memref<128xf32, #tpu.memory_space<vmem>>) dst(%dma_wait3A_437 : memref<131072xf32, #tpu.memory_space<vmem_shared>>)
        %dma_wait3A_438 = tpu.memref_slice %arg7[%multiple_of3A_268] : memref<8192xf32, #tpu.memory_space<vmem>> -> memref<128xf32, #tpu.memory_space<vmem>>
        %dma_wait3A_439 = arith.constant 0 : i32
        %dma_wait3A_440 = tpu.memref_slice %arg5[%add3A_252, %dma_wait3A_439] : memref<64x128xi32, #tpu.memory_space<vmem>> -> memref<1x128xi32, #tpu.memory_space<vmem>>
        %dma_wait3A_441 = tpu.memref_squeeze %dma_wait3A_440 : memref<1x128xi32, #tpu.memory_space<vmem>> -> memref<128xi32, #tpu.memory_space<vmem>>
        %dma_wait3A_442 = arith.constant 0 : i32
        %dma_wait3A_443 = tpu.memref_slice %arg12[%dma_wait3A_442] : memref<131072xf32, #tpu.memory_space<vmem_shared>> -> memref<131072xf32, #tpu.memory_space<vmem_shared>>
        tpu.wait_indirect_dma semaphore(%arg15 : memref<!tpu.dma_semaphore, #tpu.memory_space<semaphore_mem>>) src(%dma_wait3A_438 : memref<128xf32, #tpu.memory_space<vmem>>) dst(%dma_wait3A_443 : memref<131072xf32, #tpu.memory_space<vmem_shared>>)
        %dma_wait3A_444 = tpu.memref_slice %arg8[%multiple_of3A_268] : memref<8192xf32, #tpu.memory_space<vmem>> -> memref<128xf32, #tpu.memory_space<vmem>>
        %dma_wait3A_445 = arith.constant 0 : i32
        %dma_wait3A_446 = tpu.memref_slice %arg5[%add3A_252, %dma_wait3A_445] : memref<64x128xi32, #tpu.memory_space<vmem>> -> memref<1x128xi32, #tpu.memory_space<vmem>>
        %dma_wait3A_447 = tpu.memref_squeeze %dma_wait3A_446 : memref<1x128xi32, #tpu.memory_space<vmem>> -> memref<128xi32, #tpu.memory_space<vmem>>
        %dma_wait3A_448 = arith.constant 0 : i32
        %dma_wait3A_449 = tpu.memref_slice %arg13[%dma_wait3A_448] : memref<131072xf32, #tpu.memory_space<vmem_shared>> -> memref<131072xf32, #tpu.memory_space<vmem_shared>>
        tpu.wait_indirect_dma semaphore(%arg15 : memref<!tpu.dma_semaphore, #tpu.memory_space<semaphore_mem>>) src(%dma_wait3A_444 : memref<128xf32, #tpu.memory_space<vmem>>) dst(%dma_wait3A_449 : memref<131072xf32, #tpu.memory_space<vmem_shared>>)
        %dma_wait3A_450 = arith.constant 0 : i32
        %dma_wait3A_451 = tpu.memref_slice %arg9[%dma_wait3A_450] : memref<8192xf32, #tpu.memory_space<vmem>> -> memref<128xf32, #tpu.memory_space<vmem>>
        %dma_wait3A_452 = arith.constant 0 : i32
        %dma_wait3A_453 = tpu.memref_slice %arg5[%add3A_252, %dma_wait3A_452] : memref<64x128xi32, #tpu.memory_space<vmem>> -> memref<1x128xi32, #tpu.memory_space<vmem>>
        %dma_wait3A_454 = tpu.memref_squeeze %dma_wait3A_453 : memref<1x128xi32, #tpu.memory_space<vmem>> -> memref<128xi32, #tpu.memory_space<vmem>>
        %dma_wait3A_455 = arith.constant 0 : i32
        %dma_wait3A_456 = tpu.memref_slice %arg14[%dma_wait3A_455] : memref<131072xf32, #tpu.memory_space<vmem_shared>> -> memref<131072xf32, #tpu.memory_space<vmem_shared>>
        tpu.wait_indirect_dma semaphore(%arg15 : memref<!tpu.dma_semaphore, #tpu.memory_space<semaphore_mem>>) src(%dma_wait3A_451 : memref<128xf32, #tpu.memory_space<vmem>>) dst(%dma_wait3A_456 : memref<131072xf32, #tpu.memory_space<vmem_shared>>)
        %dma_wait3A_457 = tpu.memref_slice %arg6[%multiple_of3A_314] : memref<8192xf32, #tpu.memory_space<vmem>> -> memref<128xf32, #tpu.memory_space<vmem>>
        %dma_wait3A_458 = arith.constant 0 : i32
        %dma_wait3A_459 = tpu.memref_slice %arg5[%add3A_297, %dma_wait3A_458] : memref<64x128xi32, #tpu.memory_space<vmem>> -> memref<1x128xi32, #tpu.memory_space<vmem>>
        %dma_wait3A_460 = tpu.memref_squeeze %dma_wait3A_459 : memref<1x128xi32, #tpu.memory_space<vmem>> -> memref<128xi32, #tpu.memory_space<vmem>>
        %dma_wait3A_461 = arith.constant 0 : i32
        %dma_wait3A_462 = tpu.memref_slice %arg11[%dma_wait3A_461] : memref<131072xf32, #tpu.memory_space<vmem_shared>> -> memref<131072xf32, #tpu.memory_space<vmem_shared>>
        tpu.wait_indirect_dma semaphore(%arg15 : memref<!tpu.dma_semaphore, #tpu.memory_space<semaphore_mem>>) src(%dma_wait3A_457 : memref<128xf32, #tpu.memory_space<vmem>>) dst(%dma_wait3A_462 : memref<131072xf32, #tpu.memory_space<vmem_shared>>)
        %dma_wait3A_463 = tpu.memref_slice %arg7[%multiple_of3A_314] : memref<8192xf32, #tpu.memory_space<vmem>> -> memref<128xf32, #tpu.memory_space<vmem>>
        %dma_wait3A_464 = arith.constant 0 : i32
        %dma_wait3A_465 = tpu.memref_slice %arg5[%add3A_297, %dma_wait3A_464] : memref<64x128xi32, #tpu.memory_space<vmem>> -> memref<1x128xi32, #tpu.memory_space<vmem>>
        %dma_wait3A_466 = tpu.memref_squeeze %dma_wait3A_465 : memref<1x128xi32, #tpu.memory_space<vmem>> -> memref<128xi32, #tpu.memory_space<vmem>>
        %dma_wait3A_467 = arith.constant 0 : i32
        %dma_wait3A_468 = tpu.memref_slice %arg12[%dma_wait3A_467] : memref<131072xf32, #tpu.memory_space<vmem_shared>> -> memref<131072xf32, #tpu.memory_space<vmem_shared>>
        tpu.wait_indirect_dma semaphore(%arg15 : memref<!tpu.dma_semaphore, #tpu.memory_space<semaphore_mem>>) src(%dma_wait3A_463 : memref<128xf32, #tpu.memory_space<vmem>>) dst(%dma_wait3A_468 : memref<131072xf32, #tpu.memory_space<vmem_shared>>)
        %dma_wait3A_469 = tpu.memref_slice %arg8[%multiple_of3A_314] : memref<8192xf32, #tpu.memory_space<vmem>> -> memref<128xf32, #tpu.memory_space<vmem>>
        %dma_wait3A_470 = arith.constant 0 : i32
        %dma_wait3A_471 = tpu.memref_slice %arg5[%add3A_297, %dma_wait3A_470] : memref<64x128xi32, #tpu.memory_space<vmem>> -> memref<1x128xi32, #tpu.memory_space<vmem>>
        %dma_wait3A_472 = tpu.memref_squeeze %dma_wait3A_471 : memref<1x128xi32, #tpu.memory_space<vmem>> -> memref<128xi32, #tpu.memory_space<vmem>>
        %dma_wait3A_473 = arith.constant 0 : i32
        %dma_wait3A_474 = tpu.memref_slice %arg13[%dma_wait3A_473] : memref<131072xf32, #tpu.memory_space<vmem_shared>> -> memref<131072xf32, #tpu.memory_space<vmem_shared>>
        tpu.wait_indirect_dma semaphore(%arg15 : memref<!tpu.dma_semaphore, #tpu.memory_space<semaphore_mem>>) src(%dma_wait3A_469 : memref<128xf32, #tpu.memory_space<vmem>>) dst(%dma_wait3A_474 : memref<131072xf32, #tpu.memory_space<vmem_shared>>)
        %dma_wait3A_475 = arith.constant 0 : i32
        %dma_wait3A_476 = tpu.memref_slice %arg9[%dma_wait3A_475] : memref<8192xf32, #tpu.memory_space<vmem>> -> memref<128xf32, #tpu.memory_space<vmem>>
        %dma_wait3A_477 = arith.constant 0 : i32
        %dma_wait3A_478 = tpu.memref_slice %arg5[%add3A_297, %dma_wait3A_477] : memref<64x128xi32, #tpu.memory_space<vmem>> -> memref<1x128xi32, #tpu.memory_space<vmem>>
        %dma_wait3A_479 = tpu.memref_squeeze %dma_wait3A_478 : memref<1x128xi32, #tpu.memory_space<vmem>> -> memref<128xi32, #tpu.memory_space<vmem>>
        %dma_wait3A_480 = arith.constant 0 : i32
        %dma_wait3A_481 = tpu.memref_slice %arg14[%dma_wait3A_480] : memref<131072xf32, #tpu.memory_space<vmem_shared>> -> memref<131072xf32, #tpu.memory_space<vmem_shared>>
        tpu.wait_indirect_dma semaphore(%arg15 : memref<!tpu.dma_semaphore, #tpu.memory_space<semaphore_mem>>) src(%dma_wait3A_476 : memref<128xf32, #tpu.memory_space<vmem>>) dst(%dma_wait3A_481 : memref<131072xf32, #tpu.memory_space<vmem_shared>>)
        %dma_wait3A_482 = tpu.memref_slice %arg6[%multiple_of3A_360] : memref<8192xf32, #tpu.memory_space<vmem>> -> memref<128xf32, #tpu.memory_space<vmem>>
        %dma_wait3A_483 = arith.constant 0 : i32
        %dma_wait3A_484 = tpu.memref_slice %arg5[%add3A_343, %dma_wait3A_483] : memref<64x128xi32, #tpu.memory_space<vmem>> -> memref<1x128xi32, #tpu.memory_space<vmem>>
        %dma_wait3A_485 = tpu.memref_squeeze %dma_wait3A_484 : memref<1x128xi32, #tpu.memory_space<vmem>> -> memref<128xi32, #tpu.memory_space<vmem>>
        %dma_wait3A_486 = arith.constant 0 : i32
        %dma_wait3A_487 = tpu.memref_slice %arg11[%dma_wait3A_486] : memref<131072xf32, #tpu.memory_space<vmem_shared>> -> memref<131072xf32, #tpu.memory_space<vmem_shared>>
        tpu.wait_indirect_dma semaphore(%arg15 : memref<!tpu.dma_semaphore, #tpu.memory_space<semaphore_mem>>) src(%dma_wait3A_482 : memref<128xf32, #tpu.memory_space<vmem>>) dst(%dma_wait3A_487 : memref<131072xf32, #tpu.memory_space<vmem_shared>>)
        %dma_wait3A_488 = tpu.memref_slice %arg7[%multiple_of3A_360] : memref<8192xf32, #tpu.memory_space<vmem>> -> memref<128xf32, #tpu.memory_space<vmem>>
        %dma_wait3A_489 = arith.constant 0 : i32
        %dma_wait3A_490 = tpu.memref_slice %arg5[%add3A_343, %dma_wait3A_489] : memref<64x128xi32, #tpu.memory_space<vmem>> -> memref<1x128xi32, #tpu.memory_space<vmem>>
        %dma_wait3A_491 = tpu.memref_squeeze %dma_wait3A_490 : memref<1x128xi32, #tpu.memory_space<vmem>> -> memref<128xi32, #tpu.memory_space<vmem>>
        %dma_wait3A_492 = arith.constant 0 : i32
        %dma_wait3A_493 = tpu.memref_slice %arg12[%dma_wait3A_492] : memref<131072xf32, #tpu.memory_space<vmem_shared>> -> memref<131072xf32, #tpu.memory_space<vmem_shared>>
        tpu.wait_indirect_dma semaphore(%arg15 : memref<!tpu.dma_semaphore, #tpu.memory_space<semaphore_mem>>) src(%dma_wait3A_488 : memref<128xf32, #tpu.memory_space<vmem>>) dst(%dma_wait3A_493 : memref<131072xf32, #tpu.memory_space<vmem_shared>>)
        %dma_wait3A_494 = tpu.memref_slice %arg8[%multiple_of3A_360] : memref<8192xf32, #tpu.memory_space<vmem>> -> memref<128xf32, #tpu.memory_space<vmem>>
        %dma_wait3A_495 = arith.constant 0 : i32
        %dma_wait3A_496 = tpu.memref_slice %arg5[%add3A_343, %dma_wait3A_495] : memref<64x128xi32, #tpu.memory_space<vmem>> -> memref<1x128xi32, #tpu.memory_space<vmem>>
        %dma_wait3A_497 = tpu.memref_squeeze %dma_wait3A_496 : memref<1x128xi32, #tpu.memory_space<vmem>> -> memref<128xi32, #tpu.memory_space<vmem>>
        %dma_wait3A_498 = arith.constant 0 : i32
        %dma_wait3A_499 = tpu.memref_slice %arg13[%dma_wait3A_498] : memref<131072xf32, #tpu.memory_space<vmem_shared>> -> memref<131072xf32, #tpu.memory_space<vmem_shared>>
        tpu.wait_indirect_dma semaphore(%arg15 : memref<!tpu.dma_semaphore, #tpu.memory_space<semaphore_mem>>) src(%dma_wait3A_494 : memref<128xf32, #tpu.memory_space<vmem>>) dst(%dma_wait3A_499 : memref<131072xf32, #tpu.memory_space<vmem_shared>>)
        %dma_wait3A_500 = arith.constant 0 : i32
        %dma_wait3A_501 = tpu.memref_slice %arg9[%dma_wait3A_500] : memref<8192xf32, #tpu.memory_space<vmem>> -> memref<128xf32, #tpu.memory_space<vmem>>
        %dma_wait3A_502 = arith.constant 0 : i32
        %dma_wait3A_503 = tpu.memref_slice %arg5[%add3A_343, %dma_wait3A_502] : memref<64x128xi32, #tpu.memory_space<vmem>> -> memref<1x128xi32, #tpu.memory_space<vmem>>
        %dma_wait3A_504 = tpu.memref_squeeze %dma_wait3A_503 : memref<1x128xi32, #tpu.memory_space<vmem>> -> memref<128xi32, #tpu.memory_space<vmem>>
        %dma_wait3A_505 = arith.constant 0 : i32
        %dma_wait3A_506 = tpu.memref_slice %arg14[%dma_wait3A_505] : memref<131072xf32, #tpu.memory_space<vmem_shared>> -> memref<131072xf32, #tpu.memory_space<vmem_shared>>
        tpu.wait_indirect_dma semaphore(%arg15 : memref<!tpu.dma_semaphore, #tpu.memory_space<semaphore_mem>>) src(%dma_wait3A_501 : memref<128xf32, #tpu.memory_space<vmem>>) dst(%dma_wait3A_506 : memref<131072xf32, #tpu.memory_space<vmem_shared>>)
        %dma_wait3A_507 = tpu.memref_slice %arg6[%multiple_of3A_406] : memref<8192xf32, #tpu.memory_space<vmem>> -> memref<128xf32, #tpu.memory_space<vmem>>
        %dma_wait3A_508 = arith.constant 0 : i32
        %dma_wait3A_509 = tpu.memref_slice %arg5[%add3A_389, %dma_wait3A_508] : memref<64x128xi32, #tpu.memory_space<vmem>> -> memref<1x128xi32, #tpu.memory_space<vmem>>
        %dma_wait3A_510 = tpu.memref_squeeze %dma_wait3A_509 : memref<1x128xi32, #tpu.memory_space<vmem>> -> memref<128xi32, #tpu.memory_space<vmem>>
        %dma_wait3A_511 = arith.constant 0 : i32
        %dma_wait3A_512 = tpu.memref_slice %arg11[%dma_wait3A_511] : memref<131072xf32, #tpu.memory_space<vmem_shared>> -> memref<131072xf32, #tpu.memory_space<vmem_shared>>
        tpu.wait_indirect_dma semaphore(%arg15 : memref<!tpu.dma_semaphore, #tpu.memory_space<semaphore_mem>>) src(%dma_wait3A_507 : memref<128xf32, #tpu.memory_space<vmem>>) dst(%dma_wait3A_512 : memref<131072xf32, #tpu.memory_space<vmem_shared>>)
        %dma_wait3A_513 = tpu.memref_slice %arg7[%multiple_of3A_406] : memref<8192xf32, #tpu.memory_space<vmem>> -> memref<128xf32, #tpu.memory_space<vmem>>
        %dma_wait3A_514 = arith.constant 0 : i32
        %dma_wait3A_515 = tpu.memref_slice %arg5[%add3A_389, %dma_wait3A_514] : memref<64x128xi32, #tpu.memory_space<vmem>> -> memref<1x128xi32, #tpu.memory_space<vmem>>
        %dma_wait3A_516 = tpu.memref_squeeze %dma_wait3A_515 : memref<1x128xi32, #tpu.memory_space<vmem>> -> memref<128xi32, #tpu.memory_space<vmem>>
        %dma_wait3A_517 = arith.constant 0 : i32
        %dma_wait3A_518 = tpu.memref_slice %arg12[%dma_wait3A_517] : memref<131072xf32, #tpu.memory_space<vmem_shared>> -> memref<131072xf32, #tpu.memory_space<vmem_shared>>
        tpu.wait_indirect_dma semaphore(%arg15 : memref<!tpu.dma_semaphore, #tpu.memory_space<semaphore_mem>>) src(%dma_wait3A_513 : memref<128xf32, #tpu.memory_space<vmem>>) dst(%dma_wait3A_518 : memref<131072xf32, #tpu.memory_space<vmem_shared>>)
        %dma_wait3A_519 = tpu.memref_slice %arg8[%multiple_of3A_406] : memref<8192xf32, #tpu.memory_space<vmem>> -> memref<128xf32, #tpu.memory_space<vmem>>
        %dma_wait3A_520 = arith.constant 0 : i32
        %dma_wait3A_521 = tpu.memref_slice %arg5[%add3A_389, %dma_wait3A_520] : memref<64x128xi32, #tpu.memory_space<vmem>> -> memref<1x128xi32, #tpu.memory_space<vmem>>
        %dma_wait3A_522 = tpu.memref_squeeze %dma_wait3A_521 : memref<1x128xi32, #tpu.memory_space<vmem>> -> memref<128xi32, #tpu.memory_space<vmem>>
        %dma_wait3A_523 = arith.constant 0 : i32
        %dma_wait3A_524 = tpu.memref_slice %arg13[%dma_wait3A_523] : memref<131072xf32, #tpu.memory_space<vmem_shared>> -> memref<131072xf32, #tpu.memory_space<vmem_shared>>
        tpu.wait_indirect_dma semaphore(%arg15 : memref<!tpu.dma_semaphore, #tpu.memory_space<semaphore_mem>>) src(%dma_wait3A_519 : memref<128xf32, #tpu.memory_space<vmem>>) dst(%dma_wait3A_524 : memref<131072xf32, #tpu.memory_space<vmem_shared>>)
        %dma_wait3A_525 = arith.constant 0 : i32
        %dma_wait3A_526 = tpu.memref_slice %arg9[%dma_wait3A_525] : memref<8192xf32, #tpu.memory_space<vmem>> -> memref<128xf32, #tpu.memory_space<vmem>>
        %dma_wait3A_527 = arith.constant 0 : i32
        %dma_wait3A_528 = tpu.memref_slice %arg5[%add3A_389, %dma_wait3A_527] : memref<64x128xi32, #tpu.memory_space<vmem>> -> memref<1x128xi32, #tpu.memory_space<vmem>>
        %dma_wait3A_529 = tpu.memref_squeeze %dma_wait3A_528 : memref<1x128xi32, #tpu.memory_space<vmem>> -> memref<128xi32, #tpu.memory_space<vmem>>
        %dma_wait3A_530 = arith.constant 0 : i32
        %dma_wait3A_531 = tpu.memref_slice %arg14[%dma_wait3A_530] : memref<131072xf32, #tpu.memory_space<vmem_shared>> -> memref<131072xf32, #tpu.memory_space<vmem_shared>>
        tpu.wait_indirect_dma semaphore(%arg15 : memref<!tpu.dma_semaphore, #tpu.memory_space<semaphore_mem>>) src(%dma_wait3A_526 : memref<128xf32, #tpu.memory_space<vmem>>) dst(%dma_wait3A_531 : memref<131072xf32, #tpu.memory_space<vmem_shared>>)
        %scan3A_532 = arith.constant 0 : i32
        scf.yield %scan3A_532 : i32
      }
      %scan3A_245 = arith.constant 16 : i32
      %scan3A_246 = arith.constant 0 : i32
      scf.yield %scan3A_246 : i32
    }
    %scan3A_22 = arith.constant 8 : i32
    %barrier3A_23 = arith.constant 0 : index
    tpu.barrier barrier_id(%barrier3A_23)
    %scan3A_24 = arith.constant 0 : i32
    %scan3A_25 = arith.constant 0 : i32
    %mul3A_26 = arith.constant 8192 : i32
    %mul3A_27 = arith.muli %arg1, %mul3A_26 : i32
    %mul3A_28 = arith.constant 8192 : i32
    %mul3A_29 = arith.muli %scan3A_25, %mul3A_28 : i32
    %add3A_30 = arith.addi %mul3A_27, %mul3A_29 : i32
    %multiple_of3A = tpu.assume_multiple %add3A_30, 8192 : i32
    %run_scoped3A = arith.constant 0 : i32
    "tpu.region"() ({
      %run_scoped3A_36 = tpu.sem_alloc : memref<!tpu.dma_semaphore, #tpu.memory_space<semaphore_mem>>
      %dma_start3A = tpu.memref_slice %arg4[%arg0, %run_scoped3A, %multiple_of3A] : memref<2x4x131072xf32, #tpu.memory_space<hbm>> -> memref<1x1x8192xf32, #tpu.memory_space<hbm>>
      %dma_start3A_37 = tpu.memref_squeeze %dma_start3A : memref<1x1x8192xf32, #tpu.memory_space<hbm>> -> memref<8192xf32, #tpu.memory_space<hbm>>
      %dma_start3A_38 = tpu.memref_slice %arg11[%multiple_of3A] : memref<131072xf32, #tpu.memory_space<vmem_shared>> -> memref<8192xf32, #tpu.memory_space<vmem_shared>>
      tpu.enqueue_dma source(%dma_start3A_38 : memref<8192xf32, #tpu.memory_space<vmem_shared>>) target(%dma_start3A_37 : memref<8192xf32, #tpu.memory_space<hbm>>) target_semaphore(%run_scoped3A_36 : memref<!tpu.dma_semaphore, #tpu.memory_space<semaphore_mem>>)
      %dma_wait3A = tpu.memref_slice %arg4[%arg0, %run_scoped3A, %multiple_of3A] : memref<2x4x131072xf32, #tpu.memory_space<hbm>> -> memref<1x1x8192xf32, #tpu.memory_space<hbm>>
      %dma_wait3A_39 = tpu.memref_squeeze %dma_wait3A : memref<1x1x8192xf32, #tpu.memory_space<hbm>> -> memref<8192xf32, #tpu.memory_space<hbm>>
      %dma_wait3A_40 = tpu.memref_slice %arg11[%multiple_of3A] : memref<131072xf32, #tpu.memory_space<vmem_shared>> -> memref<8192xf32, #tpu.memory_space<vmem_shared>>
      tpu.wait_dma2 semaphore(%run_scoped3A_36 : memref<!tpu.dma_semaphore, #tpu.memory_space<semaphore_mem>>) src(%dma_wait3A_40 : memref<8192xf32, #tpu.memory_space<vmem_shared>>) dst(%dma_wait3A_39 : memref<8192xf32, #tpu.memory_space<hbm>>)
      tpu.yield
    }) : () -> ()
    %run_scoped3A_31 = arith.constant 1 : i32
    "tpu.region"() ({
      %run_scoped3A_36 = tpu.sem_alloc : memref<!tpu.dma_semaphore, #tpu.memory_space<semaphore_mem>>
      %dma_start3A = tpu.memref_slice %arg4[%arg0, %run_scoped3A_31, %multiple_of3A] : memref<2x4x131072xf32, #tpu.memory_space<hbm>> -> memref<1x1x8192xf32, #tpu.memory_space<hbm>>
      %dma_start3A_37 = tpu.memref_squeeze %dma_start3A : memref<1x1x8192xf32, #tpu.memory_space<hbm>> -> memref<8192xf32, #tpu.memory_space<hbm>>
      %dma_start3A_38 = tpu.memref_slice %arg12[%multiple_of3A] : memref<131072xf32, #tpu.memory_space<vmem_shared>> -> memref<8192xf32, #tpu.memory_space<vmem_shared>>
      tpu.enqueue_dma source(%dma_start3A_38 : memref<8192xf32, #tpu.memory_space<vmem_shared>>) target(%dma_start3A_37 : memref<8192xf32, #tpu.memory_space<hbm>>) target_semaphore(%run_scoped3A_36 : memref<!tpu.dma_semaphore, #tpu.memory_space<semaphore_mem>>)
      %dma_wait3A = tpu.memref_slice %arg4[%arg0, %run_scoped3A_31, %multiple_of3A] : memref<2x4x131072xf32, #tpu.memory_space<hbm>> -> memref<1x1x8192xf32, #tpu.memory_space<hbm>>
      %dma_wait3A_39 = tpu.memref_squeeze %dma_wait3A : memref<1x1x8192xf32, #tpu.memory_space<hbm>> -> memref<8192xf32, #tpu.memory_space<hbm>>
      %dma_wait3A_40 = tpu.memref_slice %arg12[%multiple_of3A] : memref<131072xf32, #tpu.memory_space<vmem_shared>> -> memref<8192xf32, #tpu.memory_space<vmem_shared>>
      tpu.wait_dma2 semaphore(%run_scoped3A_36 : memref<!tpu.dma_semaphore, #tpu.memory_space<semaphore_mem>>) src(%dma_wait3A_40 : memref<8192xf32, #tpu.memory_space<vmem_shared>>) dst(%dma_wait3A_39 : memref<8192xf32, #tpu.memory_space<hbm>>)
      tpu.yield
    }) : () -> ()
    %run_scoped3A_32 = arith.constant 2 : i32
    "tpu.region"() ({
      %run_scoped3A_36 = tpu.sem_alloc : memref<!tpu.dma_semaphore, #tpu.memory_space<semaphore_mem>>
      %dma_start3A = tpu.memref_slice %arg4[%arg0, %run_scoped3A_32, %multiple_of3A] : memref<2x4x131072xf32, #tpu.memory_space<hbm>> -> memref<1x1x8192xf32, #tpu.memory_space<hbm>>
      %dma_start3A_37 = tpu.memref_squeeze %dma_start3A : memref<1x1x8192xf32, #tpu.memory_space<hbm>> -> memref<8192xf32, #tpu.memory_space<hbm>>
      %dma_start3A_38 = tpu.memref_slice %arg13[%multiple_of3A] : memref<131072xf32, #tpu.memory_space<vmem_shared>> -> memref<8192xf32, #tpu.memory_space<vmem_shared>>
      tpu.enqueue_dma source(%dma_start3A_38 : memref<8192xf32, #tpu.memory_space<vmem_shared>>) target(%dma_start3A_37 : memref<8192xf32, #tpu.memory_space<hbm>>) target_semaphore(%run_scoped3A_36 : memref<!tpu.dma_semaphore, #tpu.memory_space<semaphore_mem>>)
      %dma_wait3A = tpu.memref_slice %arg4[%arg0, %run_scoped3A_32, %multiple_of3A] : memref<2x4x131072xf32, #tpu.memory_space<hbm>> -> memref<1x1x8192xf32, #tpu.memory_space<hbm>>
      %dma_wait3A_39 = tpu.memref_squeeze %dma_wait3A : memref<1x1x8192xf32, #tpu.memory_space<hbm>> -> memref<8192xf32, #tpu.memory_space<hbm>>
      %dma_wait3A_40 = tpu.memref_slice %arg13[%multiple_of3A] : memref<131072xf32, #tpu.memory_space<vmem_shared>> -> memref<8192xf32, #tpu.memory_space<vmem_shared>>
      tpu.wait_dma2 semaphore(%run_scoped3A_36 : memref<!tpu.dma_semaphore, #tpu.memory_space<semaphore_mem>>) src(%dma_wait3A_40 : memref<8192xf32, #tpu.memory_space<vmem_shared>>) dst(%dma_wait3A_39 : memref<8192xf32, #tpu.memory_space<hbm>>)
      tpu.yield
    }) : () -> ()
    %run_scoped3A_33 = arith.constant 3 : i32
    "tpu.region"() ({
      %run_scoped3A_36 = tpu.sem_alloc : memref<!tpu.dma_semaphore, #tpu.memory_space<semaphore_mem>>
      %dma_start3A = tpu.memref_slice %arg4[%arg0, %run_scoped3A_33, %multiple_of3A] : memref<2x4x131072xf32, #tpu.memory_space<hbm>> -> memref<1x1x8192xf32, #tpu.memory_space<hbm>>
      %dma_start3A_37 = tpu.memref_squeeze %dma_start3A : memref<1x1x8192xf32, #tpu.memory_space<hbm>> -> memref<8192xf32, #tpu.memory_space<hbm>>
      %dma_start3A_38 = tpu.memref_slice %arg14[%multiple_of3A] : memref<131072xf32, #tpu.memory_space<vmem_shared>> -> memref<8192xf32, #tpu.memory_space<vmem_shared>>
      tpu.enqueue_dma source(%dma_start3A_38 : memref<8192xf32, #tpu.memory_space<vmem_shared>>) target(%dma_start3A_37 : memref<8192xf32, #tpu.memory_space<hbm>>) target_semaphore(%run_scoped3A_36 : memref<!tpu.dma_semaphore, #tpu.memory_space<semaphore_mem>>)
      %dma_wait3A = tpu.memref_slice %arg4[%arg0, %run_scoped3A_33, %multiple_of3A] : memref<2x4x131072xf32, #tpu.memory_space<hbm>> -> memref<1x1x8192xf32, #tpu.memory_space<hbm>>
      %dma_wait3A_39 = tpu.memref_squeeze %dma_wait3A : memref<1x1x8192xf32, #tpu.memory_space<hbm>> -> memref<8192xf32, #tpu.memory_space<hbm>>
      %dma_wait3A_40 = tpu.memref_slice %arg14[%multiple_of3A] : memref<131072xf32, #tpu.memory_space<vmem_shared>> -> memref<8192xf32, #tpu.memory_space<vmem_shared>>
      tpu.wait_dma2 semaphore(%run_scoped3A_36 : memref<!tpu.dma_semaphore, #tpu.memory_space<semaphore_mem>>) src(%dma_wait3A_40 : memref<8192xf32, #tpu.memory_space<vmem_shared>>) dst(%dma_wait3A_39 : memref<8192xf32, #tpu.memory_space<hbm>>)
      tpu.yield
    }) : () -> ()
    %scan3A_34 = arith.constant 0 : i32
    %scan3A_35 = arith.constant 1 : i32
    return
  }
}

#map = affine_map<(d0, d1) -> (0)>
#map1 = affine_map<(d0, d1) -> (0, 0)>
#map2 = affine_map<(d0, d1) -> (0, 0, 0)>
module attributes {stable_mosaic.version = 14 : i64} {
  func.func @_apply_body(%arg0: i32, %arg1: i32, %arg2: memref<6291456xf32, #tpu.memory_space<hbm>>, %arg3: memref<16384x128xi32, #tpu.memory_space<hbm>>, %arg4: memref<2x4x131072xf32, #tpu.memory_space<hbm>>, %arg5: memref<524288xf32, #tpu.memory_space<hbm>>, %arg6: memref<8388608xf32, #tpu.memory_space<hbm>>, %arg7: memref<64x128xi32, #tpu.memory_space<vmem>>, %arg8: memref<8192xf32, #tpu.memory_space<vmem>>, %arg9: memref<8192xf32, #tpu.memory_space<vmem>>, %arg10: memref<8192xf32, #tpu.memory_space<vmem>>, %arg11: memref<8192xi32, #tpu.memory_space<vmem>>, %arg12: memref<8192xf32, #tpu.memory_space<vmem>>, %arg13: memref<2048xf32, #tpu.memory_space<vmem>>, %arg14: memref<2048xf32, #tpu.memory_space<vmem>>, %arg15: memref<2048xf32, #tpu.memory_space<vmem>>, %arg16: memref<2048xf32, #tpu.memory_space<vmem>>, %arg17: memref<8192xf32, #tpu.memory_space<vmem>>, %arg18: memref<2048xi32, #tpu.memory_space<vmem>>, %arg19: memref<32768xf32, #tpu.memory_space<vmem>>, %arg20: memref<131072xi32, #tpu.memory_space<vmem_shared>>, %arg21: memref<131072xf32, #tpu.memory_space<vmem_shared>>, %arg22: memref<!tpu.dma_semaphore, #tpu.memory_space<semaphore_mem>>, %arg23: memref<!tpu.dma_semaphore, #tpu.memory_space<semaphore_mem>>) attributes {dimension_semantics = [#tpu.dimension_semantics<core_parallel>, #tpu.dimension_semantics<subcore_parallel>], iteration_bounds = array<i64: 2, 16>, scalar_prefetch = 0 : i64, scratch_operands = 17 : i64, tpu.core_type = #tpu.core_type<sc_vector_subcore>, window_params = [{transform_indices = #map}, {transform_indices = #map1}, {transform_indices = #map2}, {transform_indices = #map}, {transform_indices = #map}]} {
    %mul3A = arith.constant 2 : i32
    %mul3A_0 = arith.muli %arg1, %mul3A : i32
    %add3A = arith.addi %mul3A_0, %arg0 : i32
    %scan3A = arith.constant 0 : i32
    %scan3A_1 = arith.constant 0 : i32
    %scan3A_2 = arith.constant 4 : i32
    %scan3A_3 = arith.addi %scan3A_1, %scan3A_2 : i32
    %scan3A_4 = arith.constant 1 : i32
    %scan3A_5 = scf.for %scan3A_16 = %scan3A_1 to %scan3A_3 step %scan3A_4 iter_args(%scan3A_17 = %scan3A) -> (i32)  : i32 {
      %mul3A_18 = arith.constant 8192 : i32
      %mul3A_19 = arith.muli %arg1, %mul3A_18 : i32
      %mul3A_20 = arith.constant 2048 : i32
      %mul3A_21 = arith.muli %scan3A_16, %mul3A_20 : i32
      %add3A_22 = arith.addi %mul3A_19, %mul3A_21 : i32
      %multiple_of3A = tpu.assume_multiple %add3A_22, 2048 : i32
      %run_scoped3A = arith.constant 0 : i32
      %run_scoped3A_23 = arith.constant 3 : i32
      "tpu.region"() ({
        %run_scoped3A_70 = tpu.sem_alloc : memref<!tpu.dma_semaphore, #tpu.memory_space<semaphore_mem>>
        %dma_start3A = tpu.memref_slice %arg4[%run_scoped3A, %run_scoped3A_23, %multiple_of3A] : memref<2x4x131072xf32, #tpu.memory_space<hbm>> -> memref<1x1x2048xf32, #tpu.memory_space<hbm>>
        %dma_start3A_71 = tpu.memref_squeeze %dma_start3A : memref<1x1x2048xf32, #tpu.memory_space<hbm>> -> memref<2048xf32, #tpu.memory_space<hbm>>
        %dma_start3A_72 = tpu.memref_slice %arg4[%run_scoped3A, %run_scoped3A_23, %multiple_of3A] : memref<2x4x131072xf32, #tpu.memory_space<hbm>> -> memref<1x1x2048xf32, #tpu.memory_space<hbm>>
        %dma_start3A_73 = tpu.memref_squeeze %dma_start3A_72 : memref<1x1x2048xf32, #tpu.memory_space<hbm>> -> memref<2048xf32, #tpu.memory_space<hbm>>
        tpu.enqueue_dma source(%dma_start3A_73 : memref<2048xf32, #tpu.memory_space<hbm>>) target(%arg15 : memref<2048xf32, #tpu.memory_space<vmem>>) target_semaphore(%run_scoped3A_70 : memref<!tpu.dma_semaphore, #tpu.memory_space<semaphore_mem>>)
        %dma_wait3A = tpu.memref_slice %arg4[%run_scoped3A, %run_scoped3A_23, %multiple_of3A] : memref<2x4x131072xf32, #tpu.memory_space<hbm>> -> memref<1x1x2048xf32, #tpu.memory_space<hbm>>
        %dma_wait3A_74 = tpu.memref_squeeze %dma_wait3A : memref<1x1x2048xf32, #tpu.memory_space<hbm>> -> memref<2048xf32, #tpu.memory_space<hbm>>
        %dma_wait3A_75 = tpu.memref_slice %arg4[%run_scoped3A, %run_scoped3A_23, %multiple_of3A] : memref<2x4x131072xf32, #tpu.memory_space<hbm>> -> memref<1x1x2048xf32, #tpu.memory_space<hbm>>
        %dma_wait3A_76 = tpu.memref_squeeze %dma_wait3A_75 : memref<1x1x2048xf32, #tpu.memory_space<hbm>> -> memref<2048xf32, #tpu.memory_space<hbm>>
        tpu.wait_dma2 semaphore(%run_scoped3A_70 : memref<!tpu.dma_semaphore, #tpu.memory_space<semaphore_mem>>) src(%dma_wait3A_76 : memref<2048xf32, #tpu.memory_space<hbm>>) dst(%arg15 : memref<2048xf32, #tpu.memory_space<vmem>>)
        tpu.yield
      }) : () -> ()
      %run_scoped3A_24 = arith.constant 1 : i32
      %run_scoped3A_25 = arith.constant 3 : i32
      "tpu.region"() ({
        %run_scoped3A_70 = tpu.sem_alloc : memref<!tpu.dma_semaphore, #tpu.memory_space<semaphore_mem>>
        %dma_start3A = tpu.memref_slice %arg4[%run_scoped3A_24, %run_scoped3A_25, %multiple_of3A] : memref<2x4x131072xf32, #tpu.memory_space<hbm>> -> memref<1x1x2048xf32, #tpu.memory_space<hbm>>
        %dma_start3A_71 = tpu.memref_squeeze %dma_start3A : memref<1x1x2048xf32, #tpu.memory_space<hbm>> -> memref<2048xf32, #tpu.memory_space<hbm>>
        %dma_start3A_72 = tpu.memref_slice %arg4[%run_scoped3A_24, %run_scoped3A_25, %multiple_of3A] : memref<2x4x131072xf32, #tpu.memory_space<hbm>> -> memref<1x1x2048xf32, #tpu.memory_space<hbm>>
        %dma_start3A_73 = tpu.memref_squeeze %dma_start3A_72 : memref<1x1x2048xf32, #tpu.memory_space<hbm>> -> memref<2048xf32, #tpu.memory_space<hbm>>
        tpu.enqueue_dma source(%dma_start3A_73 : memref<2048xf32, #tpu.memory_space<hbm>>) target(%arg16 : memref<2048xf32, #tpu.memory_space<vmem>>) target_semaphore(%run_scoped3A_70 : memref<!tpu.dma_semaphore, #tpu.memory_space<semaphore_mem>>)
        %dma_wait3A = tpu.memref_slice %arg4[%run_scoped3A_24, %run_scoped3A_25, %multiple_of3A] : memref<2x4x131072xf32, #tpu.memory_space<hbm>> -> memref<1x1x2048xf32, #tpu.memory_space<hbm>>
        %dma_wait3A_74 = tpu.memref_squeeze %dma_wait3A : memref<1x1x2048xf32, #tpu.memory_space<hbm>> -> memref<2048xf32, #tpu.memory_space<hbm>>
        %dma_wait3A_75 = tpu.memref_slice %arg4[%run_scoped3A_24, %run_scoped3A_25, %multiple_of3A] : memref<2x4x131072xf32, #tpu.memory_space<hbm>> -> memref<1x1x2048xf32, #tpu.memory_space<hbm>>
        %dma_wait3A_76 = tpu.memref_squeeze %dma_wait3A_75 : memref<1x1x2048xf32, #tpu.memory_space<hbm>> -> memref<2048xf32, #tpu.memory_space<hbm>>
        tpu.wait_dma2 semaphore(%run_scoped3A_70 : memref<!tpu.dma_semaphore, #tpu.memory_space<semaphore_mem>>) src(%dma_wait3A_76 : memref<2048xf32, #tpu.memory_space<hbm>>) dst(%arg16 : memref<2048xf32, #tpu.memory_space<vmem>>)
        tpu.yield
      }) : () -> ()
      %scan3A_26 = arith.constant 0 : i32
      %scan3A_27 = arith.constant 0 : i32
      %scan3A_28 = arith.constant 128 : i32
      %scan3A_29 = arith.addi %scan3A_27, %scan3A_28 : i32
      %scan3A_30 = arith.constant 1 : i32
      %scan3A_31 = scf.for %scan3A_70 = %scan3A_27 to %scan3A_29 step %scan3A_30 iter_args(%scan3A_71 = %scan3A_26) -> (i32)  : i32 {
        %mul3A_72 = arith.constant 16 : i32
        %mul3A_73 = arith.muli %scan3A_70, %mul3A_72 : i32
        %get3A = arith.index_cast %mul3A_73 : i32 to index
        %get3A_74 = tpu.vector_load %arg15[%get3A] {strides = array<i32>} : memref<2048xf32, #tpu.memory_space<vmem>>, vector<16xf32>,
        %get3A_75 = arith.index_cast %mul3A_73 : i32 to index
        %get3A_76 = tpu.vector_load %arg16[%get3A_75] {strides = array<i32>} : memref<2048xf32, #tpu.memory_space<vmem>>, vector<16xf32>,
        %add3A_77 = arith.addf %get3A_74, %get3A_76 : vector<16xf32>
        %max3A = arith.constant 1.000000e+00 : f32
        %max3A_78 = vector.broadcast %max3A : f32 to vector<16xf32>
        %max3A_79 = arith.maximumf %add3A_77, %max3A_78 : vector<16xf32>
        %div3A = arith.constant 1.000000e+00 : f32
        %div3A_80 = vector.broadcast %div3A : f32 to vector<16xf32>
        %div3A_81 = arith.divf %div3A_80, %max3A_79 : vector<16xf32>
        %swap3A = arith.index_cast %mul3A_73 : i32 to index
        %swap3A_82 = tpu.vector_load %arg15[%swap3A] {strides = array<i32>} : memref<2048xf32, #tpu.memory_space<vmem>>, vector<16xf32>,
        tpu.vector_store %arg15[%swap3A], %div3A_81 {strides = array<i32>} : memref<2048xf32, #tpu.memory_space<vmem>>, vector<16xf32>,
        %scan3A_83 = arith.constant 0 : i32
        scf.yield %scan3A_83 : i32
      }
      %scan3A_32 = arith.constant 128 : i32
      %mul3A_33 = arith.constant 4 : i32
      %mul3A_34 = arith.muli %multiple_of3A, %mul3A_33 : i32
      %multiple_of3A_35 = tpu.assume_multiple %mul3A_34, 2048 : i32
      "tpu.region"() ({
        %run_scoped3A_70 = tpu.sem_alloc : memref<!tpu.dma_semaphore, #tpu.memory_space<semaphore_mem>>
        %dma_start3A = tpu.memref_slice %arg5[%multiple_of3A_35] : memref<524288xf32, #tpu.memory_space<hbm>> -> memref<8192xf32, #tpu.memory_space<hbm>>
        %dma_start3A_71 = tpu.memref_slice %arg5[%multiple_of3A_35] : memref<524288xf32, #tpu.memory_space<hbm>> -> memref<8192xf32, #tpu.memory_space<hbm>>
        tpu.enqueue_dma source(%dma_start3A_71 : memref<8192xf32, #tpu.memory_space<hbm>>) target(%arg17 : memref<8192xf32, #tpu.memory_space<vmem>>) target_semaphore(%run_scoped3A_70 : memref<!tpu.dma_semaphore, #tpu.memory_space<semaphore_mem>>)
        %dma_wait3A = tpu.memref_slice %arg5[%multiple_of3A_35] : memref<524288xf32, #tpu.memory_space<hbm>> -> memref<8192xf32, #tpu.memory_space<hbm>>
        %dma_wait3A_72 = tpu.memref_slice %arg5[%multiple_of3A_35] : memref<524288xf32, #tpu.memory_space<hbm>> -> memref<8192xf32, #tpu.memory_space<hbm>>
        tpu.wait_dma2 semaphore(%run_scoped3A_70 : memref<!tpu.dma_semaphore, #tpu.memory_space<semaphore_mem>>) src(%dma_wait3A_72 : memref<8192xf32, #tpu.memory_space<hbm>>) dst(%arg17 : memref<8192xf32, #tpu.memory_space<vmem>>)
        tpu.yield
      }) : () -> ()
      %run_scoped3A_36 = arith.constant 0 : i32
      %run_scoped3A_37 = arith.constant 0 : i32
      "tpu.region"() ({
        %run_scoped3A_70 = tpu.sem_alloc : memref<!tpu.dma_semaphore, #tpu.memory_space<semaphore_mem>>
        %dma_start3A = tpu.memref_slice %arg4[%run_scoped3A_36, %run_scoped3A_37, %multiple_of3A] : memref<2x4x131072xf32, #tpu.memory_space<hbm>> -> memref<1x1x2048xf32, #tpu.memory_space<hbm>>
        %dma_start3A_71 = tpu.memref_squeeze %dma_start3A : memref<1x1x2048xf32, #tpu.memory_space<hbm>> -> memref<2048xf32, #tpu.memory_space<hbm>>
        %dma_start3A_72 = tpu.memref_slice %arg4[%run_scoped3A_36, %run_scoped3A_37, %multiple_of3A] : memref<2x4x131072xf32, #tpu.memory_space<hbm>> -> memref<1x1x2048xf32, #tpu.memory_space<hbm>>
        %dma_start3A_73 = tpu.memref_squeeze %dma_start3A_72 : memref<1x1x2048xf32, #tpu.memory_space<hbm>> -> memref<2048xf32, #tpu.memory_space<hbm>>
        tpu.enqueue_dma source(%dma_start3A_73 : memref<2048xf32, #tpu.memory_space<hbm>>) target(%arg14 : memref<2048xf32, #tpu.memory_space<vmem>>) target_semaphore(%run_scoped3A_70 : memref<!tpu.dma_semaphore, #tpu.memory_space<semaphore_mem>>)
        %dma_wait3A = tpu.memref_slice %arg4[%run_scoped3A_36, %run_scoped3A_37, %multiple_of3A] : memref<2x4x131072xf32, #tpu.memory_space<hbm>> -> memref<1x1x2048xf32, #tpu.memory_space<hbm>>
        %dma_wait3A_74 = tpu.memref_squeeze %dma_wait3A : memref<1x1x2048xf32, #tpu.memory_space<hbm>> -> memref<2048xf32, #tpu.memory_space<hbm>>
        %dma_wait3A_75 = tpu.memref_slice %arg4[%run_scoped3A_36, %run_scoped3A_37, %multiple_of3A] : memref<2x4x131072xf32, #tpu.memory_space<hbm>> -> memref<1x1x2048xf32, #tpu.memory_space<hbm>>
        %dma_wait3A_76 = tpu.memref_squeeze %dma_wait3A_75 : memref<1x1x2048xf32, #tpu.memory_space<hbm>> -> memref<2048xf32, #tpu.memory_space<hbm>>
        tpu.wait_dma2 semaphore(%run_scoped3A_70 : memref<!tpu.dma_semaphore, #tpu.memory_space<semaphore_mem>>) src(%dma_wait3A_76 : memref<2048xf32, #tpu.memory_space<hbm>>) dst(%arg14 : memref<2048xf32, #tpu.memory_space<vmem>>)
        tpu.yield
      }) : () -> ()
      %run_scoped3A_38 = arith.constant 1 : i32
      %run_scoped3A_39 = arith.constant 0 : i32
      "tpu.region"() ({
        %run_scoped3A_70 = tpu.sem_alloc : memref<!tpu.dma_semaphore, #tpu.memory_space<semaphore_mem>>
        %dma_start3A = tpu.memref_slice %arg4[%run_scoped3A_38, %run_scoped3A_39, %multiple_of3A] : memref<2x4x131072xf32, #tpu.memory_space<hbm>> -> memref<1x1x2048xf32, #tpu.memory_space<hbm>>
        %dma_start3A_71 = tpu.memref_squeeze %dma_start3A : memref<1x1x2048xf32, #tpu.memory_space<hbm>> -> memref<2048xf32, #tpu.memory_space<hbm>>
        %dma_start3A_72 = tpu.memref_slice %arg4[%run_scoped3A_38, %run_scoped3A_39, %multiple_of3A] : memref<2x4x131072xf32, #tpu.memory_space<hbm>> -> memref<1x1x2048xf32, #tpu.memory_space<hbm>>
        %dma_start3A_73 = tpu.memref_squeeze %dma_start3A_72 : memref<1x1x2048xf32, #tpu.memory_space<hbm>> -> memref<2048xf32, #tpu.memory_space<hbm>>
        tpu.enqueue_dma source(%dma_start3A_73 : memref<2048xf32, #tpu.memory_space<hbm>>) target(%arg16 : memref<2048xf32, #tpu.memory_space<vmem>>) target_semaphore(%run_scoped3A_70 : memref<!tpu.dma_semaphore, #tpu.memory_space<semaphore_mem>>)
        %dma_wait3A = tpu.memref_slice %arg4[%run_scoped3A_38, %run_scoped3A_39, %multiple_of3A] : memref<2x4x131072xf32, #tpu.memory_space<hbm>> -> memref<1x1x2048xf32, #tpu.memory_space<hbm>>
        %dma_wait3A_74 = tpu.memref_squeeze %dma_wait3A : memref<1x1x2048xf32, #tpu.memory_space<hbm>> -> memref<2048xf32, #tpu.memory_space<hbm>>
        %dma_wait3A_75 = tpu.memref_slice %arg4[%run_scoped3A_38, %run_scoped3A_39, %multiple_of3A] : memref<2x4x131072xf32, #tpu.memory_space<hbm>> -> memref<1x1x2048xf32, #tpu.memory_space<hbm>>
        %dma_wait3A_76 = tpu.memref_squeeze %dma_wait3A_75 : memref<1x1x2048xf32, #tpu.memory_space<hbm>> -> memref<2048xf32, #tpu.memory_space<hbm>>
        tpu.wait_dma2 semaphore(%run_scoped3A_70 : memref<!tpu.dma_semaphore, #tpu.memory_space<semaphore_mem>>) src(%dma_wait3A_76 : memref<2048xf32, #tpu.memory_space<hbm>>) dst(%arg16 : memref<2048xf32, #tpu.memory_space<vmem>>)
        tpu.yield
      }) : () -> ()
      %scan3A_40 = arith.constant 0 : i32
      %scan3A_41 = arith.constant 0 : i32
      %scan3A_42 = arith.constant 128 : i32
      %scan3A_43 = arith.addi %scan3A_41, %scan3A_42 : i32
      %scan3A_44 = arith.constant 1 : i32
      %scan3A_45 = scf.for %scan3A_70 = %scan3A_41 to %scan3A_43 step %scan3A_44 iter_args(%scan3A_71 = %scan3A_40) -> (i32)  : i32 {
        %mul3A_72 = arith.constant 16 : i32
        %mul3A_73 = arith.muli %scan3A_70, %mul3A_72 : i32
        %shift_right_arithmetic3A = arith.constant 3 : i32
        %shift_right_arithmetic3A_74 = arith.shrsi %scan3A_70, %shift_right_arithmetic3A : i32
        %mul3A_75 = arith.constant 4 : i32
        %mul3A_76 = arith.muli %shift_right_arithmetic3A_74, %mul3A_75 : i32
        %mul3A_77 = arith.constant 128 : i32
        %mul3A_78 = arith.muli %mul3A_76, %mul3A_77 : i32
        %and3A = arith.constant 7 : i32
        %and3A_79 = arith.andi %scan3A_70, %and3A : i32
        %mul3A_80 = arith.constant 16 : i32
        %mul3A_81 = arith.muli %and3A_79, %mul3A_80 : i32
        %add3A_82 = arith.addi %mul3A_78, %mul3A_81 : i32
        %get3A = arith.index_cast %add3A_82 : i32 to index
        %get3A_83 = tpu.vector_load %arg17[%get3A] {strides = array<i32>} : memref<8192xf32, #tpu.memory_space<vmem>>, vector<16xf32>,
        %get3A_84 = arith.index_cast %mul3A_73 : i32 to index
        %get3A_85 = tpu.vector_load %arg14[%get3A_84] {strides = array<i32>} : memref<2048xf32, #tpu.memory_space<vmem>>, vector<16xf32>,
        %get3A_86 = arith.index_cast %mul3A_73 : i32 to index
        %get3A_87 = tpu.vector_load %arg16[%get3A_86] {strides = array<i32>} : memref<2048xf32, #tpu.memory_space<vmem>>, vector<16xf32>,
        %add3A_88 = arith.addf %get3A_85, %get3A_87 : vector<16xf32>
        %get3A_89 = arith.index_cast %mul3A_73 : i32 to index
        %get3A_90 = tpu.vector_load %arg15[%get3A_89] {strides = array<i32>} : memref<2048xf32, #tpu.memory_space<vmem>>, vector<16xf32>,
        %mul3A_91 = arith.mulf %add3A_88, %get3A_90 : vector<16xf32>
        %sub3A = arith.subf %get3A_83, %mul3A_91 : vector<16xf32>
        %swap3A = arith.index_cast %mul3A_73 : i32 to index
        %swap3A_92 = tpu.vector_load %arg13[%swap3A] {strides = array<i32>} : memref<2048xf32, #tpu.memory_space<vmem>>, vector<16xf32>,
        tpu.vector_store %arg13[%swap3A], %sub3A {strides = array<i32>} : memref<2048xf32, #tpu.memory_space<vmem>>, vector<16xf32>,
        %scan3A_93 = arith.constant 0 : i32
        scf.yield %scan3A_93 : i32
      }
      %scan3A_46 = arith.constant 128 : i32
      %run_scoped3A_47 = arith.constant 0 : i32
      %run_scoped3A_48 = arith.constant 1 : i32
      "tpu.region"() ({
        %run_scoped3A_70 = tpu.sem_alloc : memref<!tpu.dma_semaphore, #tpu.memory_space<semaphore_mem>>
        %dma_start3A = tpu.memref_slice %arg4[%run_scoped3A_47, %run_scoped3A_48, %multiple_of3A] : memref<2x4x131072xf32, #tpu.memory_space<hbm>> -> memref<1x1x2048xf32, #tpu.memory_space<hbm>>
        %dma_start3A_71 = tpu.memref_squeeze %dma_start3A : memref<1x1x2048xf32, #tpu.memory_space<hbm>> -> memref<2048xf32, #tpu.memory_space<hbm>>
        %dma_start3A_72 = tpu.memref_slice %arg4[%run_scoped3A_47, %run_scoped3A_48, %multiple_of3A] : memref<2x4x131072xf32, #tpu.memory_space<hbm>> -> memref<1x1x2048xf32, #tpu.memory_space<hbm>>
        %dma_start3A_73 = tpu.memref_squeeze %dma_start3A_72 : memref<1x1x2048xf32, #tpu.memory_space<hbm>> -> memref<2048xf32, #tpu.memory_space<hbm>>
        tpu.enqueue_dma source(%dma_start3A_73 : memref<2048xf32, #tpu.memory_space<hbm>>) target(%arg14 : memref<2048xf32, #tpu.memory_space<vmem>>) target_semaphore(%run_scoped3A_70 : memref<!tpu.dma_semaphore, #tpu.memory_space<semaphore_mem>>)
        %dma_wait3A = tpu.memref_slice %arg4[%run_scoped3A_47, %run_scoped3A_48, %multiple_of3A] : memref<2x4x131072xf32, #tpu.memory_space<hbm>> -> memref<1x1x2048xf32, #tpu.memory_space<hbm>>
        %dma_wait3A_74 = tpu.memref_squeeze %dma_wait3A : memref<1x1x2048xf32, #tpu.memory_space<hbm>> -> memref<2048xf32, #tpu.memory_space<hbm>>
        %dma_wait3A_75 = tpu.memref_slice %arg4[%run_scoped3A_47, %run_scoped3A_48, %multiple_of3A] : memref<2x4x131072xf32, #tpu.memory_space<hbm>> -> memref<1x1x2048xf32, #tpu.memory_space<hbm>>
        %dma_wait3A_76 = tpu.memref_squeeze %dma_wait3A_75 : memref<1x1x2048xf32, #tpu.memory_space<hbm>> -> memref<2048xf32, #tpu.memory_space<hbm>>
        tpu.wait_dma2 semaphore(%run_scoped3A_70 : memref<!tpu.dma_semaphore, #tpu.memory_space<semaphore_mem>>) src(%dma_wait3A_76 : memref<2048xf32, #tpu.memory_space<hbm>>) dst(%arg14 : memref<2048xf32, #tpu.memory_space<vmem>>)
        tpu.yield
      }) : () -> ()
      %run_scoped3A_49 = arith.constant 1 : i32
      %run_scoped3A_50 = arith.constant 1 : i32
      "tpu.region"() ({
        %run_scoped3A_70 = tpu.sem_alloc : memref<!tpu.dma_semaphore, #tpu.memory_space<semaphore_mem>>
        %dma_start3A = tpu.memref_slice %arg4[%run_scoped3A_49, %run_scoped3A_50, %multiple_of3A] : memref<2x4x131072xf32, #tpu.memory_space<hbm>> -> memref<1x1x2048xf32, #tpu.memory_space<hbm>>
        %dma_start3A_71 = tpu.memref_squeeze %dma_start3A : memref<1x1x2048xf32, #tpu.memory_space<hbm>> -> memref<2048xf32, #tpu.memory_space<hbm>>
        %dma_start3A_72 = tpu.memref_slice %arg4[%run_scoped3A_49, %run_scoped3A_50, %multiple_of3A] : memref<2x4x131072xf32, #tpu.memory_space<hbm>> -> memref<1x1x2048xf32, #tpu.memory_space<hbm>>
        %dma_start3A_73 = tpu.memref_squeeze %dma_start3A_72 : memref<1x1x2048xf32, #tpu.memory_space<hbm>> -> memref<2048xf32, #tpu.memory_space<hbm>>
        tpu.enqueue_dma source(%dma_start3A_73 : memref<2048xf32, #tpu.memory_space<hbm>>) target(%arg16 : memref<2048xf32, #tpu.memory_space<vmem>>) target_semaphore(%run_scoped3A_70 : memref<!tpu.dma_semaphore, #tpu.memory_space<semaphore_mem>>)
        %dma_wait3A = tpu.memref_slice %arg4[%run_scoped3A_49, %run_scoped3A_50, %multiple_of3A] : memref<2x4x131072xf32, #tpu.memory_space<hbm>> -> memref<1x1x2048xf32, #tpu.memory_space<hbm>>
        %dma_wait3A_74 = tpu.memref_squeeze %dma_wait3A : memref<1x1x2048xf32, #tpu.memory_space<hbm>> -> memref<2048xf32, #tpu.memory_space<hbm>>
        %dma_wait3A_75 = tpu.memref_slice %arg4[%run_scoped3A_49, %run_scoped3A_50, %multiple_of3A] : memref<2x4x131072xf32, #tpu.memory_space<hbm>> -> memref<1x1x2048xf32, #tpu.memory_space<hbm>>
        %dma_wait3A_76 = tpu.memref_squeeze %dma_wait3A_75 : memref<1x1x2048xf32, #tpu.memory_space<hbm>> -> memref<2048xf32, #tpu.memory_space<hbm>>
        tpu.wait_dma2 semaphore(%run_scoped3A_70 : memref<!tpu.dma_semaphore, #tpu.memory_space<semaphore_mem>>) src(%dma_wait3A_76 : memref<2048xf32, #tpu.memory_space<hbm>>) dst(%arg16 : memref<2048xf32, #tpu.memory_space<vmem>>)
        tpu.yield
      }) : () -> ()
      %scan3A_51 = arith.constant 0 : i32
      %scan3A_52 = arith.constant 0 : i32
      %scan3A_53 = arith.constant 128 : i32
      %scan3A_54 = arith.addi %scan3A_52, %scan3A_53 : i32
      %scan3A_55 = arith.constant 1 : i32
      %scan3A_56 = scf.for %scan3A_70 = %scan3A_52 to %scan3A_54 step %scan3A_55 iter_args(%scan3A_71 = %scan3A_51) -> (i32)  : i32 {
        %mul3A_72 = arith.constant 16 : i32
        %mul3A_73 = arith.muli %scan3A_70, %mul3A_72 : i32
        %shift_right_arithmetic3A = arith.constant 3 : i32
        %shift_right_arithmetic3A_74 = arith.shrsi %scan3A_70, %shift_right_arithmetic3A : i32
        %mul3A_75 = arith.constant 4 : i32
        %mul3A_76 = arith.muli %shift_right_arithmetic3A_74, %mul3A_75 : i32
        %add3A_77 = arith.constant 1 : i32
        %add3A_78 = arith.addi %mul3A_76, %add3A_77 : i32
        %mul3A_79 = arith.constant 128 : i32
        %mul3A_80 = arith.muli %add3A_78, %mul3A_79 : i32
        %and3A = arith.constant 7 : i32
        %and3A_81 = arith.andi %scan3A_70, %and3A : i32
        %mul3A_82 = arith.constant 16 : i32
        %mul3A_83 = arith.muli %and3A_81, %mul3A_82 : i32
        %add3A_84 = arith.addi %mul3A_80, %mul3A_83 : i32
        %get3A = arith.index_cast %add3A_84 : i32 to index
        %get3A_85 = tpu.vector_load %arg17[%get3A] {strides = array<i32>} : memref<8192xf32, #tpu.memory_space<vmem>>, vector<16xf32>,
        %get3A_86 = arith.index_cast %mul3A_73 : i32 to index
        %get3A_87 = tpu.vector_load %arg14[%get3A_86] {strides = array<i32>} : memref<2048xf32, #tpu.memory_space<vmem>>, vector<16xf32>,
        %get3A_88 = arith.index_cast %mul3A_73 : i32 to index
        %get3A_89 = tpu.vector_load %arg16[%get3A_88] {strides = array<i32>} : memref<2048xf32, #tpu.memory_space<vmem>>, vector<16xf32>,
        %add3A_90 = arith.addf %get3A_87, %get3A_89 : vector<16xf32>
        %get3A_91 = arith.index_cast %mul3A_73 : i32 to index
        %get3A_92 = tpu.vector_load %arg15[%get3A_91] {strides = array<i32>} : memref<2048xf32, #tpu.memory_space<vmem>>, vector<16xf32>,
        %mul3A_93 = arith.mulf %add3A_90, %get3A_92 : vector<16xf32>
        %sub3A = arith.subf %get3A_85, %mul3A_93 : vector<16xf32>
        %get3A_94 = arith.index_cast %mul3A_73 : i32 to index
        %get3A_95 = tpu.vector_load %arg13[%get3A_94] {strides = array<i32>} : memref<2048xf32, #tpu.memory_space<vmem>>, vector<16xf32>,
        %pack3A = tpu.pack_subelements %get3A_95, %sub3A {pack_format = #tpu.pack_format<interleaved>, positions = array<i32: 0, 1>} : vector<16xf32>, vector<16xf32> -> vector<32xbf16>
        %bitcast3A = vector.bitcast %pack3A : vector<32xbf16> to vector<16xi32>
        %swap3A = arith.index_cast %mul3A_73 : i32 to index
        %swap3A_96 = tpu.vector_load %arg18[%swap3A] {strides = array<i32>} : memref<2048xi32, #tpu.memory_space<vmem>>, vector<16xi32>,
        tpu.vector_store %arg18[%swap3A], %bitcast3A {strides = array<i32>} : memref<2048xi32, #tpu.memory_space<vmem>>, vector<16xi32>,
        %scan3A_97 = arith.constant 0 : i32
        scf.yield %scan3A_97 : i32
      }
      %scan3A_57 = arith.constant 128 : i32
      "tpu.region"() ({
        %run_scoped3A_70 = tpu.sem_alloc : memref<!tpu.dma_semaphore, #tpu.memory_space<semaphore_mem>>
        %dma_start3A = tpu.memref_slice %arg20[%multiple_of3A] : memref<131072xi32, #tpu.memory_space<vmem_shared>> -> memref<2048xi32, #tpu.memory_space<vmem_shared>>
        %dma_start3A_71 = tpu.memref_slice %arg20[%multiple_of3A] : memref<131072xi32, #tpu.memory_space<vmem_shared>> -> memref<2048xi32, #tpu.memory_space<vmem_shared>>
        tpu.enqueue_dma source(%arg18 : memref<2048xi32, #tpu.memory_space<vmem>>) target(%dma_start3A_71 : memref<2048xi32, #tpu.memory_space<vmem_shared>>) target_semaphore(%run_scoped3A_70 : memref<!tpu.dma_semaphore, #tpu.memory_space<semaphore_mem>>)
        %dma_wait3A = tpu.memref_slice %arg20[%multiple_of3A] : memref<131072xi32, #tpu.memory_space<vmem_shared>> -> memref<2048xi32, #tpu.memory_space<vmem_shared>>
        %dma_wait3A_72 = tpu.memref_slice %arg20[%multiple_of3A] : memref<131072xi32, #tpu.memory_space<vmem_shared>> -> memref<2048xi32, #tpu.memory_space<vmem_shared>>
        tpu.wait_dma2 semaphore(%run_scoped3A_70 : memref<!tpu.dma_semaphore, #tpu.memory_space<semaphore_mem>>) src(%arg18 : memref<2048xi32, #tpu.memory_space<vmem>>) dst(%dma_wait3A_72 : memref<2048xi32, #tpu.memory_space<vmem_shared>>)
        tpu.yield
      }) : () -> ()
      %run_scoped3A_58 = arith.constant 0 : i32
      %run_scoped3A_59 = arith.constant 2 : i32
      "tpu.region"() ({
        %run_scoped3A_70 = tpu.sem_alloc : memref<!tpu.dma_semaphore, #tpu.memory_space<semaphore_mem>>
        %dma_start3A = tpu.memref_slice %arg4[%run_scoped3A_58, %run_scoped3A_59, %multiple_of3A] : memref<2x4x131072xf32, #tpu.memory_space<hbm>> -> memref<1x1x2048xf32, #tpu.memory_space<hbm>>
        %dma_start3A_71 = tpu.memref_squeeze %dma_start3A : memref<1x1x2048xf32, #tpu.memory_space<hbm>> -> memref<2048xf32, #tpu.memory_space<hbm>>
        %dma_start3A_72 = tpu.memref_slice %arg4[%run_scoped3A_58, %run_scoped3A_59, %multiple_of3A] : memref<2x4x131072xf32, #tpu.memory_space<hbm>> -> memref<1x1x2048xf32, #tpu.memory_space<hbm>>
        %dma_start3A_73 = tpu.memref_squeeze %dma_start3A_72 : memref<1x1x2048xf32, #tpu.memory_space<hbm>> -> memref<2048xf32, #tpu.memory_space<hbm>>
        tpu.enqueue_dma source(%dma_start3A_73 : memref<2048xf32, #tpu.memory_space<hbm>>) target(%arg14 : memref<2048xf32, #tpu.memory_space<vmem>>) target_semaphore(%run_scoped3A_70 : memref<!tpu.dma_semaphore, #tpu.memory_space<semaphore_mem>>)
        %dma_wait3A = tpu.memref_slice %arg4[%run_scoped3A_58, %run_scoped3A_59, %multiple_of3A] : memref<2x4x131072xf32, #tpu.memory_space<hbm>> -> memref<1x1x2048xf32, #tpu.memory_space<hbm>>
        %dma_wait3A_74 = tpu.memref_squeeze %dma_wait3A : memref<1x1x2048xf32, #tpu.memory_space<hbm>> -> memref<2048xf32, #tpu.memory_space<hbm>>
        %dma_wait3A_75 = tpu.memref_slice %arg4[%run_scoped3A_58, %run_scoped3A_59, %multiple_of3A] : memref<2x4x131072xf32, #tpu.memory_space<hbm>> -> memref<1x1x2048xf32, #tpu.memory_space<hbm>>
        %dma_wait3A_76 = tpu.memref_squeeze %dma_wait3A_75 : memref<1x1x2048xf32, #tpu.memory_space<hbm>> -> memref<2048xf32, #tpu.memory_space<hbm>>
        tpu.wait_dma2 semaphore(%run_scoped3A_70 : memref<!tpu.dma_semaphore, #tpu.memory_space<semaphore_mem>>) src(%dma_wait3A_76 : memref<2048xf32, #tpu.memory_space<hbm>>) dst(%arg14 : memref<2048xf32, #tpu.memory_space<vmem>>)
        tpu.yield
      }) : () -> ()
      %run_scoped3A_60 = arith.constant 1 : i32
      %run_scoped3A_61 = arith.constant 2 : i32
      "tpu.region"() ({
        %run_scoped3A_70 = tpu.sem_alloc : memref<!tpu.dma_semaphore, #tpu.memory_space<semaphore_mem>>
        %dma_start3A = tpu.memref_slice %arg4[%run_scoped3A_60, %run_scoped3A_61, %multiple_of3A] : memref<2x4x131072xf32, #tpu.memory_space<hbm>> -> memref<1x1x2048xf32, #tpu.memory_space<hbm>>
        %dma_start3A_71 = tpu.memref_squeeze %dma_start3A : memref<1x1x2048xf32, #tpu.memory_space<hbm>> -> memref<2048xf32, #tpu.memory_space<hbm>>
        %dma_start3A_72 = tpu.memref_slice %arg4[%run_scoped3A_60, %run_scoped3A_61, %multiple_of3A] : memref<2x4x131072xf32, #tpu.memory_space<hbm>> -> memref<1x1x2048xf32, #tpu.memory_space<hbm>>
        %dma_start3A_73 = tpu.memref_squeeze %dma_start3A_72 : memref<1x1x2048xf32, #tpu.memory_space<hbm>> -> memref<2048xf32, #tpu.memory_space<hbm>>
        tpu.enqueue_dma source(%dma_start3A_73 : memref<2048xf32, #tpu.memory_space<hbm>>) target(%arg16 : memref<2048xf32, #tpu.memory_space<vmem>>) target_semaphore(%run_scoped3A_70 : memref<!tpu.dma_semaphore, #tpu.memory_space<semaphore_mem>>)
        %dma_wait3A = tpu.memref_slice %arg4[%run_scoped3A_60, %run_scoped3A_61, %multiple_of3A] : memref<2x4x131072xf32, #tpu.memory_space<hbm>> -> memref<1x1x2048xf32, #tpu.memory_space<hbm>>
        %dma_wait3A_74 = tpu.memref_squeeze %dma_wait3A : memref<1x1x2048xf32, #tpu.memory_space<hbm>> -> memref<2048xf32, #tpu.memory_space<hbm>>
        %dma_wait3A_75 = tpu.memref_slice %arg4[%run_scoped3A_60, %run_scoped3A_61, %multiple_of3A] : memref<2x4x131072xf32, #tpu.memory_space<hbm>> -> memref<1x1x2048xf32, #tpu.memory_space<hbm>>
        %dma_wait3A_76 = tpu.memref_squeeze %dma_wait3A_75 : memref<1x1x2048xf32, #tpu.memory_space<hbm>> -> memref<2048xf32, #tpu.memory_space<hbm>>
        tpu.wait_dma2 semaphore(%run_scoped3A_70 : memref<!tpu.dma_semaphore, #tpu.memory_space<semaphore_mem>>) src(%dma_wait3A_76 : memref<2048xf32, #tpu.memory_space<hbm>>) dst(%arg16 : memref<2048xf32, #tpu.memory_space<vmem>>)
        tpu.yield
      }) : () -> ()
      %scan3A_62 = arith.constant 0 : i32
      %scan3A_63 = arith.constant 0 : i32
      %scan3A_64 = arith.constant 128 : i32
      %scan3A_65 = arith.addi %scan3A_63, %scan3A_64 : i32
      %scan3A_66 = arith.constant 1 : i32
      %scan3A_67 = scf.for %scan3A_70 = %scan3A_63 to %scan3A_65 step %scan3A_66 iter_args(%scan3A_71 = %scan3A_62) -> (i32)  : i32 {
        %mul3A_72 = arith.constant 16 : i32
        %mul3A_73 = arith.muli %scan3A_70, %mul3A_72 : i32
        %shift_right_arithmetic3A = arith.constant 3 : i32
        %shift_right_arithmetic3A_74 = arith.shrsi %scan3A_70, %shift_right_arithmetic3A : i32
        %mul3A_75 = arith.constant 4 : i32
        %mul3A_76 = arith.muli %shift_right_arithmetic3A_74, %mul3A_75 : i32
        %add3A_77 = arith.constant 2 : i32
        %add3A_78 = arith.addi %mul3A_76, %add3A_77 : i32
        %mul3A_79 = arith.constant 128 : i32
        %mul3A_80 = arith.muli %add3A_78, %mul3A_79 : i32
        %and3A = arith.constant 7 : i32
        %and3A_81 = arith.andi %scan3A_70, %and3A : i32
        %mul3A_82 = arith.constant 16 : i32
        %mul3A_83 = arith.muli %and3A_81, %mul3A_82 : i32
        %add3A_84 = arith.addi %mul3A_80, %mul3A_83 : i32
        %get3A = arith.index_cast %add3A_84 : i32 to index
        %get3A_85 = tpu.vector_load %arg17[%get3A] {strides = array<i32>} : memref<8192xf32, #tpu.memory_space<vmem>>, vector<16xf32>,
        %get3A_86 = arith.index_cast %mul3A_73 : i32 to index
        %get3A_87 = tpu.vector_load %arg14[%get3A_86] {strides = array<i32>} : memref<2048xf32, #tpu.memory_space<vmem>>, vector<16xf32>,
        %get3A_88 = arith.index_cast %mul3A_73 : i32 to index
        %get3A_89 = tpu.vector_load %arg16[%get3A_88] {strides = array<i32>} : memref<2048xf32, #tpu.memory_space<vmem>>, vector<16xf32>,
        %add3A_90 = arith.addf %get3A_87, %get3A_89 : vector<16xf32>
        %get3A_91 = arith.index_cast %mul3A_73 : i32 to index
        %get3A_92 = tpu.vector_load %arg15[%get3A_91] {strides = array<i32>} : memref<2048xf32, #tpu.memory_space<vmem>>, vector<16xf32>,
        %mul3A_93 = arith.mulf %add3A_90, %get3A_92 : vector<16xf32>
        %sub3A = arith.subf %get3A_85, %mul3A_93 : vector<16xf32>
        %swap3A = arith.index_cast %mul3A_73 : i32 to index
        %swap3A_94 = tpu.vector_load %arg16[%swap3A] {strides = array<i32>} : memref<2048xf32, #tpu.memory_space<vmem>>, vector<16xf32>,
        tpu.vector_store %arg16[%swap3A], %sub3A {strides = array<i32>} : memref<2048xf32, #tpu.memory_space<vmem>>, vector<16xf32>,
        %scan3A_95 = arith.constant 0 : i32
        scf.yield %scan3A_95 : i32
      }
      %scan3A_68 = arith.constant 128 : i32
      "tpu.region"() ({
        %run_scoped3A_70 = tpu.sem_alloc : memref<!tpu.dma_semaphore, #tpu.memory_space<semaphore_mem>>
        %dma_start3A = tpu.memref_slice %arg21[%multiple_of3A] : memref<131072xf32, #tpu.memory_space<vmem_shared>> -> memref<2048xf32, #tpu.memory_space<vmem_shared>>
        %dma_start3A_71 = tpu.memref_slice %arg21[%multiple_of3A] : memref<131072xf32, #tpu.memory_space<vmem_shared>> -> memref<2048xf32, #tpu.memory_space<vmem_shared>>
        tpu.enqueue_dma source(%arg16 : memref<2048xf32, #tpu.memory_space<vmem>>) target(%dma_start3A_71 : memref<2048xf32, #tpu.memory_space<vmem_shared>>) target_semaphore(%run_scoped3A_70 : memref<!tpu.dma_semaphore, #tpu.memory_space<semaphore_mem>>)
        %dma_wait3A = tpu.memref_slice %arg21[%multiple_of3A] : memref<131072xf32, #tpu.memory_space<vmem_shared>> -> memref<2048xf32, #tpu.memory_space<vmem_shared>>
        %dma_wait3A_72 = tpu.memref_slice %arg21[%multiple_of3A] : memref<131072xf32, #tpu.memory_space<vmem_shared>> -> memref<2048xf32, #tpu.memory_space<vmem_shared>>
        tpu.wait_dma2 semaphore(%run_scoped3A_70 : memref<!tpu.dma_semaphore, #tpu.memory_space<semaphore_mem>>) src(%arg16 : memref<2048xf32, #tpu.memory_space<vmem>>) dst(%dma_wait3A_72 : memref<2048xf32, #tpu.memory_space<vmem_shared>>)
        tpu.yield
      }) : () -> ()
      %scan3A_69 = arith.constant 0 : i32
      scf.yield %scan3A_69 : i32
    }
    %scan3A_6 = arith.constant 4 : i32
    %barrier3A = arith.constant 0 : index
    tpu.barrier barrier_id(%barrier3A)
    %mul3A_7 = arith.constant 65536 : i32
    %mul3A_8 = arith.muli %add3A, %mul3A_7 : i32
    %scan3A_9 = arith.constant 0 : i32
    %scan3A_10 = arith.constant 0 : i32
    %scan3A_11 = arith.constant 8 : i32
    %scan3A_12 = arith.addi %scan3A_10, %scan3A_11 : i32
    %scan3A_13 = arith.constant 1 : i32
    %scan3A_14 = scf.for %scan3A_16 = %scan3A_10 to %scan3A_12 step %scan3A_13 iter_args(%scan3A_17 = %scan3A_9) -> (i32)  : i32 {
      %mul3A_18 = arith.constant 8192 : i32
      %mul3A_19 = arith.muli %scan3A_16, %mul3A_18 : i32
      %add3A_20 = arith.addi %mul3A_8, %mul3A_19 : i32
      %jit3A = arith.constant 128 : i32
      %div3A = arith.divsi %add3A_20, %jit3A : i32
      %sign3A = arith.constant 0 : i32
      %sign3A_21 = arith.cmpi sgt, %add3A_20, %sign3A : i32
      %sign3A_22 = arith.extui %sign3A_21 : i1 to i32
      %sign3A_23 = arith.constant 0 : i32
      %sign3A_24 = arith.cmpi slt, %add3A_20, %sign3A_23 : i32
      %sign3A_25 = arith.extui %sign3A_24 : i1 to i32
      %sign3A_26 = arith.subi %sign3A_22, %sign3A_25 : i32
      %sign3A_27 = arith.constant 0 : i32
      %sign3A_28 = arith.cmpi sgt, %jit3A, %sign3A_27 : i32
      %sign3A_29 = arith.extui %sign3A_28 : i1 to i32
      %sign3A_30 = arith.constant 0 : i32
      %sign3A_31 = arith.cmpi slt, %jit3A, %sign3A_30 : i32
      %sign3A_32 = arith.extui %sign3A_31 : i1 to i32
      %sign3A_33 = arith.subi %sign3A_29, %sign3A_32 : i32
      %ne3A = arith.cmpi ne, %sign3A_26, %sign3A_33 : i32
      %rem3A = arith.remsi %add3A_20, %jit3A : i32
      %ne3A_34 = arith.constant 0 : i32
      %ne3A_35 = arith.cmpi ne, %rem3A, %ne3A_34 : i32
      %and3A = arith.andi %ne3A, %ne3A_35 : i1
      %sub3A = arith.constant 1 : i32
      %sub3A_36 = arith.subi %div3A, %sub3A : i32
      %select_n3A = arith.select %and3A, %sub3A_36, %div3A : i32
      %multiple_of3A = tpu.assume_multiple %select_n3A, 64 : i32
      %dma_start3A = arith.constant 0 : i32
      %dma_start3A_37 = tpu.memref_slice %arg3[%multiple_of3A, %dma_start3A] : memref<16384x128xi32, #tpu.memory_space<hbm>> -> memref<64x128xi32, #tpu.memory_space<hbm>>
      %dma_start3A_38 = arith.constant 0 : i32
      %dma_start3A_39 = tpu.memref_slice %arg3[%multiple_of3A, %dma_start3A_38] : memref<16384x128xi32, #tpu.memory_space<hbm>> -> memref<64x128xi32, #tpu.memory_space<hbm>>
      tpu.enqueue_dma source(%dma_start3A_39 : memref<64x128xi32, #tpu.memory_space<hbm>>) target(%arg7 : memref<64x128xi32, #tpu.memory_space<vmem>>) target_semaphore(%arg23 : memref<!tpu.dma_semaphore, #tpu.memory_space<semaphore_mem>>)
      %jit3A_40 = arith.constant 4 : i32
      %div3A_41 = arith.divsi %add3A, %jit3A_40 : i32
      %sign3A_42 = arith.constant 0 : i32
      %sign3A_43 = arith.cmpi sgt, %add3A, %sign3A_42 : i32
      %sign3A_44 = arith.extui %sign3A_43 : i1 to i32
      %sign3A_45 = arith.constant 0 : i32
      %sign3A_46 = arith.cmpi slt, %add3A, %sign3A_45 : i32
      %sign3A_47 = arith.extui %sign3A_46 : i1 to i32
      %sign3A_48 = arith.subi %sign3A_44, %sign3A_47 : i32
      %sign3A_49 = arith.constant 0 : i32
      %sign3A_50 = arith.cmpi sgt, %jit3A_40, %sign3A_49 : i32
      %sign3A_51 = arith.extui %sign3A_50 : i1 to i32
      %sign3A_52 = arith.constant 0 : i32
      %sign3A_53 = arith.cmpi slt, %jit3A_40, %sign3A_52 : i32
      %sign3A_54 = arith.extui %sign3A_53 : i1 to i32
      %sign3A_55 = arith.subi %sign3A_51, %sign3A_54 : i32
      %ne3A_56 = arith.cmpi ne, %sign3A_48, %sign3A_55 : i32
      %rem3A_57 = arith.remsi %add3A, %jit3A_40 : i32
      %ne3A_58 = arith.constant 0 : i32
      %ne3A_59 = arith.cmpi ne, %rem3A_57, %ne3A_58 : i32
      %and3A_60 = arith.andi %ne3A_56, %ne3A_59 : i1
      %sub3A_61 = arith.constant 1 : i32
      %sub3A_62 = arith.subi %div3A_41, %sub3A_61 : i32
      %select_n3A_63 = arith.select %and3A_60, %sub3A_62, %div3A_41 : i32
      %jit3A_64 = arith.constant 4 : i32
      %eq3A = arith.constant 0 : i32
      %eq3A_65 = arith.cmpi eq, %jit3A_64, %eq3A : i32
      %jit3A_66 = arith.constant 1 : i32
      %select_n3A_67 = arith.select %eq3A_65, %jit3A_66, %jit3A_64 : i32
      %rem3A_68 = arith.remsi %add3A, %select_n3A_67 : i32
      %ne3A_69 = arith.constant 0 : i32
      %ne3A_70 = arith.cmpi ne, %rem3A_68, %ne3A_69 : i32
      %lt3A = arith.constant 0 : i32
      %lt3A_71 = arith.cmpi slt, %rem3A_68, %lt3A : i32
      %lt3A_72 = arith.constant 0 : i32
      %lt3A_73 = arith.cmpi slt, %select_n3A_67, %lt3A_72 : i32
      %ne3A_74 = arith.xori %lt3A_71, %lt3A_73 : i1
      %and3A_75 = arith.andi %ne3A_74, %ne3A_70 : i1
      %add3A_76 = arith.addi %rem3A_68, %select_n3A_67 : i32
      %select_n3A_77 = arith.select %and3A_75, %add3A_76, %rem3A_68 : i32
      %mul3A_78 = arith.constant 16 : i32
      %mul3A_79 = arith.muli %select_n3A_77, %mul3A_78 : i32
      %mul3A_80 = arith.constant 2 : i32
      %mul3A_81 = arith.muli %scan3A_16, %mul3A_80 : i32
      %add3A_82 = arith.addi %mul3A_79, %mul3A_81 : i32
      %mul3A_83 = arith.constant 3 : i32
      %mul3A_84 = arith.muli %select_n3A_63, %mul3A_83 : i32
      %add3A_85 = arith.constant 0 : i32
      %add3A_86 = arith.addi %mul3A_84, %add3A_85 : i32
      %mul3A_87 = arith.constant 64 : i32
      %mul3A_88 = arith.muli %add3A_86, %mul3A_87 : i32
      %add3A_89 = arith.addi %mul3A_88, %add3A_82 : i32
      %mul3A_90 = arith.constant 4096 : i32
      %mul3A_91 = arith.muli %add3A_89, %mul3A_90 : i32
      %multiple_of3A_92 = tpu.assume_multiple %mul3A_91, 8192 : i32
      %dma_start3A_93 = tpu.memref_slice %arg2[%multiple_of3A_92] : memref<6291456xf32, #tpu.memory_space<hbm>> -> memref<8192xf32, #tpu.memory_space<hbm>>
      %dma_start3A_94 = tpu.memref_slice %arg2[%multiple_of3A_92] : memref<6291456xf32, #tpu.memory_space<hbm>> -> memref<8192xf32, #tpu.memory_space<hbm>>
      tpu.enqueue_dma source(%dma_start3A_94 : memref<8192xf32, #tpu.memory_space<hbm>>) target(%arg8 : memref<8192xf32, #tpu.memory_space<vmem>>) target_semaphore(%arg23 : memref<!tpu.dma_semaphore, #tpu.memory_space<semaphore_mem>>)
      %jit3A_95 = arith.constant 4 : i32
      %div3A_96 = arith.divsi %add3A, %jit3A_95 : i32
      %sign3A_97 = arith.constant 0 : i32
      %sign3A_98 = arith.cmpi sgt, %add3A, %sign3A_97 : i32
      %sign3A_99 = arith.extui %sign3A_98 : i1 to i32
      %sign3A_100 = arith.constant 0 : i32
      %sign3A_101 = arith.cmpi slt, %add3A, %sign3A_100 : i32
      %sign3A_102 = arith.extui %sign3A_101 : i1 to i32
      %sign3A_103 = arith.subi %sign3A_99, %sign3A_102 : i32
      %sign3A_104 = arith.constant 0 : i32
      %sign3A_105 = arith.cmpi sgt, %jit3A_95, %sign3A_104 : i32
      %sign3A_106 = arith.extui %sign3A_105 : i1 to i32
      %sign3A_107 = arith.constant 0 : i32
      %sign3A_108 = arith.cmpi slt, %jit3A_95, %sign3A_107 : i32
      %sign3A_109 = arith.extui %sign3A_108 : i1 to i32
      %sign3A_110 = arith.subi %sign3A_106, %sign3A_109 : i32
      %ne3A_111 = arith.cmpi ne, %sign3A_103, %sign3A_110 : i32
      %rem3A_112 = arith.remsi %add3A, %jit3A_95 : i32
      %ne3A_113 = arith.constant 0 : i32
      %ne3A_114 = arith.cmpi ne, %rem3A_112, %ne3A_113 : i32
      %and3A_115 = arith.andi %ne3A_111, %ne3A_114 : i1
      %sub3A_116 = arith.constant 1 : i32
      %sub3A_117 = arith.subi %div3A_96, %sub3A_116 : i32
      %select_n3A_118 = arith.select %and3A_115, %sub3A_117, %div3A_96 : i32
      %jit3A_119 = arith.constant 4 : i32
      %eq3A_120 = arith.constant 0 : i32
      %eq3A_121 = arith.cmpi eq, %jit3A_119, %eq3A_120 : i32
      %jit3A_122 = arith.constant 1 : i32
      %select_n3A_123 = arith.select %eq3A_121, %jit3A_122, %jit3A_119 : i32
      %rem3A_124 = arith.remsi %add3A, %select_n3A_123 : i32
      %ne3A_125 = arith.constant 0 : i32
      %ne3A_126 = arith.cmpi ne, %rem3A_124, %ne3A_125 : i32
      %lt3A_127 = arith.constant 0 : i32
      %lt3A_128 = arith.cmpi slt, %rem3A_124, %lt3A_127 : i32
      %lt3A_129 = arith.constant 0 : i32
      %lt3A_130 = arith.cmpi slt, %select_n3A_123, %lt3A_129 : i32
      %ne3A_131 = arith.xori %lt3A_128, %lt3A_130 : i1
      %and3A_132 = arith.andi %ne3A_131, %ne3A_126 : i1
      %add3A_133 = arith.addi %rem3A_124, %select_n3A_123 : i32
      %select_n3A_134 = arith.select %and3A_132, %add3A_133, %rem3A_124 : i32
      %mul3A_135 = arith.constant 16 : i32
      %mul3A_136 = arith.muli %select_n3A_134, %mul3A_135 : i32
      %mul3A_137 = arith.constant 2 : i32
      %mul3A_138 = arith.muli %scan3A_16, %mul3A_137 : i32
      %add3A_139 = arith.addi %mul3A_136, %mul3A_138 : i32
      %mul3A_140 = arith.constant 3 : i32
      %mul3A_141 = arith.muli %select_n3A_118, %mul3A_140 : i32
      %add3A_142 = arith.constant 1 : i32
      %add3A_143 = arith.addi %mul3A_141, %add3A_142 : i32
      %mul3A_144 = arith.constant 64 : i32
      %mul3A_145 = arith.muli %add3A_143, %mul3A_144 : i32
      %add3A_146 = arith.addi %mul3A_145, %add3A_139 : i32
      %mul3A_147 = arith.constant 4096 : i32
      %mul3A_148 = arith.muli %add3A_146, %mul3A_147 : i32
      %multiple_of3A_149 = tpu.assume_multiple %mul3A_148, 8192 : i32
      %dma_start3A_150 = tpu.memref_slice %arg2[%multiple_of3A_149] : memref<6291456xf32, #tpu.memory_space<hbm>> -> memref<8192xf32, #tpu.memory_space<hbm>>
      %dma_start3A_151 = tpu.memref_slice %arg2[%multiple_of3A_149] : memref<6291456xf32, #tpu.memory_space<hbm>> -> memref<8192xf32, #tpu.memory_space<hbm>>
      tpu.enqueue_dma source(%dma_start3A_151 : memref<8192xf32, #tpu.memory_space<hbm>>) target(%arg9 : memref<8192xf32, #tpu.memory_space<vmem>>) target_semaphore(%arg23 : memref<!tpu.dma_semaphore, #tpu.memory_space<semaphore_mem>>)
      %jit3A_152 = arith.constant 4 : i32
      %div3A_153 = arith.divsi %add3A, %jit3A_152 : i32
      %sign3A_154 = arith.constant 0 : i32
      %sign3A_155 = arith.cmpi sgt, %add3A, %sign3A_154 : i32
      %sign3A_156 = arith.extui %sign3A_155 : i1 to i32
      %sign3A_157 = arith.constant 0 : i32
      %sign3A_158 = arith.cmpi slt, %add3A, %sign3A_157 : i32
      %sign3A_159 = arith.extui %sign3A_158 : i1 to i32
      %sign3A_160 = arith.subi %sign3A_156, %sign3A_159 : i32
      %sign3A_161 = arith.constant 0 : i32
      %sign3A_162 = arith.cmpi sgt, %jit3A_152, %sign3A_161 : i32
      %sign3A_163 = arith.extui %sign3A_162 : i1 to i32
      %sign3A_164 = arith.constant 0 : i32
      %sign3A_165 = arith.cmpi slt, %jit3A_152, %sign3A_164 : i32
      %sign3A_166 = arith.extui %sign3A_165 : i1 to i32
      %sign3A_167 = arith.subi %sign3A_163, %sign3A_166 : i32
      %ne3A_168 = arith.cmpi ne, %sign3A_160, %sign3A_167 : i32
      %rem3A_169 = arith.remsi %add3A, %jit3A_152 : i32
      %ne3A_170 = arith.constant 0 : i32
      %ne3A_171 = arith.cmpi ne, %rem3A_169, %ne3A_170 : i32
      %and3A_172 = arith.andi %ne3A_168, %ne3A_171 : i1
      %sub3A_173 = arith.constant 1 : i32
      %sub3A_174 = arith.subi %div3A_153, %sub3A_173 : i32
      %select_n3A_175 = arith.select %and3A_172, %sub3A_174, %div3A_153 : i32
      %jit3A_176 = arith.constant 4 : i32
      %eq3A_177 = arith.constant 0 : i32
      %eq3A_178 = arith.cmpi eq, %jit3A_176, %eq3A_177 : i32
      %jit3A_179 = arith.constant 1 : i32
      %select_n3A_180 = arith.select %eq3A_178, %jit3A_179, %jit3A_176 : i32
      %rem3A_181 = arith.remsi %add3A, %select_n3A_180 : i32
      %ne3A_182 = arith.constant 0 : i32
      %ne3A_183 = arith.cmpi ne, %rem3A_181, %ne3A_182 : i32
      %lt3A_184 = arith.constant 0 : i32
      %lt3A_185 = arith.cmpi slt, %rem3A_181, %lt3A_184 : i32
      %lt3A_186 = arith.constant 0 : i32
      %lt3A_187 = arith.cmpi slt, %select_n3A_180, %lt3A_186 : i32
      %ne3A_188 = arith.xori %lt3A_185, %lt3A_187 : i1
      %and3A_189 = arith.andi %ne3A_188, %ne3A_183 : i1
      %add3A_190 = arith.addi %rem3A_181, %select_n3A_180 : i32
      %select_n3A_191 = arith.select %and3A_189, %add3A_190, %rem3A_181 : i32
      %mul3A_192 = arith.constant 16 : i32
      %mul3A_193 = arith.muli %select_n3A_191, %mul3A_192 : i32
      %mul3A_194 = arith.constant 2 : i32
      %mul3A_195 = arith.muli %scan3A_16, %mul3A_194 : i32
      %add3A_196 = arith.addi %mul3A_193, %mul3A_195 : i32
      %mul3A_197 = arith.constant 3 : i32
      %mul3A_198 = arith.muli %select_n3A_175, %mul3A_197 : i32
      %add3A_199 = arith.constant 2 : i32
      %add3A_200 = arith.addi %mul3A_198, %add3A_199 : i32
      %mul3A_201 = arith.constant 64 : i32
      %mul3A_202 = arith.muli %add3A_200, %mul3A_201 : i32
      %add3A_203 = arith.addi %mul3A_202, %add3A_196 : i32
      %mul3A_204 = arith.constant 4096 : i32
      %mul3A_205 = arith.muli %add3A_203, %mul3A_204 : i32
      %multiple_of3A_206 = tpu.assume_multiple %mul3A_205, 8192 : i32
      %dma_start3A_207 = tpu.memref_slice %arg2[%multiple_of3A_206] : memref<6291456xf32, #tpu.memory_space<hbm>> -> memref<8192xf32, #tpu.memory_space<hbm>>
      %dma_start3A_208 = tpu.memref_slice %arg2[%multiple_of3A_206] : memref<6291456xf32, #tpu.memory_space<hbm>> -> memref<8192xf32, #tpu.memory_space<hbm>>
      tpu.enqueue_dma source(%dma_start3A_208 : memref<8192xf32, #tpu.memory_space<hbm>>) target(%arg10 : memref<8192xf32, #tpu.memory_space<vmem>>) target_semaphore(%arg23 : memref<!tpu.dma_semaphore, #tpu.memory_space<semaphore_mem>>)
      %dma_wait3A = arith.constant 0 : i32
      %dma_wait3A_209 = tpu.memref_slice %arg3[%multiple_of3A, %dma_wait3A] : memref<16384x128xi32, #tpu.memory_space<hbm>> -> memref<64x128xi32, #tpu.memory_space<hbm>>
      %dma_wait3A_210 = arith.constant 0 : i32
      %dma_wait3A_211 = tpu.memref_slice %arg3[%multiple_of3A, %dma_wait3A_210] : memref<16384x128xi32, #tpu.memory_space<hbm>> -> memref<64x128xi32, #tpu.memory_space<hbm>>
      tpu.wait_dma2 semaphore(%arg23 : memref<!tpu.dma_semaphore, #tpu.memory_space<semaphore_mem>>) src(%dma_wait3A_211 : memref<64x128xi32, #tpu.memory_space<hbm>>) dst(%arg7 : memref<64x128xi32, #tpu.memory_space<vmem>>)
      %dma_wait3A_212 = tpu.memref_slice %arg2[%multiple_of3A_92] : memref<6291456xf32, #tpu.memory_space<hbm>> -> memref<8192xf32, #tpu.memory_space<hbm>>
      %dma_wait3A_213 = tpu.memref_slice %arg2[%multiple_of3A_92] : memref<6291456xf32, #tpu.memory_space<hbm>> -> memref<8192xf32, #tpu.memory_space<hbm>>
      tpu.wait_dma2 semaphore(%arg23 : memref<!tpu.dma_semaphore, #tpu.memory_space<semaphore_mem>>) src(%dma_wait3A_213 : memref<8192xf32, #tpu.memory_space<hbm>>) dst(%arg8 : memref<8192xf32, #tpu.memory_space<vmem>>)
      %dma_wait3A_214 = tpu.memref_slice %arg2[%multiple_of3A_149] : memref<6291456xf32, #tpu.memory_space<hbm>> -> memref<8192xf32, #tpu.memory_space<hbm>>
      %dma_wait3A_215 = tpu.memref_slice %arg2[%multiple_of3A_149] : memref<6291456xf32, #tpu.memory_space<hbm>> -> memref<8192xf32, #tpu.memory_space<hbm>>
      tpu.wait_dma2 semaphore(%arg23 : memref<!tpu.dma_semaphore, #tpu.memory_space<semaphore_mem>>) src(%dma_wait3A_215 : memref<8192xf32, #tpu.memory_space<hbm>>) dst(%arg9 : memref<8192xf32, #tpu.memory_space<vmem>>)
      %dma_wait3A_216 = tpu.memref_slice %arg2[%multiple_of3A_206] : memref<6291456xf32, #tpu.memory_space<hbm>> -> memref<8192xf32, #tpu.memory_space<hbm>>
      %dma_wait3A_217 = tpu.memref_slice %arg2[%multiple_of3A_206] : memref<6291456xf32, #tpu.memory_space<hbm>> -> memref<8192xf32, #tpu.memory_space<hbm>>
      tpu.wait_dma2 semaphore(%arg23 : memref<!tpu.dma_semaphore, #tpu.memory_space<semaphore_mem>>) src(%dma_wait3A_217 : memref<8192xf32, #tpu.memory_space<hbm>>) dst(%arg10 : memref<8192xf32, #tpu.memory_space<vmem>>)
      %scan3A_218 = arith.constant 0 : i32
      %scan3A_219 = arith.constant 0 : i32
      %scan3A_220 = arith.constant 8 : i32
      %scan3A_221 = arith.addi %scan3A_219, %scan3A_220 : i32
      %scan3A_222 = arith.constant 1 : i32
      %scan3A_223 = scf.for %scan3A_236 = %scan3A_219 to %scan3A_221 step %scan3A_222 iter_args(%scan3A_237 = %scan3A_218) -> (i32)  : i32 {
        %mul3A_238 = arith.constant 8 : i32
        %mul3A_239 = arith.muli %scan3A_236, %mul3A_238 : i32
        %add3A_240 = arith.constant 0 : i32
        %add3A_241 = arith.addi %mul3A_239, %add3A_240 : i32
        %mul3A_242 = arith.constant 128 : i32
        %mul3A_243 = arith.muli %add3A_241, %mul3A_242 : i32
        %multiple_of3A_244 = tpu.assume_multiple %mul3A_243, 128 : i32
        %dma_start3A_245 = tpu.memref_slice %arg11[%multiple_of3A_244] : memref<8192xi32, #tpu.memory_space<vmem>> -> memref<128xi32, #tpu.memory_space<vmem>>
        %dma_start3A_246 = arith.constant 0 : i32
        %dma_start3A_247 = tpu.memref_slice %arg7[%add3A_241, %dma_start3A_246] : memref<64x128xi32, #tpu.memory_space<vmem>> -> memref<1x128xi32, #tpu.memory_space<vmem>>
        %dma_start3A_248 = tpu.memref_squeeze %dma_start3A_247 : memref<1x128xi32, #tpu.memory_space<vmem>> -> memref<128xi32, #tpu.memory_space<vmem>>
        %dma_start3A_249 = arith.constant 0 : i32
        %dma_start3A_250 = tpu.memref_slice %arg20[%dma_start3A_249] : memref<131072xi32, #tpu.memory_space<vmem_shared>> -> memref<131072xi32, #tpu.memory_space<vmem_shared>>
        tpu.enqueue_indirect_dma source(%dma_start3A_250 : memref<131072xi32, #tpu.memory_space<vmem_shared>>) target(%dma_start3A_245 : memref<128xi32, #tpu.memory_space<vmem>>) offsets(%dma_start3A_248 : memref<128xi32, #tpu.memory_space<vmem>>) semaphore(%arg22 : memref<!tpu.dma_semaphore, #tpu.memory_space<semaphore_mem>>)
        %dma_start3A_251 = tpu.memref_slice %arg12[%multiple_of3A_244] : memref<8192xf32, #tpu.memory_space<vmem>> -> memref<128xf32, #tpu.memory_space<vmem>>
        %dma_start3A_252 = arith.constant 0 : i32
        %dma_start3A_253 = tpu.memref_slice %arg7[%add3A_241, %dma_start3A_252] : memref<64x128xi32, #tpu.memory_space<vmem>> -> memref<1x128xi32, #tpu.memory_space<vmem>>
        %dma_start3A_254 = tpu.memref_squeeze %dma_start3A_253 : memref<1x128xi32, #tpu.memory_space<vmem>> -> memref<128xi32, #tpu.memory_space<vmem>>
        %dma_start3A_255 = arith.constant 0 : i32
        %dma_start3A_256 = tpu.memref_slice %arg21[%dma_start3A_255] : memref<131072xf32, #tpu.memory_space<vmem_shared>> -> memref<131072xf32, #tpu.memory_space<vmem_shared>>
        tpu.enqueue_indirect_dma source(%dma_start3A_256 : memref<131072xf32, #tpu.memory_space<vmem_shared>>) target(%dma_start3A_251 : memref<128xf32, #tpu.memory_space<vmem>>) offsets(%dma_start3A_254 : memref<128xi32, #tpu.memory_space<vmem>>) semaphore(%arg22 : memref<!tpu.dma_semaphore, #tpu.memory_space<semaphore_mem>>)
        %mul3A_257 = arith.constant 8 : i32
        %mul3A_258 = arith.muli %scan3A_236, %mul3A_257 : i32
        %add3A_259 = arith.constant 1 : i32
        %add3A_260 = arith.addi %mul3A_258, %add3A_259 : i32
        %mul3A_261 = arith.constant 128 : i32
        %mul3A_262 = arith.muli %add3A_260, %mul3A_261 : i32
        %multiple_of3A_263 = tpu.assume_multiple %mul3A_262, 128 : i32
        %dma_start3A_264 = tpu.memref_slice %arg11[%multiple_of3A_263] : memref<8192xi32, #tpu.memory_space<vmem>> -> memref<128xi32, #tpu.memory_space<vmem>>
        %dma_start3A_265 = arith.constant 0 : i32
        %dma_start3A_266 = tpu.memref_slice %arg7[%add3A_260, %dma_start3A_265] : memref<64x128xi32, #tpu.memory_space<vmem>> -> memref<1x128xi32, #tpu.memory_space<vmem>>
        %dma_start3A_267 = tpu.memref_squeeze %dma_start3A_266 : memref<1x128xi32, #tpu.memory_space<vmem>> -> memref<128xi32, #tpu.memory_space<vmem>>
        %dma_start3A_268 = arith.constant 0 : i32
        %dma_start3A_269 = tpu.memref_slice %arg20[%dma_start3A_268] : memref<131072xi32, #tpu.memory_space<vmem_shared>> -> memref<131072xi32, #tpu.memory_space<vmem_shared>>
        tpu.enqueue_indirect_dma source(%dma_start3A_269 : memref<131072xi32, #tpu.memory_space<vmem_shared>>) target(%dma_start3A_264 : memref<128xi32, #tpu.memory_space<vmem>>) offsets(%dma_start3A_267 : memref<128xi32, #tpu.memory_space<vmem>>) semaphore(%arg22 : memref<!tpu.dma_semaphore, #tpu.memory_space<semaphore_mem>>)
        %dma_start3A_270 = tpu.memref_slice %arg12[%multiple_of3A_263] : memref<8192xf32, #tpu.memory_space<vmem>> -> memref<128xf32, #tpu.memory_space<vmem>>
        %dma_start3A_271 = arith.constant 0 : i32
        %dma_start3A_272 = tpu.memref_slice %arg7[%add3A_260, %dma_start3A_271] : memref<64x128xi32, #tpu.memory_space<vmem>> -> memref<1x128xi32, #tpu.memory_space<vmem>>
        %dma_start3A_273 = tpu.memref_squeeze %dma_start3A_272 : memref<1x128xi32, #tpu.memory_space<vmem>> -> memref<128xi32, #tpu.memory_space<vmem>>
        %dma_start3A_274 = arith.constant 0 : i32
        %dma_start3A_275 = tpu.memref_slice %arg21[%dma_start3A_274] : memref<131072xf32, #tpu.memory_space<vmem_shared>> -> memref<131072xf32, #tpu.memory_space<vmem_shared>>
        tpu.enqueue_indirect_dma source(%dma_start3A_275 : memref<131072xf32, #tpu.memory_space<vmem_shared>>) target(%dma_start3A_270 : memref<128xf32, #tpu.memory_space<vmem>>) offsets(%dma_start3A_273 : memref<128xi32, #tpu.memory_space<vmem>>) semaphore(%arg22 : memref<!tpu.dma_semaphore, #tpu.memory_space<semaphore_mem>>)
        %mul3A_276 = arith.constant 8 : i32
        %mul3A_277 = arith.muli %scan3A_236, %mul3A_276 : i32
        %add3A_278 = arith.constant 2 : i32
        %add3A_279 = arith.addi %mul3A_277, %add3A_278 : i32
        %mul3A_280 = arith.constant 128 : i32
        %mul3A_281 = arith.muli %add3A_279, %mul3A_280 : i32
        %multiple_of3A_282 = tpu.assume_multiple %mul3A_281, 128 : i32
        %dma_start3A_283 = tpu.memref_slice %arg11[%multiple_of3A_282] : memref<8192xi32, #tpu.memory_space<vmem>> -> memref<128xi32, #tpu.memory_space<vmem>>
        %dma_start3A_284 = arith.constant 0 : i32
        %dma_start3A_285 = tpu.memref_slice %arg7[%add3A_279, %dma_start3A_284] : memref<64x128xi32, #tpu.memory_space<vmem>> -> memref<1x128xi32, #tpu.memory_space<vmem>>
        %dma_start3A_286 = tpu.memref_squeeze %dma_start3A_285 : memref<1x128xi32, #tpu.memory_space<vmem>> -> memref<128xi32, #tpu.memory_space<vmem>>
        %dma_start3A_287 = arith.constant 0 : i32
        %dma_start3A_288 = tpu.memref_slice %arg20[%dma_start3A_287] : memref<131072xi32, #tpu.memory_space<vmem_shared>> -> memref<131072xi32, #tpu.memory_space<vmem_shared>>
        tpu.enqueue_indirect_dma source(%dma_start3A_288 : memref<131072xi32, #tpu.memory_space<vmem_shared>>) target(%dma_start3A_283 : memref<128xi32, #tpu.memory_space<vmem>>) offsets(%dma_start3A_286 : memref<128xi32, #tpu.memory_space<vmem>>) semaphore(%arg22 : memref<!tpu.dma_semaphore, #tpu.memory_space<semaphore_mem>>)
        %dma_start3A_289 = tpu.memref_slice %arg12[%multiple_of3A_282] : memref<8192xf32, #tpu.memory_space<vmem>> -> memref<128xf32, #tpu.memory_space<vmem>>
        %dma_start3A_290 = arith.constant 0 : i32
        %dma_start3A_291 = tpu.memref_slice %arg7[%add3A_279, %dma_start3A_290] : memref<64x128xi32, #tpu.memory_space<vmem>> -> memref<1x128xi32, #tpu.memory_space<vmem>>
        %dma_start3A_292 = tpu.memref_squeeze %dma_start3A_291 : memref<1x128xi32, #tpu.memory_space<vmem>> -> memref<128xi32, #tpu.memory_space<vmem>>
        %dma_start3A_293 = arith.constant 0 : i32
        %dma_start3A_294 = tpu.memref_slice %arg21[%dma_start3A_293] : memref<131072xf32, #tpu.memory_space<vmem_shared>> -> memref<131072xf32, #tpu.memory_space<vmem_shared>>
        tpu.enqueue_indirect_dma source(%dma_start3A_294 : memref<131072xf32, #tpu.memory_space<vmem_shared>>) target(%dma_start3A_289 : memref<128xf32, #tpu.memory_space<vmem>>) offsets(%dma_start3A_292 : memref<128xi32, #tpu.memory_space<vmem>>) semaphore(%arg22 : memref<!tpu.dma_semaphore, #tpu.memory_space<semaphore_mem>>)
        %mul3A_295 = arith.constant 8 : i32
        %mul3A_296 = arith.muli %scan3A_236, %mul3A_295 : i32
        %add3A_297 = arith.constant 3 : i32
        %add3A_298 = arith.addi %mul3A_296, %add3A_297 : i32
        %mul3A_299 = arith.constant 128 : i32
        %mul3A_300 = arith.muli %add3A_298, %mul3A_299 : i32
        %multiple_of3A_301 = tpu.assume_multiple %mul3A_300, 128 : i32
        %dma_start3A_302 = tpu.memref_slice %arg11[%multiple_of3A_301] : memref<8192xi32, #tpu.memory_space<vmem>> -> memref<128xi32, #tpu.memory_space<vmem>>
        %dma_start3A_303 = arith.constant 0 : i32
        %dma_start3A_304 = tpu.memref_slice %arg7[%add3A_298, %dma_start3A_303] : memref<64x128xi32, #tpu.memory_space<vmem>> -> memref<1x128xi32, #tpu.memory_space<vmem>>
        %dma_start3A_305 = tpu.memref_squeeze %dma_start3A_304 : memref<1x128xi32, #tpu.memory_space<vmem>> -> memref<128xi32, #tpu.memory_space<vmem>>
        %dma_start3A_306 = arith.constant 0 : i32
        %dma_start3A_307 = tpu.memref_slice %arg20[%dma_start3A_306] : memref<131072xi32, #tpu.memory_space<vmem_shared>> -> memref<131072xi32, #tpu.memory_space<vmem_shared>>
        tpu.enqueue_indirect_dma source(%dma_start3A_307 : memref<131072xi32, #tpu.memory_space<vmem_shared>>) target(%dma_start3A_302 : memref<128xi32, #tpu.memory_space<vmem>>) offsets(%dma_start3A_305 : memref<128xi32, #tpu.memory_space<vmem>>) semaphore(%arg22 : memref<!tpu.dma_semaphore, #tpu.memory_space<semaphore_mem>>)
        %dma_start3A_308 = tpu.memref_slice %arg12[%multiple_of3A_301] : memref<8192xf32, #tpu.memory_space<vmem>> -> memref<128xf32, #tpu.memory_space<vmem>>
        %dma_start3A_309 = arith.constant 0 : i32
        %dma_start3A_310 = tpu.memref_slice %arg7[%add3A_298, %dma_start3A_309] : memref<64x128xi32, #tpu.memory_space<vmem>> -> memref<1x128xi32, #tpu.memory_space<vmem>>
        %dma_start3A_311 = tpu.memref_squeeze %dma_start3A_310 : memref<1x128xi32, #tpu.memory_space<vmem>> -> memref<128xi32, #tpu.memory_space<vmem>>
        %dma_start3A_312 = arith.constant 0 : i32
        %dma_start3A_313 = tpu.memref_slice %arg21[%dma_start3A_312] : memref<131072xf32, #tpu.memory_space<vmem_shared>> -> memref<131072xf32, #tpu.memory_space<vmem_shared>>
        tpu.enqueue_indirect_dma source(%dma_start3A_313 : memref<131072xf32, #tpu.memory_space<vmem_shared>>) target(%dma_start3A_308 : memref<128xf32, #tpu.memory_space<vmem>>) offsets(%dma_start3A_311 : memref<128xi32, #tpu.memory_space<vmem>>) semaphore(%arg22 : memref<!tpu.dma_semaphore, #tpu.memory_space<semaphore_mem>>)
        %mul3A_314 = arith.constant 8 : i32
        %mul3A_315 = arith.muli %scan3A_236, %mul3A_314 : i32
        %add3A_316 = arith.constant 4 : i32
        %add3A_317 = arith.addi %mul3A_315, %add3A_316 : i32
        %mul3A_318 = arith.constant 128 : i32
        %mul3A_319 = arith.muli %add3A_317, %mul3A_318 : i32
        %multiple_of3A_320 = tpu.assume_multiple %mul3A_319, 128 : i32
        %dma_start3A_321 = tpu.memref_slice %arg11[%multiple_of3A_320] : memref<8192xi32, #tpu.memory_space<vmem>> -> memref<128xi32, #tpu.memory_space<vmem>>
        %dma_start3A_322 = arith.constant 0 : i32
        %dma_start3A_323 = tpu.memref_slice %arg7[%add3A_317, %dma_start3A_322] : memref<64x128xi32, #tpu.memory_space<vmem>> -> memref<1x128xi32, #tpu.memory_space<vmem>>
        %dma_start3A_324 = tpu.memref_squeeze %dma_start3A_323 : memref<1x128xi32, #tpu.memory_space<vmem>> -> memref<128xi32, #tpu.memory_space<vmem>>
        %dma_start3A_325 = arith.constant 0 : i32
        %dma_start3A_326 = tpu.memref_slice %arg20[%dma_start3A_325] : memref<131072xi32, #tpu.memory_space<vmem_shared>> -> memref<131072xi32, #tpu.memory_space<vmem_shared>>
        tpu.enqueue_indirect_dma source(%dma_start3A_326 : memref<131072xi32, #tpu.memory_space<vmem_shared>>) target(%dma_start3A_321 : memref<128xi32, #tpu.memory_space<vmem>>) offsets(%dma_start3A_324 : memref<128xi32, #tpu.memory_space<vmem>>) semaphore(%arg22 : memref<!tpu.dma_semaphore, #tpu.memory_space<semaphore_mem>>)
        %dma_start3A_327 = tpu.memref_slice %arg12[%multiple_of3A_320] : memref<8192xf32, #tpu.memory_space<vmem>> -> memref<128xf32, #tpu.memory_space<vmem>>
        %dma_start3A_328 = arith.constant 0 : i32
        %dma_start3A_329 = tpu.memref_slice %arg7[%add3A_317, %dma_start3A_328] : memref<64x128xi32, #tpu.memory_space<vmem>> -> memref<1x128xi32, #tpu.memory_space<vmem>>
        %dma_start3A_330 = tpu.memref_squeeze %dma_start3A_329 : memref<1x128xi32, #tpu.memory_space<vmem>> -> memref<128xi32, #tpu.memory_space<vmem>>
        %dma_start3A_331 = arith.constant 0 : i32
        %dma_start3A_332 = tpu.memref_slice %arg21[%dma_start3A_331] : memref<131072xf32, #tpu.memory_space<vmem_shared>> -> memref<131072xf32, #tpu.memory_space<vmem_shared>>
        tpu.enqueue_indirect_dma source(%dma_start3A_332 : memref<131072xf32, #tpu.memory_space<vmem_shared>>) target(%dma_start3A_327 : memref<128xf32, #tpu.memory_space<vmem>>) offsets(%dma_start3A_330 : memref<128xi32, #tpu.memory_space<vmem>>) semaphore(%arg22 : memref<!tpu.dma_semaphore, #tpu.memory_space<semaphore_mem>>)
        %mul3A_333 = arith.constant 8 : i32
        %mul3A_334 = arith.muli %scan3A_236, %mul3A_333 : i32
        %add3A_335 = arith.constant 5 : i32
        %add3A_336 = arith.addi %mul3A_334, %add3A_335 : i32
        %mul3A_337 = arith.constant 128 : i32
        %mul3A_338 = arith.muli %add3A_336, %mul3A_337 : i32
        %multiple_of3A_339 = tpu.assume_multiple %mul3A_338, 128 : i32
        %dma_start3A_340 = tpu.memref_slice %arg11[%multiple_of3A_339] : memref<8192xi32, #tpu.memory_space<vmem>> -> memref<128xi32, #tpu.memory_space<vmem>>
        %dma_start3A_341 = arith.constant 0 : i32
        %dma_start3A_342 = tpu.memref_slice %arg7[%add3A_336, %dma_start3A_341] : memref<64x128xi32, #tpu.memory_space<vmem>> -> memref<1x128xi32, #tpu.memory_space<vmem>>
        %dma_start3A_343 = tpu.memref_squeeze %dma_start3A_342 : memref<1x128xi32, #tpu.memory_space<vmem>> -> memref<128xi32, #tpu.memory_space<vmem>>
        %dma_start3A_344 = arith.constant 0 : i32
        %dma_start3A_345 = tpu.memref_slice %arg20[%dma_start3A_344] : memref<131072xi32, #tpu.memory_space<vmem_shared>> -> memref<131072xi32, #tpu.memory_space<vmem_shared>>
        tpu.enqueue_indirect_dma source(%dma_start3A_345 : memref<131072xi32, #tpu.memory_space<vmem_shared>>) target(%dma_start3A_340 : memref<128xi32, #tpu.memory_space<vmem>>) offsets(%dma_start3A_343 : memref<128xi32, #tpu.memory_space<vmem>>) semaphore(%arg22 : memref<!tpu.dma_semaphore, #tpu.memory_space<semaphore_mem>>)
        %dma_start3A_346 = tpu.memref_slice %arg12[%multiple_of3A_339] : memref<8192xf32, #tpu.memory_space<vmem>> -> memref<128xf32, #tpu.memory_space<vmem>>
        %dma_start3A_347 = arith.constant 0 : i32
        %dma_start3A_348 = tpu.memref_slice %arg7[%add3A_336, %dma_start3A_347] : memref<64x128xi32, #tpu.memory_space<vmem>> -> memref<1x128xi32, #tpu.memory_space<vmem>>
        %dma_start3A_349 = tpu.memref_squeeze %dma_start3A_348 : memref<1x128xi32, #tpu.memory_space<vmem>> -> memref<128xi32, #tpu.memory_space<vmem>>
        %dma_start3A_350 = arith.constant 0 : i32
        %dma_start3A_351 = tpu.memref_slice %arg21[%dma_start3A_350] : memref<131072xf32, #tpu.memory_space<vmem_shared>> -> memref<131072xf32, #tpu.memory_space<vmem_shared>>
        tpu.enqueue_indirect_dma source(%dma_start3A_351 : memref<131072xf32, #tpu.memory_space<vmem_shared>>) target(%dma_start3A_346 : memref<128xf32, #tpu.memory_space<vmem>>) offsets(%dma_start3A_349 : memref<128xi32, #tpu.memory_space<vmem>>) semaphore(%arg22 : memref<!tpu.dma_semaphore, #tpu.memory_space<semaphore_mem>>)
        %mul3A_352 = arith.constant 8 : i32
        %mul3A_353 = arith.muli %scan3A_236, %mul3A_352 : i32
        %add3A_354 = arith.constant 6 : i32
        %add3A_355 = arith.addi %mul3A_353, %add3A_354 : i32
        %mul3A_356 = arith.constant 128 : i32
        %mul3A_357 = arith.muli %add3A_355, %mul3A_356 : i32
        %multiple_of3A_358 = tpu.assume_multiple %mul3A_357, 128 : i32
        %dma_start3A_359 = tpu.memref_slice %arg11[%multiple_of3A_358] : memref<8192xi32, #tpu.memory_space<vmem>> -> memref<128xi32, #tpu.memory_space<vmem>>
        %dma_start3A_360 = arith.constant 0 : i32
        %dma_start3A_361 = tpu.memref_slice %arg7[%add3A_355, %dma_start3A_360] : memref<64x128xi32, #tpu.memory_space<vmem>> -> memref<1x128xi32, #tpu.memory_space<vmem>>
        %dma_start3A_362 = tpu.memref_squeeze %dma_start3A_361 : memref<1x128xi32, #tpu.memory_space<vmem>> -> memref<128xi32, #tpu.memory_space<vmem>>
        %dma_start3A_363 = arith.constant 0 : i32
        %dma_start3A_364 = tpu.memref_slice %arg20[%dma_start3A_363] : memref<131072xi32, #tpu.memory_space<vmem_shared>> -> memref<131072xi32, #tpu.memory_space<vmem_shared>>
        tpu.enqueue_indirect_dma source(%dma_start3A_364 : memref<131072xi32, #tpu.memory_space<vmem_shared>>) target(%dma_start3A_359 : memref<128xi32, #tpu.memory_space<vmem>>) offsets(%dma_start3A_362 : memref<128xi32, #tpu.memory_space<vmem>>) semaphore(%arg22 : memref<!tpu.dma_semaphore, #tpu.memory_space<semaphore_mem>>)
        %dma_start3A_365 = tpu.memref_slice %arg12[%multiple_of3A_358] : memref<8192xf32, #tpu.memory_space<vmem>> -> memref<128xf32, #tpu.memory_space<vmem>>
        %dma_start3A_366 = arith.constant 0 : i32
        %dma_start3A_367 = tpu.memref_slice %arg7[%add3A_355, %dma_start3A_366] : memref<64x128xi32, #tpu.memory_space<vmem>> -> memref<1x128xi32, #tpu.memory_space<vmem>>
        %dma_start3A_368 = tpu.memref_squeeze %dma_start3A_367 : memref<1x128xi32, #tpu.memory_space<vmem>> -> memref<128xi32, #tpu.memory_space<vmem>>
        %dma_start3A_369 = arith.constant 0 : i32
        %dma_start3A_370 = tpu.memref_slice %arg21[%dma_start3A_369] : memref<131072xf32, #tpu.memory_space<vmem_shared>> -> memref<131072xf32, #tpu.memory_space<vmem_shared>>
        tpu.enqueue_indirect_dma source(%dma_start3A_370 : memref<131072xf32, #tpu.memory_space<vmem_shared>>) target(%dma_start3A_365 : memref<128xf32, #tpu.memory_space<vmem>>) offsets(%dma_start3A_368 : memref<128xi32, #tpu.memory_space<vmem>>) semaphore(%arg22 : memref<!tpu.dma_semaphore, #tpu.memory_space<semaphore_mem>>)
        %mul3A_371 = arith.constant 8 : i32
        %mul3A_372 = arith.muli %scan3A_236, %mul3A_371 : i32
        %add3A_373 = arith.constant 7 : i32
        %add3A_374 = arith.addi %mul3A_372, %add3A_373 : i32
        %mul3A_375 = arith.constant 128 : i32
        %mul3A_376 = arith.muli %add3A_374, %mul3A_375 : i32
        %multiple_of3A_377 = tpu.assume_multiple %mul3A_376, 128 : i32
        %dma_start3A_378 = tpu.memref_slice %arg11[%multiple_of3A_377] : memref<8192xi32, #tpu.memory_space<vmem>> -> memref<128xi32, #tpu.memory_space<vmem>>
        %dma_start3A_379 = arith.constant 0 : i32
        %dma_start3A_380 = tpu.memref_slice %arg7[%add3A_374, %dma_start3A_379] : memref<64x128xi32, #tpu.memory_space<vmem>> -> memref<1x128xi32, #tpu.memory_space<vmem>>
        %dma_start3A_381 = tpu.memref_squeeze %dma_start3A_380 : memref<1x128xi32, #tpu.memory_space<vmem>> -> memref<128xi32, #tpu.memory_space<vmem>>
        %dma_start3A_382 = arith.constant 0 : i32
        %dma_start3A_383 = tpu.memref_slice %arg20[%dma_start3A_382] : memref<131072xi32, #tpu.memory_space<vmem_shared>> -> memref<131072xi32, #tpu.memory_space<vmem_shared>>
        tpu.enqueue_indirect_dma source(%dma_start3A_383 : memref<131072xi32, #tpu.memory_space<vmem_shared>>) target(%dma_start3A_378 : memref<128xi32, #tpu.memory_space<vmem>>) offsets(%dma_start3A_381 : memref<128xi32, #tpu.memory_space<vmem>>) semaphore(%arg22 : memref<!tpu.dma_semaphore, #tpu.memory_space<semaphore_mem>>)
        %dma_start3A_384 = tpu.memref_slice %arg12[%multiple_of3A_377] : memref<8192xf32, #tpu.memory_space<vmem>> -> memref<128xf32, #tpu.memory_space<vmem>>
        %dma_start3A_385 = arith.constant 0 : i32
        %dma_start3A_386 = tpu.memref_slice %arg7[%add3A_374, %dma_start3A_385] : memref<64x128xi32, #tpu.memory_space<vmem>> -> memref<1x128xi32, #tpu.memory_space<vmem>>
        %dma_start3A_387 = tpu.memref_squeeze %dma_start3A_386 : memref<1x128xi32, #tpu.memory_space<vmem>> -> memref<128xi32, #tpu.memory_space<vmem>>
        %dma_start3A_388 = arith.constant 0 : i32
        %dma_start3A_389 = tpu.memref_slice %arg21[%dma_start3A_388] : memref<131072xf32, #tpu.memory_space<vmem_shared>> -> memref<131072xf32, #tpu.memory_space<vmem_shared>>
        tpu.enqueue_indirect_dma source(%dma_start3A_389 : memref<131072xf32, #tpu.memory_space<vmem_shared>>) target(%dma_start3A_384 : memref<128xf32, #tpu.memory_space<vmem>>) offsets(%dma_start3A_387 : memref<128xi32, #tpu.memory_space<vmem>>) semaphore(%arg22 : memref<!tpu.dma_semaphore, #tpu.memory_space<semaphore_mem>>)
        %dma_wait3A_390 = tpu.memref_slice %arg11[%multiple_of3A_244] : memref<8192xi32, #tpu.memory_space<vmem>> -> memref<128xi32, #tpu.memory_space<vmem>>
        %dma_wait3A_391 = arith.constant 0 : i32
        %dma_wait3A_392 = tpu.memref_slice %arg7[%add3A_241, %dma_wait3A_391] : memref<64x128xi32, #tpu.memory_space<vmem>> -> memref<1x128xi32, #tpu.memory_space<vmem>>
        %dma_wait3A_393 = tpu.memref_squeeze %dma_wait3A_392 : memref<1x128xi32, #tpu.memory_space<vmem>> -> memref<128xi32, #tpu.memory_space<vmem>>
        %dma_wait3A_394 = arith.constant 0 : i32
        %dma_wait3A_395 = tpu.memref_slice %arg20[%dma_wait3A_394] : memref<131072xi32, #tpu.memory_space<vmem_shared>> -> memref<131072xi32, #tpu.memory_space<vmem_shared>>
        tpu.wait_indirect_dma semaphore(%arg22 : memref<!tpu.dma_semaphore, #tpu.memory_space<semaphore_mem>>) src(%dma_wait3A_395 : memref<131072xi32, #tpu.memory_space<vmem_shared>>) dst(%dma_wait3A_390 : memref<128xi32, #tpu.memory_space<vmem>>)
        %dma_wait3A_396 = tpu.memref_slice %arg12[%multiple_of3A_244] : memref<8192xf32, #tpu.memory_space<vmem>> -> memref<128xf32, #tpu.memory_space<vmem>>
        %dma_wait3A_397 = arith.constant 0 : i32
        %dma_wait3A_398 = tpu.memref_slice %arg7[%add3A_241, %dma_wait3A_397] : memref<64x128xi32, #tpu.memory_space<vmem>> -> memref<1x128xi32, #tpu.memory_space<vmem>>
        %dma_wait3A_399 = tpu.memref_squeeze %dma_wait3A_398 : memref<1x128xi32, #tpu.memory_space<vmem>> -> memref<128xi32, #tpu.memory_space<vmem>>
        %dma_wait3A_400 = arith.constant 0 : i32
        %dma_wait3A_401 = tpu.memref_slice %arg21[%dma_wait3A_400] : memref<131072xf32, #tpu.memory_space<vmem_shared>> -> memref<131072xf32, #tpu.memory_space<vmem_shared>>
        tpu.wait_indirect_dma semaphore(%arg22 : memref<!tpu.dma_semaphore, #tpu.memory_space<semaphore_mem>>) src(%dma_wait3A_401 : memref<131072xf32, #tpu.memory_space<vmem_shared>>) dst(%dma_wait3A_396 : memref<128xf32, #tpu.memory_space<vmem>>)
        %dma_wait3A_402 = tpu.memref_slice %arg11[%multiple_of3A_263] : memref<8192xi32, #tpu.memory_space<vmem>> -> memref<128xi32, #tpu.memory_space<vmem>>
        %dma_wait3A_403 = arith.constant 0 : i32
        %dma_wait3A_404 = tpu.memref_slice %arg7[%add3A_260, %dma_wait3A_403] : memref<64x128xi32, #tpu.memory_space<vmem>> -> memref<1x128xi32, #tpu.memory_space<vmem>>
        %dma_wait3A_405 = tpu.memref_squeeze %dma_wait3A_404 : memref<1x128xi32, #tpu.memory_space<vmem>> -> memref<128xi32, #tpu.memory_space<vmem>>
        %dma_wait3A_406 = arith.constant 0 : i32
        %dma_wait3A_407 = tpu.memref_slice %arg20[%dma_wait3A_406] : memref<131072xi32, #tpu.memory_space<vmem_shared>> -> memref<131072xi32, #tpu.memory_space<vmem_shared>>
        tpu.wait_indirect_dma semaphore(%arg22 : memref<!tpu.dma_semaphore, #tpu.memory_space<semaphore_mem>>) src(%dma_wait3A_407 : memref<131072xi32, #tpu.memory_space<vmem_shared>>) dst(%dma_wait3A_402 : memref<128xi32, #tpu.memory_space<vmem>>)
        %dma_wait3A_408 = tpu.memref_slice %arg12[%multiple_of3A_263] : memref<8192xf32, #tpu.memory_space<vmem>> -> memref<128xf32, #tpu.memory_space<vmem>>
        %dma_wait3A_409 = arith.constant 0 : i32
        %dma_wait3A_410 = tpu.memref_slice %arg7[%add3A_260, %dma_wait3A_409] : memref<64x128xi32, #tpu.memory_space<vmem>> -> memref<1x128xi32, #tpu.memory_space<vmem>>
        %dma_wait3A_411 = tpu.memref_squeeze %dma_wait3A_410 : memref<1x128xi32, #tpu.memory_space<vmem>> -> memref<128xi32, #tpu.memory_space<vmem>>
        %dma_wait3A_412 = arith.constant 0 : i32
        %dma_wait3A_413 = tpu.memref_slice %arg21[%dma_wait3A_412] : memref<131072xf32, #tpu.memory_space<vmem_shared>> -> memref<131072xf32, #tpu.memory_space<vmem_shared>>
        tpu.wait_indirect_dma semaphore(%arg22 : memref<!tpu.dma_semaphore, #tpu.memory_space<semaphore_mem>>) src(%dma_wait3A_413 : memref<131072xf32, #tpu.memory_space<vmem_shared>>) dst(%dma_wait3A_408 : memref<128xf32, #tpu.memory_space<vmem>>)
        %dma_wait3A_414 = tpu.memref_slice %arg11[%multiple_of3A_282] : memref<8192xi32, #tpu.memory_space<vmem>> -> memref<128xi32, #tpu.memory_space<vmem>>
        %dma_wait3A_415 = arith.constant 0 : i32
        %dma_wait3A_416 = tpu.memref_slice %arg7[%add3A_279, %dma_wait3A_415] : memref<64x128xi32, #tpu.memory_space<vmem>> -> memref<1x128xi32, #tpu.memory_space<vmem>>
        %dma_wait3A_417 = tpu.memref_squeeze %dma_wait3A_416 : memref<1x128xi32, #tpu.memory_space<vmem>> -> memref<128xi32, #tpu.memory_space<vmem>>
        %dma_wait3A_418 = arith.constant 0 : i32
        %dma_wait3A_419 = tpu.memref_slice %arg20[%dma_wait3A_418] : memref<131072xi32, #tpu.memory_space<vmem_shared>> -> memref<131072xi32, #tpu.memory_space<vmem_shared>>
        tpu.wait_indirect_dma semaphore(%arg22 : memref<!tpu.dma_semaphore, #tpu.memory_space<semaphore_mem>>) src(%dma_wait3A_419 : memref<131072xi32, #tpu.memory_space<vmem_shared>>) dst(%dma_wait3A_414 : memref<128xi32, #tpu.memory_space<vmem>>)
        %dma_wait3A_420 = tpu.memref_slice %arg12[%multiple_of3A_282] : memref<8192xf32, #tpu.memory_space<vmem>> -> memref<128xf32, #tpu.memory_space<vmem>>
        %dma_wait3A_421 = arith.constant 0 : i32
        %dma_wait3A_422 = tpu.memref_slice %arg7[%add3A_279, %dma_wait3A_421] : memref<64x128xi32, #tpu.memory_space<vmem>> -> memref<1x128xi32, #tpu.memory_space<vmem>>
        %dma_wait3A_423 = tpu.memref_squeeze %dma_wait3A_422 : memref<1x128xi32, #tpu.memory_space<vmem>> -> memref<128xi32, #tpu.memory_space<vmem>>
        %dma_wait3A_424 = arith.constant 0 : i32
        %dma_wait3A_425 = tpu.memref_slice %arg21[%dma_wait3A_424] : memref<131072xf32, #tpu.memory_space<vmem_shared>> -> memref<131072xf32, #tpu.memory_space<vmem_shared>>
        tpu.wait_indirect_dma semaphore(%arg22 : memref<!tpu.dma_semaphore, #tpu.memory_space<semaphore_mem>>) src(%dma_wait3A_425 : memref<131072xf32, #tpu.memory_space<vmem_shared>>) dst(%dma_wait3A_420 : memref<128xf32, #tpu.memory_space<vmem>>)
        %dma_wait3A_426 = tpu.memref_slice %arg11[%multiple_of3A_301] : memref<8192xi32, #tpu.memory_space<vmem>> -> memref<128xi32, #tpu.memory_space<vmem>>
        %dma_wait3A_427 = arith.constant 0 : i32
        %dma_wait3A_428 = tpu.memref_slice %arg7[%add3A_298, %dma_wait3A_427] : memref<64x128xi32, #tpu.memory_space<vmem>> -> memref<1x128xi32, #tpu.memory_space<vmem>>
        %dma_wait3A_429 = tpu.memref_squeeze %dma_wait3A_428 : memref<1x128xi32, #tpu.memory_space<vmem>> -> memref<128xi32, #tpu.memory_space<vmem>>
        %dma_wait3A_430 = arith.constant 0 : i32
        %dma_wait3A_431 = tpu.memref_slice %arg20[%dma_wait3A_430] : memref<131072xi32, #tpu.memory_space<vmem_shared>> -> memref<131072xi32, #tpu.memory_space<vmem_shared>>
        tpu.wait_indirect_dma semaphore(%arg22 : memref<!tpu.dma_semaphore, #tpu.memory_space<semaphore_mem>>) src(%dma_wait3A_431 : memref<131072xi32, #tpu.memory_space<vmem_shared>>) dst(%dma_wait3A_426 : memref<128xi32, #tpu.memory_space<vmem>>)
        %dma_wait3A_432 = tpu.memref_slice %arg12[%multiple_of3A_301] : memref<8192xf32, #tpu.memory_space<vmem>> -> memref<128xf32, #tpu.memory_space<vmem>>
        %dma_wait3A_433 = arith.constant 0 : i32
        %dma_wait3A_434 = tpu.memref_slice %arg7[%add3A_298, %dma_wait3A_433] : memref<64x128xi32, #tpu.memory_space<vmem>> -> memref<1x128xi32, #tpu.memory_space<vmem>>
        %dma_wait3A_435 = tpu.memref_squeeze %dma_wait3A_434 : memref<1x128xi32, #tpu.memory_space<vmem>> -> memref<128xi32, #tpu.memory_space<vmem>>
        %dma_wait3A_436 = arith.constant 0 : i32
        %dma_wait3A_437 = tpu.memref_slice %arg21[%dma_wait3A_436] : memref<131072xf32, #tpu.memory_space<vmem_shared>> -> memref<131072xf32, #tpu.memory_space<vmem_shared>>
        tpu.wait_indirect_dma semaphore(%arg22 : memref<!tpu.dma_semaphore, #tpu.memory_space<semaphore_mem>>) src(%dma_wait3A_437 : memref<131072xf32, #tpu.memory_space<vmem_shared>>) dst(%dma_wait3A_432 : memref<128xf32, #tpu.memory_space<vmem>>)
        %dma_wait3A_438 = tpu.memref_slice %arg11[%multiple_of3A_320] : memref<8192xi32, #tpu.memory_space<vmem>> -> memref<128xi32, #tpu.memory_space<vmem>>
        %dma_wait3A_439 = arith.constant 0 : i32
        %dma_wait3A_440 = tpu.memref_slice %arg7[%add3A_317, %dma_wait3A_439] : memref<64x128xi32, #tpu.memory_space<vmem>> -> memref<1x128xi32, #tpu.memory_space<vmem>>
        %dma_wait3A_441 = tpu.memref_squeeze %dma_wait3A_440 : memref<1x128xi32, #tpu.memory_space<vmem>> -> memref<128xi32, #tpu.memory_space<vmem>>
        %dma_wait3A_442 = arith.constant 0 : i32
        %dma_wait3A_443 = tpu.memref_slice %arg20[%dma_wait3A_442] : memref<131072xi32, #tpu.memory_space<vmem_shared>> -> memref<131072xi32, #tpu.memory_space<vmem_shared>>
        tpu.wait_indirect_dma semaphore(%arg22 : memref<!tpu.dma_semaphore, #tpu.memory_space<semaphore_mem>>) src(%dma_wait3A_443 : memref<131072xi32, #tpu.memory_space<vmem_shared>>) dst(%dma_wait3A_438 : memref<128xi32, #tpu.memory_space<vmem>>)
        %dma_wait3A_444 = tpu.memref_slice %arg12[%multiple_of3A_320] : memref<8192xf32, #tpu.memory_space<vmem>> -> memref<128xf32, #tpu.memory_space<vmem>>
        %dma_wait3A_445 = arith.constant 0 : i32
        %dma_wait3A_446 = tpu.memref_slice %arg7[%add3A_317, %dma_wait3A_445] : memref<64x128xi32, #tpu.memory_space<vmem>> -> memref<1x128xi32, #tpu.memory_space<vmem>>
        %dma_wait3A_447 = tpu.memref_squeeze %dma_wait3A_446 : memref<1x128xi32, #tpu.memory_space<vmem>> -> memref<128xi32, #tpu.memory_space<vmem>>
        %dma_wait3A_448 = arith.constant 0 : i32
        %dma_wait3A_449 = tpu.memref_slice %arg21[%dma_wait3A_448] : memref<131072xf32, #tpu.memory_space<vmem_shared>> -> memref<131072xf32, #tpu.memory_space<vmem_shared>>
        tpu.wait_indirect_dma semaphore(%arg22 : memref<!tpu.dma_semaphore, #tpu.memory_space<semaphore_mem>>) src(%dma_wait3A_449 : memref<131072xf32, #tpu.memory_space<vmem_shared>>) dst(%dma_wait3A_444 : memref<128xf32, #tpu.memory_space<vmem>>)
        %dma_wait3A_450 = tpu.memref_slice %arg11[%multiple_of3A_339] : memref<8192xi32, #tpu.memory_space<vmem>> -> memref<128xi32, #tpu.memory_space<vmem>>
        %dma_wait3A_451 = arith.constant 0 : i32
        %dma_wait3A_452 = tpu.memref_slice %arg7[%add3A_336, %dma_wait3A_451] : memref<64x128xi32, #tpu.memory_space<vmem>> -> memref<1x128xi32, #tpu.memory_space<vmem>>
        %dma_wait3A_453 = tpu.memref_squeeze %dma_wait3A_452 : memref<1x128xi32, #tpu.memory_space<vmem>> -> memref<128xi32, #tpu.memory_space<vmem>>
        %dma_wait3A_454 = arith.constant 0 : i32
        %dma_wait3A_455 = tpu.memref_slice %arg20[%dma_wait3A_454] : memref<131072xi32, #tpu.memory_space<vmem_shared>> -> memref<131072xi32, #tpu.memory_space<vmem_shared>>
        tpu.wait_indirect_dma semaphore(%arg22 : memref<!tpu.dma_semaphore, #tpu.memory_space<semaphore_mem>>) src(%dma_wait3A_455 : memref<131072xi32, #tpu.memory_space<vmem_shared>>) dst(%dma_wait3A_450 : memref<128xi32, #tpu.memory_space<vmem>>)
        %dma_wait3A_456 = tpu.memref_slice %arg12[%multiple_of3A_339] : memref<8192xf32, #tpu.memory_space<vmem>> -> memref<128xf32, #tpu.memory_space<vmem>>
        %dma_wait3A_457 = arith.constant 0 : i32
        %dma_wait3A_458 = tpu.memref_slice %arg7[%add3A_336, %dma_wait3A_457] : memref<64x128xi32, #tpu.memory_space<vmem>> -> memref<1x128xi32, #tpu.memory_space<vmem>>
        %dma_wait3A_459 = tpu.memref_squeeze %dma_wait3A_458 : memref<1x128xi32, #tpu.memory_space<vmem>> -> memref<128xi32, #tpu.memory_space<vmem>>
        %dma_wait3A_460 = arith.constant 0 : i32
        %dma_wait3A_461 = tpu.memref_slice %arg21[%dma_wait3A_460] : memref<131072xf32, #tpu.memory_space<vmem_shared>> -> memref<131072xf32, #tpu.memory_space<vmem_shared>>
        tpu.wait_indirect_dma semaphore(%arg22 : memref<!tpu.dma_semaphore, #tpu.memory_space<semaphore_mem>>) src(%dma_wait3A_461 : memref<131072xf32, #tpu.memory_space<vmem_shared>>) dst(%dma_wait3A_456 : memref<128xf32, #tpu.memory_space<vmem>>)
        %dma_wait3A_462 = tpu.memref_slice %arg11[%multiple_of3A_358] : memref<8192xi32, #tpu.memory_space<vmem>> -> memref<128xi32, #tpu.memory_space<vmem>>
        %dma_wait3A_463 = arith.constant 0 : i32
        %dma_wait3A_464 = tpu.memref_slice %arg7[%add3A_355, %dma_wait3A_463] : memref<64x128xi32, #tpu.memory_space<vmem>> -> memref<1x128xi32, #tpu.memory_space<vmem>>
        %dma_wait3A_465 = tpu.memref_squeeze %dma_wait3A_464 : memref<1x128xi32, #tpu.memory_space<vmem>> -> memref<128xi32, #tpu.memory_space<vmem>>
        %dma_wait3A_466 = arith.constant 0 : i32
        %dma_wait3A_467 = tpu.memref_slice %arg20[%dma_wait3A_466] : memref<131072xi32, #tpu.memory_space<vmem_shared>> -> memref<131072xi32, #tpu.memory_space<vmem_shared>>
        tpu.wait_indirect_dma semaphore(%arg22 : memref<!tpu.dma_semaphore, #tpu.memory_space<semaphore_mem>>) src(%dma_wait3A_467 : memref<131072xi32, #tpu.memory_space<vmem_shared>>) dst(%dma_wait3A_462 : memref<128xi32, #tpu.memory_space<vmem>>)
        %dma_wait3A_468 = tpu.memref_slice %arg12[%multiple_of3A_358] : memref<8192xf32, #tpu.memory_space<vmem>> -> memref<128xf32, #tpu.memory_space<vmem>>
        %dma_wait3A_469 = arith.constant 0 : i32
        %dma_wait3A_470 = tpu.memref_slice %arg7[%add3A_355, %dma_wait3A_469] : memref<64x128xi32, #tpu.memory_space<vmem>> -> memref<1x128xi32, #tpu.memory_space<vmem>>
        %dma_wait3A_471 = tpu.memref_squeeze %dma_wait3A_470 : memref<1x128xi32, #tpu.memory_space<vmem>> -> memref<128xi32, #tpu.memory_space<vmem>>
        %dma_wait3A_472 = arith.constant 0 : i32
        %dma_wait3A_473 = tpu.memref_slice %arg21[%dma_wait3A_472] : memref<131072xf32, #tpu.memory_space<vmem_shared>> -> memref<131072xf32, #tpu.memory_space<vmem_shared>>
        tpu.wait_indirect_dma semaphore(%arg22 : memref<!tpu.dma_semaphore, #tpu.memory_space<semaphore_mem>>) src(%dma_wait3A_473 : memref<131072xf32, #tpu.memory_space<vmem_shared>>) dst(%dma_wait3A_468 : memref<128xf32, #tpu.memory_space<vmem>>)
        %dma_wait3A_474 = tpu.memref_slice %arg11[%multiple_of3A_377] : memref<8192xi32, #tpu.memory_space<vmem>> -> memref<128xi32, #tpu.memory_space<vmem>>
        %dma_wait3A_475 = arith.constant 0 : i32
        %dma_wait3A_476 = tpu.memref_slice %arg7[%add3A_374, %dma_wait3A_475] : memref<64x128xi32, #tpu.memory_space<vmem>> -> memref<1x128xi32, #tpu.memory_space<vmem>>
        %dma_wait3A_477 = tpu.memref_squeeze %dma_wait3A_476 : memref<1x128xi32, #tpu.memory_space<vmem>> -> memref<128xi32, #tpu.memory_space<vmem>>
        %dma_wait3A_478 = arith.constant 0 : i32
        %dma_wait3A_479 = tpu.memref_slice %arg20[%dma_wait3A_478] : memref<131072xi32, #tpu.memory_space<vmem_shared>> -> memref<131072xi32, #tpu.memory_space<vmem_shared>>
        tpu.wait_indirect_dma semaphore(%arg22 : memref<!tpu.dma_semaphore, #tpu.memory_space<semaphore_mem>>) src(%dma_wait3A_479 : memref<131072xi32, #tpu.memory_space<vmem_shared>>) dst(%dma_wait3A_474 : memref<128xi32, #tpu.memory_space<vmem>>)
        %dma_wait3A_480 = tpu.memref_slice %arg12[%multiple_of3A_377] : memref<8192xf32, #tpu.memory_space<vmem>> -> memref<128xf32, #tpu.memory_space<vmem>>
        %dma_wait3A_481 = arith.constant 0 : i32
        %dma_wait3A_482 = tpu.memref_slice %arg7[%add3A_374, %dma_wait3A_481] : memref<64x128xi32, #tpu.memory_space<vmem>> -> memref<1x128xi32, #tpu.memory_space<vmem>>
        %dma_wait3A_483 = tpu.memref_squeeze %dma_wait3A_482 : memref<1x128xi32, #tpu.memory_space<vmem>> -> memref<128xi32, #tpu.memory_space<vmem>>
        %dma_wait3A_484 = arith.constant 0 : i32
        %dma_wait3A_485 = tpu.memref_slice %arg21[%dma_wait3A_484] : memref<131072xf32, #tpu.memory_space<vmem_shared>> -> memref<131072xf32, #tpu.memory_space<vmem_shared>>
        tpu.wait_indirect_dma semaphore(%arg22 : memref<!tpu.dma_semaphore, #tpu.memory_space<semaphore_mem>>) src(%dma_wait3A_485 : memref<131072xf32, #tpu.memory_space<vmem_shared>>) dst(%dma_wait3A_480 : memref<128xf32, #tpu.memory_space<vmem>>)
        %scan3A_486 = arith.constant 0 : i32
        scf.yield %scan3A_486 : i32
      }
      %scan3A_224 = arith.constant 8 : i32
      %scan3A_225 = arith.constant 0 : i32
      %scan3A_226 = arith.constant 0 : i32
      %scan3A_227 = arith.constant 512 : i32
      %scan3A_228 = arith.addi %scan3A_226, %scan3A_227 : i32
      %scan3A_229 = arith.constant 1 : i32
      %scan3A_230 = scf.for %scan3A_236 = %scan3A_226 to %scan3A_228 step %scan3A_229 iter_args(%scan3A_237 = %scan3A_225) -> (i32)  : i32 {
        %shift_right_arithmetic3A = arith.constant 3 : i32
        %shift_right_arithmetic3A_238 = arith.shrsi %scan3A_236, %shift_right_arithmetic3A : i32
        %shift_right_arithmetic3A_239 = arith.constant 5 : i32
        %shift_right_arithmetic3A_240 = arith.shrsi %shift_right_arithmetic3A_238, %shift_right_arithmetic3A_239 : i32
        %mul3A_241 = arith.constant 32 : i32
        %mul3A_242 = arith.muli %shift_right_arithmetic3A_240, %mul3A_241 : i32
        %and3A_243 = arith.constant 3 : i32
        %and3A_244 = arith.andi %shift_right_arithmetic3A_238, %and3A_243 : i32
        %mul3A_245 = arith.constant 8 : i32
        %mul3A_246 = arith.muli %and3A_244, %mul3A_245 : i32
        %add3A_247 = arith.addi %mul3A_242, %mul3A_246 : i32
        %shift_right_arithmetic3A_248 = arith.constant 2 : i32
        %shift_right_arithmetic3A_249 = arith.shrsi %shift_right_arithmetic3A_238, %shift_right_arithmetic3A_248 : i32
        %and3A_250 = arith.constant 7 : i32
        %and3A_251 = arith.andi %shift_right_arithmetic3A_249, %and3A_250 : i32
        %add3A_252 = arith.addi %add3A_247, %and3A_251 : i32
        %mul3A_253 = arith.constant 128 : i32
        %mul3A_254 = arith.muli %add3A_252, %mul3A_253 : i32
        %and3A_255 = arith.constant 7 : i32
        %and3A_256 = arith.andi %scan3A_236, %and3A_255 : i32
        %mul3A_257 = arith.constant 16 : i32
        %mul3A_258 = arith.muli %and3A_256, %mul3A_257 : i32
        %add3A_259 = arith.addi %mul3A_254, %mul3A_258 : i32
        %mul3A_260 = arith.constant 16 : i32
        %mul3A_261 = arith.muli %scan3A_236, %mul3A_260 : i32
        %get3A = arith.index_cast %mul3A_261 : i32 to index
        %get3A_262 = tpu.vector_load %arg11[%get3A] {strides = array<i32>} : memref<8192xi32, #tpu.memory_space<vmem>>, vector<16xi32>,
        %bitcast3A = vector.bitcast %get3A_262 : vector<16xi32> to vector<32xbf16>
        %unpack3A = tpu.unpack_subelements %bitcast3A, 0 {pack_format = #tpu.pack_format<interleaved>} : vector<32xbf16> -> vector<16xf32>
        %unpack3A_263 = tpu.unpack_subelements %bitcast3A, 1 {pack_format = #tpu.pack_format<interleaved>} : vector<32xbf16> -> vector<16xf32>
        %mul3A_264 = arith.constant 4 : i32
        %mul3A_265 = arith.muli %shift_right_arithmetic3A_238, %mul3A_264 : i32
        %add3A_266 = arith.constant 0 : i32
        %add3A_267 = arith.addi %mul3A_265, %add3A_266 : i32
        %mul3A_268 = arith.constant 128 : i32
        %mul3A_269 = arith.muli %add3A_267, %mul3A_268 : i32
        %and3A_270 = arith.constant 7 : i32
        %and3A_271 = arith.andi %scan3A_236, %and3A_270 : i32
        %mul3A_272 = arith.constant 16 : i32
        %mul3A_273 = arith.muli %and3A_271, %mul3A_272 : i32
        %add3A_274 = arith.addi %mul3A_269, %mul3A_273 : i32
        %get3A_275 = arith.index_cast %add3A_259 : i32 to index
        %get3A_276 = tpu.vector_load %arg8[%get3A_275] {strides = array<i32>} : memref<8192xf32, #tpu.memory_space<vmem>>, vector<16xf32>,
        %add3A_277 = arith.addf %get3A_276, %unpack3A : vector<16xf32>
        %swap3A = arith.index_cast %add3A_274 : i32 to index
        %swap3A_278 = tpu.vector_load %arg19[%swap3A] {strides = array<i32>} : memref<32768xf32, #tpu.memory_space<vmem>>, vector<16xf32>,
        tpu.vector_store %arg19[%swap3A], %add3A_277 {strides = array<i32>} : memref<32768xf32, #tpu.memory_space<vmem>>, vector<16xf32>,
        %mul3A_279 = arith.constant 4 : i32
        %mul3A_280 = arith.muli %shift_right_arithmetic3A_238, %mul3A_279 : i32
        %add3A_281 = arith.constant 1 : i32
        %add3A_282 = arith.addi %mul3A_280, %add3A_281 : i32
        %mul3A_283 = arith.constant 128 : i32
        %mul3A_284 = arith.muli %add3A_282, %mul3A_283 : i32
        %and3A_285 = arith.constant 7 : i32
        %and3A_286 = arith.andi %scan3A_236, %and3A_285 : i32
        %mul3A_287 = arith.constant 16 : i32
        %mul3A_288 = arith.muli %and3A_286, %mul3A_287 : i32
        %add3A_289 = arith.addi %mul3A_284, %mul3A_288 : i32
        %get3A_290 = arith.index_cast %add3A_259 : i32 to index
        %get3A_291 = tpu.vector_load %arg9[%get3A_290] {strides = array<i32>} : memref<8192xf32, #tpu.memory_space<vmem>>, vector<16xf32>,
        %add3A_292 = arith.addf %get3A_291, %unpack3A_263 : vector<16xf32>
        %swap3A_293 = arith.index_cast %add3A_289 : i32 to index
        %swap3A_294 = tpu.vector_load %arg19[%swap3A_293] {strides = array<i32>} : memref<32768xf32, #tpu.memory_space<vmem>>, vector<16xf32>,
        tpu.vector_store %arg19[%swap3A_293], %add3A_292 {strides = array<i32>} : memref<32768xf32, #tpu.memory_space<vmem>>, vector<16xf32>,
        %mul3A_295 = arith.constant 4 : i32
        %mul3A_296 = arith.muli %shift_right_arithmetic3A_238, %mul3A_295 : i32
        %add3A_297 = arith.constant 2 : i32
        %add3A_298 = arith.addi %mul3A_296, %add3A_297 : i32
        %mul3A_299 = arith.constant 128 : i32
        %mul3A_300 = arith.muli %add3A_298, %mul3A_299 : i32
        %and3A_301 = arith.constant 7 : i32
        %and3A_302 = arith.andi %scan3A_236, %and3A_301 : i32
        %mul3A_303 = arith.constant 16 : i32
        %mul3A_304 = arith.muli %and3A_302, %mul3A_303 : i32
        %add3A_305 = arith.addi %mul3A_300, %mul3A_304 : i32
        %get3A_306 = arith.index_cast %mul3A_261 : i32 to index
        %get3A_307 = tpu.vector_load %arg12[%get3A_306] {strides = array<i32>} : memref<8192xf32, #tpu.memory_space<vmem>>, vector<16xf32>,
        %get3A_308 = arith.index_cast %add3A_259 : i32 to index
        %get3A_309 = tpu.vector_load %arg10[%get3A_308] {strides = array<i32>} : memref<8192xf32, #tpu.memory_space<vmem>>, vector<16xf32>,
        %add3A_310 = arith.addf %get3A_309, %get3A_307 : vector<16xf32>
        %swap3A_311 = arith.index_cast %add3A_305 : i32 to index
        %swap3A_312 = tpu.vector_load %arg19[%swap3A_311] {strides = array<i32>} : memref<32768xf32, #tpu.memory_space<vmem>>, vector<16xf32>,
        tpu.vector_store %arg19[%swap3A_311], %add3A_310 {strides = array<i32>} : memref<32768xf32, #tpu.memory_space<vmem>>, vector<16xf32>,
        %scan3A_313 = arith.constant 0 : i32
        scf.yield %scan3A_313 : i32
      }
      %scan3A_231 = arith.constant 512 : i32
      %mul3A_232 = arith.constant 4 : i32
      %mul3A_233 = arith.muli %add3A_20, %mul3A_232 : i32
      %multiple_of3A_234 = tpu.assume_multiple %mul3A_233, 8192 : i32
      "tpu.region"() ({
        %run_scoped3A = tpu.sem_alloc : memref<!tpu.dma_semaphore, #tpu.memory_space<semaphore_mem>>
        %dma_start3A_236 = tpu.memref_slice %arg6[%multiple_of3A_234] : memref<8388608xf32, #tpu.memory_space<hbm>> -> memref<32768xf32, #tpu.memory_space<hbm>>
        %dma_start3A_237 = tpu.memref_slice %arg6[%multiple_of3A_234] : memref<8388608xf32, #tpu.memory_space<hbm>> -> memref<32768xf32, #tpu.memory_space<hbm>>
        tpu.enqueue_dma source(%arg19 : memref<32768xf32, #tpu.memory_space<vmem>>) target(%dma_start3A_237 : memref<32768xf32, #tpu.memory_space<hbm>>) target_semaphore(%run_scoped3A : memref<!tpu.dma_semaphore, #tpu.memory_space<semaphore_mem>>)
        %dma_wait3A_238 = tpu.memref_slice %arg6[%multiple_of3A_234] : memref<8388608xf32, #tpu.memory_space<hbm>> -> memref<32768xf32, #tpu.memory_space<hbm>>
        %dma_wait3A_239 = tpu.memref_slice %arg6[%multiple_of3A_234] : memref<8388608xf32, #tpu.memory_space<hbm>> -> memref<32768xf32, #tpu.memory_space<hbm>>
        tpu.wait_dma2 semaphore(%run_scoped3A : memref<!tpu.dma_semaphore, #tpu.memory_space<semaphore_mem>>) src(%arg19 : memref<32768xf32, #tpu.memory_space<vmem>>) dst(%dma_wait3A_239 : memref<32768xf32, #tpu.memory_space<hbm>>)
        tpu.yield
      }) : () -> ()
      %scan3A_235 = arith.constant 0 : i32
      scf.yield %scan3A_235 : i32
    }
    %scan3A_15 = arith.constant 8 : i32
    return
  }
}

</mosaic_0001>

<sc_bundles>
// kernel: kernel.4.cloned.1.call-start
scs
__scs_entry_jumppad:
0x0: {  	(pc) =	sbr.rel $0x88, $3  }
0x1: {  	(tag) =	ssettag $0x0;
	lr =	simm.s32 $0x1  }
0x2: {  	[smem:$0x3F9E] =	sst lr;
	_ =	strace $0xD0000000  }
0x3: {  	_ = 	snop  }
0x4: {  	_ = 	snop  }
0x5: {  	_ = 	snop  }
0x6: {  	_ = 	snop  }
0x7: {  	_ = 	snop  }
__scs_overlays_trampoline_lowered:
0x8: {  	[smem:$0x3FAD] =	sst s0  }
0x9: {  	[smem:$0x3FAE] =	sst s1  }
0xa: {  	[smem:$0x3FAF] =	sst s2  }
0xb: {  	[smem:$0x3FB0] =	sst s3  }
0xc: {  	[smem:$0x3FB1] =	sst s4  }
0xd: {  	[smem:$0x3FB2] =	sst s5  }
0xe: {  	[smem:$0x3FB3] =	sst s6  }
0xf: {  	[smem:$0x3FB4] =	sst s7  }
0x10: {  	[smem:$0x3FB5] =	sst s8  }
0x11: {  	[smem:$0x3FB6] =	sst s9;
	s0 =	simm.s32 @!p0 $0x0  }
0x12: {  	s1 =	sld [smem:$0x3F9C];
	s0 =	simm.s32 @p0 $0x1  }
0x13: {  	[smem:$0x3FB7] =	sst s0;
	s0 =	simm.s32 @!p1 $0x0  }
0x14: {  	s2 =	sld [smem:$0x3F9B];
	s0 =	simm.s32 @p1 $0x1  }
0x15: {  	[smem:$0x3FB8] =	sst s0;
	s0 =	simm.s32 @!p2 $0x0  }
0x16: {  	s3 =	sld [smem:$0x3FDB];
	s0 =	simm.s32 @p2 $0x1  }
0x17: {  	s4 =	simm.s32 $0x1BF5;
	[smem:$0x3FBA] =	sst s0  }
0x18: {  	s0 =	sld [smem:$0x3F9D];
	_ =	swait.ge [sflag:s4], $0x0  }
0x19: {  	s7 =	sld [smem:$0x3F9E]  }
0x1a: {  	s8 =	sadd.s32 $0xFFFFE003, lr  }
0x1b: {  	s9 =	sadd.s32 $0xFFFFFEF7, lr;
	s5 =	simm.s32 $0xFFFFFFFF;
	p2 =	slt.u32 s8, $0xFFFFF086  }
0x1c: {  	p1 =	slt.u32 s9, $0xF7A;
	s5 =	simm.s32 @!p2 $0x0  }
0x1d: {  	s5 =	simm.s32 @p1 $0x1;
	p0 =	seq.s32 s7, s2  }
0x1e: {  	s7 =	smul.u32 @!p0 $0xF7A, s2;
	p2 =	seq.s32 @!p0 s5, $0x0  }
0x1f: {  	s9 =	smul.u32 $0xF7A, s1;
	s8 =	simm.s32 @!p0 $0x1BF5;
	p2 =	por !p2, p0  }
0x20: {  	[sflag:s8] =	ssyncset.s32 @!p0 $0xFFFFF086;
	s6 =	sadd.s32 @!p0 s3, s7;
	s7 =	simm.s32 @!p0 $0x108  }
0x21: {  	s3 =	sadd.s32 s3, s9;
	s6 =	sadd.s32 @!p0 $0x88, s6;
	s7 =	simm.s32 @p2 $0x1082  }
0x22: {  	[simem:s7], [sflag:s8] =	dma.local @!p0 [hbm:s6], $0xF7A  }
0x23: {  	s9 =	sor.u32 $0xD0000000, s2;
	s6 =	simm.s32 $0x108;
	_ =	swait.ge @!p0 [sflag:s8], $0x0  }
0x24: {  	s3 =	sadd.s32 $0x88, s3;
	s6 =	simm.s32 @!p1 $0x1082;
	[sflag:s4] =	ssyncset.s32 $0xFFFFF086  }
0x25: {  	[simem:s6], [sflag:s4] =	dma.local [hbm:s3], $0xF7A  }
0x26: {  	[smem:$0x3F9E] =	sst s1;
	(tag) =	ssettag s2;
	_ =	strace s9  }
0x27: {  	s1 =	sld [smem:$0x3FAE]  }
0x28: {  	s2 =	sld [smem:$0x3FAF]  }
0x29: {  	s4 =	sld [smem:$0x3FB1]  }
0x2a: {  	p0 =	seq.s32 s5, $0x0;
	s5 =	sld [smem:$0x3FB2]  }
0x2b: {  	s6 =	sld [smem:$0x3FB3]  }
0x2c: {  	s7 =	sld [smem:$0x3FB4]  }
0x2d: {  	s3 =	simm.s32 $0x108;
	s8 =	sld [smem:$0x3FB5]  }
0x2e: {  	s3 =	simm.s32 @!p0 $0x1082;
	s9 =	sld [smem:$0x3FB6]  }
0x2f: {  	lr =	sadd.s32 s0, s3;
	s0 =	sld [smem:$0x3FAD]  }
0x30: {  	s3 =	sld [smem:$0x3FB0]  }
0x31: {  	[smem:$0x3FB9] =	sst s10  }
0x32: {  	s10 =	sld [smem:$0x3FB7];
	_ =	sdelay $0x3  }
0x33: {  	p0 =	seq.s32 s10, $0x1;
	s10 =	sld [smem:$0x3FB9];
	_ =	sdelay $0x3  }
0x34: {  	[smem:$0x3FB9] =	sst s10  }
0x35: {  	s10 =	sld [smem:$0x3FB8];
	_ =	sdelay $0x3  }
0x36: {  	p1 =	seq.s32 s10, $0x1;
	s10 =	sld [smem:$0x3FB9];
	_ =	sdelay $0x3  }
0x37: {  	[smem:$0x3FB9] =	sst s10  }
0x38: {  	s10 =	sld [smem:$0x3FBA]  }
0x39: {  	_ = 	snop;
	(pc) =	sbr.ind lr, $3  }
0x3a: {  	_ = 	snop  }
0x3b: {  	_ = 	snop  }
0x3c: {  	p2 =	seq.s32 s10, $0x1;
	s10 =	sld [smem:$0x3FB9]  }
0x3d: {  	_ =	shalt  }
0x3e: {  	_ =	shalt  }
0x3f: {  	_ =	shalt  }
0x40: {  	_ =	shalt  }
0x41: {  	_ =	shalt  }
0x42: {  	_ =	shalt  }
0x43: {  	_ =	shalt  }
0x44: {  	_ =	shalt  }
0x45: {  	_ =	shalt  }
0x46: {  	_ =	shalt  }
0x47: {  	_ =	shalt  }
0x48: {  	_ =	shalt  }
0x49: {  	_ =	shalt  }
0x4a: {  	_ =	shalt  }
0x4b: {  	_ =	shalt  }
0x4c: {  	_ =	shalt  }
0x4d: {  	_ =	shalt  }
0x4e: {  	_ =	shalt  }
0x4f: {  	_ =	shalt  }
0x50: {  	_ =	shalt  }
0x51: {  	_ =	shalt  }
0x52: {  	_ =	shalt  }
0x53: {  	_ =	shalt  }
0x54: {  	_ =	shalt  }
0x55: {  	_ =	shalt  }
0x56: {  	_ =	shalt  }
0x57: {  	_ =	shalt  }
0x58: {  	_ =	shalt  }
0x59: {  	_ =	shalt  }
0x5a: {  	_ =	shalt  }
0x5b: {  	_ =	shalt  }
0x5c: {  	_ =	shalt  }
0x5d: {  	_ =	shalt  }
0x5e: {  	_ =	shalt  }
0x5f: {  	_ =	shalt  }
0x60: {  	_ =	shalt  }
0x61: {  	_ =	shalt  }
0x62: {  	_ =	shalt  }
0x63: {  	_ =	shalt  }
0x64: {  	_ =	shalt  }
0x65: {  	_ =	shalt  }
0x66: {  	_ =	shalt  }
0x67: {  	_ =	shalt  }
0x68: {  	_ =	shalt  }
0x69: {  	_ =	shalt  }
0x6a: {  	_ =	shalt  }
0x6b: {  	_ =	shalt  }
0x6c: {  	_ =	shalt  }
0x6d: {  	_ =	shalt  }
0x6e: {  	_ =	shalt  }
0x6f: {  	_ =	shalt  }
0x70: {  	_ =	shalt  }
0x71: {  	_ =	shalt  }
0x72: {  	_ =	shalt  }
0x73: {  	_ =	shalt  }
0x74: {  	_ =	shalt  }
0x75: {  	_ =	shalt  }
0x76: {  	_ =	shalt  }
0x77: {  	_ =	shalt  }
0x78: {  	_ =	shalt  }
0x79: {  	_ =	shalt  }
0x7a: {  	_ =	shalt  }
0x7b: {  	_ =	shalt  }
0x7c: {  	_ =	shalt  }
0x7d: {  	_ =	shalt  }
0x7e: {  	_ =	shalt  }
0x7f: {  	_ =	shalt  }
0x80: {  	_ =	shalt  }
0x81: {  	_ =	shalt  }
0x82: {  	_ =	shalt  }
0x83: {  	_ =	shalt  }
0x84: {  	_ =	shalt  }
0x85: {  	_ =	shalt  }
0x86: {  	_ =	shalt  }
0x87: {  	_ =	shalt  }
.Lfunc_end0:
.L_simem_size_0:
called_computation_lowered:
.L_overlay_start_0:
0x88: {  	s2 =	sld [smem:$0x3FD9]  }
0x89: {  	s3 =	sld [smem:$0x3FFE];
	_ =	sdelay $0x1  }
0x8a: {  	s1 =	srdreg.scid  }
0x8b: {  	s0 =	sand.u32 $0x1, s1  }
0x8c: {  	s17 =	sshll.u32 s0, $0xA;
	s2 =	sadd.s32 s3, s2  }
0x8d: {  	s2 =	sadd.s32 s2, s17  }
0x8e: {  	[smem:$0x3FC5] =	sst s2  }
0x8f: {  	_ = 	snop  }
0x90: {  	s2 =	sld [smem:$0x3FC9]  }
0x91: {  	s18 =	sld [smem:$0x3FC8];
	(tm) =	ssettm $0x1  }
0x92: {  	s4 =	sld [smem:$0x3FFB];
	_ =	sdelay $0x3  }
0x93: {  	_ =	strace s4  }
0x94: {  	s4 =	sld [smem:$0x3FFC];
	_ =	sdelay $0x3  }
0x95: {  	_ =	strace s4  }
0x96: {  	s4 =	sld [smem:$0x3FFD];
	_ =	sdelay $0x3  }
0x97: {  	_ =	strace s4  }
0x98: {  	_ =	strace $0x8FFFFFFF  }
0x99: {  	s19 =	sld [smem:$0x3FDB];
	_ =	sdelay $0x1  }
0x9a: {  	s5 =	simm.s32 $_scs_section_size  }
0x9b: {  	s6 =	simm.s32 $_size__tile_overlayer_lowered;
	s7 =	simm.s32 $_tile_overlayer_lowered  }
0x9c: {  	s22 =	simm.s32 $0x1BFF;
	s21 =	sshll.u32 s7, $0x1;
	s4 =	sadd.s32 s5, s19  }
0x9d: {  	s8 =	simm.s32 $0x0;
	s20 =	sshll.u32 s6, $0x1;
	s6 =	sadd.s32 s21, s4  }
0x9e: {  	[timem:s8], [sflag:s22] =	dma.local [hbm:s6], s20  }
0x9f: {  	_ =	swait.ge [sflag:s22], s20  }
0xa0: {  	s5 =	ssub.s32 $0x0, s20;
	[sflag:s22] =	ssyncset.done $0x0  }
0xa1: {  	[sflag:s22] =	ssyncadd.s32 s5;
	_ =	sdelay $0x1  }
0xa2: {  	s23 =	simm.s32 $0x1B8B  }
0xa3: {  	_ =	swait.ge [sflag:s23], $0x1  }
0xa4: {  	[sflag:s23] =	ssyncset.done $0x0  }
0xa5: {  	s25 =	simm.s32 $0x1B8E;
	s24 =	sld [smem:$0x3FFE];
	[sflag:s23] =	ssyncadd.s32 $0xFFFFFFFF  }
0xa6: {  	s26 =	simm.s32 $execute0_lowered;
	[smem:$0x3FD2] =	sst s25  }
0xa7: {  	s6 =	sshll.u32 s26, $0x1;
	_ =	strace $0x80000046;
	[dreg:$0x1] =	wrdreg $0xFFFFFFFF  }
0xa8: {  	s28 =	simm.s32 $_size_execute0_lowered;
	s4 =	sadd.s32 s4, s6;
	[dreg:$0x0] =	wrdreg $0x0  }
0xa9: {  	s6 =	sshll.u32 s28, $0x1;
	[dreg:$0x2] =	wrdreg s4  }
0xaa: {  	[dreg:$0x3] =	wrdreg s6  }
0xab: {  	[dreg:$0x4] =	wrdreg $0xC0  }
0xac: {  	_ =	task [dreg:s8], $0x5FFFF  }
0xad: {  	[dreg:$0x1] =	wrdreg $0xFFFFFFFF  }
0xae: {  	[dreg:$0x0] =	wrdreg $0x60  }
0xaf: {  	[dreg:$0x2] =	wrdreg s2  }
0xb0: {  	[dreg:$0x3] =	wrdreg s18  }
0xb1: {  	[dreg:$0x4] =	wrdreg s24  }
0xb2: {  	[dreg:$0x5] =	wrdreg $0xC0000  }
0xb3: {  	[dreg:$0x6] =	wrdreg $0xE0000  }
0xb4: {  	[dreg:$0x7] =	wrdreg $0x100000  }
0xb5: {  	[dreg:$0x8] =	wrdreg $0x120000  }
0xb6: {  	[dreg:$0x9] =	wrdreg $0x9  }
0xb7: {  	_ =	task.clear_ibuf [dreg:s8], $0xAFFFF;
	_ =	strace $0x90000046  }
0xb8: {  	s29 =	simm.s32 $0x9;
	_ =	strace $0x80000048  }
0xb9: {  	_ =	swait.ge [sflag:s29], $0x1  }
0xba: {  	[sflag:s29] =	ssyncadd.s32 $0xFFFFFFFF  }
0xbb: {  	_ =	strace $0x90000048  }
0xbc: {  	_ =	sfence  }
0xbd: {  	s30 =	sld [smem:$0x0];
	_ =	sdelay $0x2  }
0xbe: {  	s31 =	sshll.u32 s1, $0xD;
	s1 =	sshrl.u32 s1, $0x2  }
0xbf: {  	s3 =	sand.u32 $0x4000, s31;
	s1 =	sadd.s32 s1, s30  }
0xc0: {  	s0 =	sor.u32 s3, s0;
	s1 =	sshll.u32 s1, $0x11  }
0xc1: {  	s0 =	sor.u32 s1, s0  }
0xc2: {  	s0 =	sadd.s32 $0x8F2B, s0  }
0xc3: {  	[sflag:s0] =	ssyncadd.remote.s32 $0x1  }
0xc4: {  	_ =	sfence.sel $0xFFFF  }
0xc5: {  	[dreg:$0x0] =	wrdreg $0xFFFFFFFF;
	(pc) =	sbr.abs _section_cstart, $3  }
0xc6: {  	[dreg:$0x1] =	wrdreg $0xFFFFFFFF  }
0xc7: {  	_ =	task.clear_ibuf [dreg:s8], $0x2FFFF;
	_ =	strace $0x9FFFFFFF  }
0xc8: {  	(tm) =	ssettm $0x7FFFFFFF  }
0xc9: {  	_ =	shalt  }
tec
execute0_lowered:
.L_overlay_start_1:
0x0: {  	(tag) =	ssettag $0x1  }
0x1: {  	s0 =	rddreg [dreg:$0x0]  }
0x2: {  	s1 =	rddreg [dreg:$0x1]  }
0x3: {  	s6 =	rddreg [dreg:$0x2]  }
0x4: {  	s2 =	rddreg [dreg:$0x3]  }
0x5: {  	s3 =	rddreg [dreg:$0x4]  }
0x6: {  	s4 =	rddreg [dreg:$0x5]  }
0x7: {  	s5 =	rddreg [dreg:$0x6];
	s14 =	simm.s32 $0x0;
	s8 =	srdreg.scid  }
0x8: {  	s7 =	stileid.u32;
	[smem:$0x7FF] =	sst s14  }
0x9: {  	s8 =	sand.u32 $0x1, s8;
	s10 =	sshll.u32 s7, $0xC;
	s11 =	sshll.u32 s7, $0x1  }
0xa: {  	s13 =	sshll.u32 s7, $0xD;
	s25 =	sshrl.u32 s7, $0x1;
	_ =	strace $0x80000047  }
0xb: {  	s9 =	sshll.u32 s8, $0x10;
	s23 =	ssub.s32 $0x2, s8;
	s11 =	sor.u32 s8, s11  }
0xc: {  	s16 =	sadd.s32 s13, s2;
	s18 =	sadd.s32 s13, s3;
	s19 =	sor.u32 $0x1000, s13  }
0xd: {  	s9 =	sor.u32 s10, s9;
	s8 =	sshll.u32 s11, $0xD;
	[dreg:$0xa] =	wrdreg s16  }
0xe: {  	s26 =	sshll.u32 s11, $0x4;
	s21 =	sadd.s32 s19, s2;
	[dreg:$0xc] =	wrdreg s18  }
0xf: {  	s10 =	smul.u32 $0xC0, s25;
	s22 =	sadd.s32 s19, s3;
	[dreg:$0x16] =	wrdreg s21  }
0x10: {  	s25 =	sadd.s32 s13, s4;
	s11 =	sor.u32 $0x800, s13;
	[dreg:$0x17] =	wrdreg s22  }
0x11: {  	s20 =	sor.u32 $0x1800, s13;
	s15 =	sadd.s32 s11, s3;
	[dreg:$0xe] =	wrdreg s25  }
0x12: {  	s24 =	sshrl.u32 s23, $0x1;
	s17 =	sadd.s32 s11, s4;
	[dreg:$0x13] =	wrdreg s15  }
0x13: {  	s8 =	sadd.s32 s1, s8;
	s1 =	sadd.s32 s11, s5;
	[dreg:$0x14] =	wrdreg s17  }
0x14: {  	s12 =	ssub.s32 s23, s24;
	s23 =	sadd.s32 s19, s4;
	[dreg:$0x15] =	wrdreg s1  }
0x15: {  	s6 =	sadd.s32 s9, s6;
	s24 =	sadd.s32 s20, s2;
	[dreg:$0x18] =	wrdreg s23  }
0x16: {  	s9 =	sand.u32 $0x30, s26;
	s26 =	sadd.s32 s13, s5;
	[dreg:$0x1a] =	wrdreg s24  }
0x17: {  	s29 =	sadd.s32 $0xA00, s6;
	[dreg:$0x10] =	wrdreg s26  }
0x18: {  	s28 =	simm.s32 $0x0;
	s30 =	sadd.s32 $0xA10, s6;
	[dreg:$0x9] =	wrdreg s29  }
0x19: {  	s21 =	simm.s32 $0x2;
	s31 =	sadd.s32 $0xA20, s6;
	[dreg:$0xb] =	wrdreg s30  }
0x1a: {  	s22 =	simm.s32 $0x80;
	s6 =	sadd.s32 $0xA30, s6;
	[dreg:$0xd] =	wrdreg s31  }
0x1b: {  	s7 =	smax.u32 s12, $0x1;
	s12 =	sadd.s32 s11, s2;
	[dreg:$0xf] =	wrdreg s6  }
0x1c: {  	s1 =	sadd.s32 s19, s5;
	s11 =	sadd.s32 $0x80, s10;
	[dreg:$0x11] =	wrdreg s7  }
0x1d: {  	s15 =	simm.s32 $0x3;
	s17 =	simm.s32 $0x2000;
	[dreg:$0x12] =	wrdreg s12  }
0x1e: {  	s19 =	simm.s32 $0x4000;
	[dreg:$0x19] =	wrdreg s1;
	s29 =	sadd.s32 s20, s3  }
0x1f: {  	s23 =	simm.s32 $0x8000;
	s30 =	sadd.s32 s20, s4;
	[dreg:$0x1b] =	wrdreg s29  }
0x20: {  	s24 =	simm.s32 $0x1;
	s31 =	sadd.s32 s20, s5;
	[dreg:$0x1c] =	wrdreg s30  }
0x21: {  	v0 =	vimm.f32 $1.000000000e+00;
	v1 =	vimm.f32 $0.0e+00;
	s6 =	sadd.s32 $0x40, s10;
	s20 =	simm.s32 $0x6000;
	[dreg:$0x1d] =	wrdreg s31  }
.LBB2_1:
0x22: {  	[dreg:$0x8] =	wrdreg s14;
	s1 =	simm.s32 $0x40;
	s12 =	simm.s32 $0x0  }
.LBB2_2:
0x23: {  	p0 =	sne.s32 s1, $0x7FC0;
	[tilespmem:s12+$0x8000] =	vst v0;
	s14 =	smov.u32 s1;
	s1 =	sadd.s32 $0x40, s1  }
.Ltmp0:
0x24: {  	[tilespmem:s12+$0xA000] =	vst v1;
	(pc) =	sbr.rel @p0 .LBB2_2-.Ltmp0, $2  }
0x25: {  	_ =	sdelay $0x2  }
0x26: {  	s12 =	sshra.s32 s14, $0x2  }
0x27: {  	[tilespmem:s12+$0x8000] =	vst v0  }
0x28: {  	[tilespmem:s12+$0xA000] =	vst v1;
	s7 =	simm.s32 $0xA000  }
0x29: {  	[spmem:s16] =	stream.linear.scatter [tilespmem:s7], [sflag:$0x3], $0x800, $0x38;
	[tilespmem:$0x14000] =	vst v63  }
0x2a: {  	_ =	swait.ge [sflag:s15], $0x800  }
0x2b: {  	[sflag:s15] =	ssyncset.done $0x0  }
0x2c: {  	[sflag:s15] =	ssyncadd.s32 $0xFFFFF800  }
0x2d: {  	[spmem:s18] =	stream.linear.scatter [tilespmem:s7], [sflag:$0x3], $0x800, $0x38;
	[tilespmem:$0x14000] =	vst v63  }
0x2e: {  	_ =	swait.ge [sflag:s15], $0x800  }
0x2f: {  	[sflag:s15] =	ssyncset.done $0x0  }
0x30: {  	[sflag:s15] =	ssyncadd.s32 $0xFFFFF800  }
0x31: {  	[spmem:s25] =	stream.linear.scatter [tilespmem:s7], [sflag:$0x3], $0x800, $0x38;
	[tilespmem:$0x14000] =	vst v63  }
0x32: {  	_ =	swait.ge [sflag:s15], $0x800  }
0x33: {  	[sflag:s15] =	ssyncset.done $0x0  }
0x34: {  	[sflag:s15] =	ssyncadd.s32 $0xFFFFF800  }
0x35: {  	[spmem:s26] =	stream.linear.scatter [tilespmem:s7], [sflag:$0x3], $0x800, $0x38;
	[tilespmem:$0x14000] =	vst v63  }
0x36: {  	_ =	swait.ge [sflag:s15], $0x800  }
0x37: {  	[sflag:s15] =	ssyncset.done $0x0  }
0x38: {  	s1 =	rddreg [dreg:$0x12];
	[sflag:s15] =	ssyncadd.s32 $0xFFFFF800  }
0x39: {  	[spmem:s1] =	stream.linear.scatter [tilespmem:s7], [sflag:$0x3], $0x800, $0x38;
	[tilespmem:$0x14000] =	vst v63  }
0x3a: {  	_ =	swait.ge [sflag:s15], $0x800  }
0x3b: {  	[sflag:s15] =	ssyncset.done $0x0  }
0x3c: {  	s30 =	rddreg [dreg:$0x13];
	[sflag:s15] =	ssyncadd.s32 $0xFFFFF800  }
0x3d: {  	[spmem:s30] =	stream.linear.scatter [tilespmem:s7], [sflag:$0x3], $0x800, $0x38;
	[tilespmem:$0x14000] =	vst v63  }
0x3e: {  	_ =	swait.ge [sflag:s15], $0x800  }
0x3f: {  	[sflag:s15] =	ssyncset.done $0x0  }
0x40: {  	s31 =	rddreg [dreg:$0x14];
	[sflag:s15] =	ssyncadd.s32 $0xFFFFF800  }
0x41: {  	[spmem:s31] =	stream.linear.scatter [tilespmem:s7], [sflag:$0x3], $0x800, $0x38;
	[tilespmem:$0x14000] =	vst v63  }
0x42: {  	_ =	swait.ge [sflag:s15], $0x800  }
0x43: {  	[sflag:s15] =	ssyncset.done $0x0  }
0x44: {  	s12 =	rddreg [dreg:$0x15];
	[sflag:s15] =	ssyncadd.s32 $0xFFFFF800  }
0x45: {  	[spmem:s12] =	stream.linear.scatter [tilespmem:s7], [sflag:$0x3], $0x800, $0x38;
	[tilespmem:$0x14000] =	vst v63  }
0x46: {  	_ =	swait.ge [sflag:s15], $0x800  }
0x47: {  	[sflag:s15] =	ssyncset.done $0x0  }
0x48: {  	s13 =	rddreg [dreg:$0x16];
	[sflag:s15] =	ssyncadd.s32 $0xFFFFF800  }
0x49: {  	[spmem:s13] =	stream.linear.scatter [tilespmem:s7], [sflag:$0x3], $0x800, $0x38;
	[tilespmem:$0x14000] =	vst v63  }
0x4a: {  	_ =	swait.ge [sflag:s15], $0x800  }
0x4b: {  	[sflag:s15] =	ssyncset.done $0x0  }
0x4c: {  	s14 =	rddreg [dreg:$0x17];
	[sflag:s15] =	ssyncadd.s32 $0xFFFFF800  }
0x4d: {  	[spmem:s14] =	stream.linear.scatter [tilespmem:s7], [sflag:$0x3], $0x800, $0x38;
	[tilespmem:$0x14000] =	vst v63  }
0x4e: {  	_ =	swait.ge [sflag:s15], $0x800  }
0x4f: {  	[sflag:s15] =	ssyncset.done $0x0  }
0x50: {  	s16 =	rddreg [dreg:$0x18];
	[sflag:s15] =	ssyncadd.s32 $0xFFFFF800  }
0x51: {  	[spmem:s16] =	stream.linear.scatter [tilespmem:s7], [sflag:$0x3], $0x800, $0x38;
	[tilespmem:$0x14000] =	vst v63  }
0x52: {  	_ =	swait.ge [sflag:s15], $0x800  }
0x53: {  	[sflag:s15] =	ssyncset.done $0x0  }
0x54: {  	s18 =	rddreg [dreg:$0x19];
	[sflag:s15] =	ssyncadd.s32 $0xFFFFF800  }
0x55: {  	[spmem:s18] =	stream.linear.scatter [tilespmem:s7], [sflag:$0x3], $0x800, $0x38;
	[tilespmem:$0x14000] =	vst v63  }
0x56: {  	_ =	swait.ge [sflag:s15], $0x800  }
0x57: {  	[sflag:s15] =	ssyncset.done $0x0  }
0x58: {  	s25 =	rddreg [dreg:$0x1a];
	[sflag:s15] =	ssyncadd.s32 $0xFFFFF800  }
0x59: {  	[spmem:s25] =	stream.linear.scatter [tilespmem:s7], [sflag:$0x3], $0x800, $0x38;
	[tilespmem:$0x14000] =	vst v63  }
0x5a: {  	_ =	swait.ge [sflag:s15], $0x800  }
0x5b: {  	[sflag:s15] =	ssyncset.done $0x0  }
0x5c: {  	s26 =	rddreg [dreg:$0x1b];
	[sflag:s15] =	ssyncadd.s32 $0xFFFFF800  }
0x5d: {  	[spmem:s26] =	stream.linear.scatter [tilespmem:s7], [sflag:$0x3], $0x800, $0x38;
	[tilespmem:$0x14000] =	vst v63  }
0x5e: {  	_ =	swait.ge [sflag:s15], $0x800  }
0x5f: {  	[sflag:s15] =	ssyncset.done $0x0  }
0x60: {  	s30 =	rddreg [dreg:$0x1c];
	[sflag:s15] =	ssyncadd.s32 $0xFFFFF800  }
0x61: {  	[spmem:s30] =	stream.linear.scatter [tilespmem:s7], [sflag:$0x3], $0x800, $0x38;
	[tilespmem:$0x14000] =	vst v63  }
0x62: {  	_ =	swait.ge [sflag:s15], $0x800  }
0x63: {  	[sflag:s15] =	ssyncset.done $0x0  }
0x64: {  	s31 =	rddreg [dreg:$0x1d];
	[sflag:s15] =	ssyncadd.s32 $0xFFFFF800  }
0x65: {  	[spmem:s31] =	stream.linear.scatter [tilespmem:s7], [sflag:$0x3], $0x800, $0x38;
	[tilespmem:$0x14000] =	vst v63  }
0x66: {  	_ =	swait.ge [sflag:s15], $0x800  }
0x67: {  	[sflag:s15] =	ssyncset.done $0x0  }
0x68: {  	[sflag:s15] =	ssyncadd.s32 $0xFFFFF800  }
0x69: {  	s29 =	simm.s32 $0x0;
	[bflag:$0x0] =	sbarrier.arrive $0xFFFF  }
.LBB2_4:
0x6a: {  	s1 =	sshll.u32 s29, $0xA  }
0x6b: {  	s12 =	sshll.u32 s29, $0x1;
	s1 =	sadd.s32 s1, s8  }
0x6c: {  	[tilespmem:s28], [sflag:$0x2] =	stream.linear.gather [hbm4b:s1+s28], $0x2000, $0x38;
	[tilespmem:$0x14000] =	vst v63  }
0x6d: {  	s1 =	sadd.s32 s9, s12  }
0x6e: {  	s12 =	sadd.s32 s10, s1  }
0x6f: {  	s12 =	sshll.u32 s12, $0x9  }
0x70: {  	s13 =	sadd.s32 s6, s1;
	s12 =	sadd.s32 s0, s12  }
0x71: {  	[tilespmem:s17], [sflag:$0x2] =	stream.linear.gather [hbm4b:s12+s28], $0x2000, $0x38;
	[tilespmem:$0x14000] =	vst v63  }
0x72: {  	s1 =	sadd.s32 s11, s1;
	s12 =	sshll.u32 s13, $0x9  }
0x73: {  	s1 =	sshll.u32 s1, $0x9;
	s12 =	sand.u32 $0x1FFFFC00, s12  }
0x74: {  	s1 =	sand.u32 $0x1FFFFC00, s1;
	s12 =	sadd.s32 s0, s12  }
0x75: {  	[tilespmem:s19], [sflag:$0x2] =	stream.linear.gather [hbm4b:s12+s28], $0x2000, $0x38;
	[tilespmem:$0x14000] =	vst v63  }
0x76: {  	s1 =	sadd.s32 s0, s1  }
0x77: {  	[tilespmem:s20], [sflag:$0x2] =	stream.linear.gather [hbm4b:s1+s28], $0x2000, $0x38;
	[tilespmem:$0x14000] =	vst v63  }
0x78: {  	_ =	swait.ge [sflag:s21], $0x2000  }
0x79: {  	[sflag:s21] =	ssyncset.done $0x0  }
0x7a: {  	[sflag:s21] =	ssyncadd.s32 $0xFFFFE000  }
0x7b: {  	_ =	swait.ge [sflag:s21], $0x2000  }
0x7c: {  	[sflag:s21] =	ssyncset.done $0x0  }
0x7d: {  	[sflag:s21] =	ssyncadd.s32 $0xFFFFE000  }
0x7e: {  	_ =	swait.ge [sflag:s21], $0x2000  }
0x7f: {  	[sflag:s21] =	ssyncset.done $0x0  }
0x80: {  	s14 =	sand.u32 $0x20, s28;
	s16 =	sand.u32 $0x7, s28;
	[sflag:s21] =	ssyncadd.s32 $0xFFFFE000  }
0x81: {  	s1 =	sor.u32 s16, s14;
	_ =	swait.ge [sflag:s21], $0x2000  }
0x82: {  	s14 =	simm.s32 $0x0;
	s1 =	sshll.u32 s1, $0x7;
	[sflag:s21] =	ssyncset.done $0x0  }
0x83: {  	s16 =	simm.s32 $0x0;
	s18 =	sor.u32 $0x2000, s1;
	[sflag:s21] =	ssyncadd.s32 $0xFFFFE000  }
0x84: {  	[spmem:s2] =	stream.indirect.scatter.add.f32 [tilespmem:s18], [sflag:$0x1], $0x1, s14, s22, $0xb8;
	[tilespmem:$0x14000] =	vst v63  }
0x85: {  	s16 =	sand.u32 $0xFFFFF000, s16;
	s25 =	sor.u32 $0x4000, s1  }
0x86: {  	[spmem:s3] =	stream.indirect.scatter.add.f32 [tilespmem:s25], [sflag:$0x1], $0x1, s14, s22, $0xb8;
	[tilespmem:$0x14000] =	vst v63  }
0x87: {  	s26 =	sor.u32 $0x6000, s1;
	s16 =	sadd.s32 $0x0, s16  }
0x88: {  	[spmem:s4] =	stream.indirect.scatter.add.f32 [tilespmem:s26], [sflag:$0x1], $0x1, s14, s22, $0xb8;
	[tilespmem:$0x14000] =	vst v63  }
0x89: {  	s7 =	sor.u32 $0x400, s16  }
0x8a: {  	[spmem:s5] =	stream.indirect.scatter.add.f32 [tilespmem:s23], [sflag:$0x1], $0x1, s14, s22, $0xb8;
	[tilespmem:$0x14000] =	vst v63  }
0x8b: {  	s30 =	simm.s32 $0x80;
	s13 =	sadd.s32 $0x2000, s7  }
0x8c: {  	[spmem:s2] =	stream.indirect.scatter.add.f32 [tilespmem:s13], [sflag:$0x1], $0x1, s30, s22, $0xb8;
	[tilespmem:$0x14000] =	vst v63  }
0x8d: {  	s18 =	sadd.s32 $0x4000, s7  }
0x8e: {  	[spmem:s3] =	stream.indirect.scatter.add.f32 [tilespmem:s18], [sflag:$0x1], $0x1, s30, s22, $0xb8;
	[tilespmem:$0x14000] =	vst v63  }
0x8f: {  	s12 =	sadd.s32 $0x6000, s7  }
0x90: {  	[spmem:s4] =	stream.indirect.scatter.add.f32 [tilespmem:s12], [sflag:$0x1], $0x1, s30, s22, $0xb8;
	[tilespmem:$0x14000] =	vst v63  }
0x91: {  	_ = 	snop  }
0x92: {  	[spmem:s5] =	stream.indirect.scatter.add.f32 [tilespmem:s23], [sflag:$0x1], $0x1, s30, s22, $0xb8;
	[tilespmem:$0x14000] =	vst v63  }
0x93: {  	s25 =	sor.u32 $0x2800, s1;
	s26 =	simm.s32 $0x100  }
0x94: {  	[spmem:s2] =	stream.indirect.scatter.add.f32 [tilespmem:s25], [sflag:$0x1], $0x1, s26, s22, $0xb8;
	[tilespmem:$0x14000] =	vst v63  }
0x95: {  	s7 =	sor.u32 $0x4800, s1  }
0x96: {  	[spmem:s3] =	stream.indirect.scatter.add.f32 [tilespmem:s7], [sflag:$0x1], $0x1, s26, s22, $0xb8;
	[tilespmem:$0x14000] =	vst v63  }
0x97: {  	s1 =	sor.u32 $0x6800, s1  }
0x98: {  	[spmem:s4] =	stream.indirect.scatter.add.f32 [tilespmem:s1], [sflag:$0x1], $0x1, s26, s22, $0xb8;
	[tilespmem:$0x14000] =	vst v63  }
0x99: {  	s13 =	sor.u32 $0xC00, s16  }
0x9a: {  	[spmem:s5] =	stream.indirect.scatter.add.f32 [tilespmem:s23], [sflag:$0x1], $0x1, s26, s22, $0xb8;
	[tilespmem:$0x14000] =	vst v63  }
0x9b: {  	s16 =	sadd.s32 $0x2000, s13;
	s18 =	simm.s32 $0x180  }
0x9c: {  	[spmem:s2] =	stream.indirect.scatter.add.f32 [tilespmem:s16], [sflag:$0x1], $0x1, s18, s22, $0xb8;
	[tilespmem:$0x14000] =	vst v63  }
0x9d: {  	s25 =	sadd.s32 $0x4000, s13  }
0x9e: {  	[spmem:s3] =	stream.indirect.scatter.add.f32 [tilespmem:s25], [sflag:$0x1], $0x1, s18, s22, $0xb8;
	[tilespmem:$0x14000] =	vst v63  }
0x9f: {  	s1 =	sadd.s32 $0x6000, s13  }
0xa0: {  	[spmem:s4] =	stream.indirect.scatter.add.f32 [tilespmem:s1], [sflag:$0x1], $0x1, s18, s22, $0xb8;
	[tilespmem:$0x14000] =	vst v63  }
0xa1: {  	_ = 	snop  }
0xa2: {  	[spmem:s5] =	stream.indirect.scatter.add.f32 [tilespmem:s23], [sflag:$0x1], $0x1, s18, s22, $0xb8;
	[tilespmem:$0x14000] =	vst v63  }
0xa3: {  	_ =	swait.ge [sflag:s24], $0x80  }
0xa4: {  	[sflag:s24] =	ssyncset.done $0x0  }
0xa5: {  	[sflag:s24] =	ssyncadd.s32 $0xFFFFFF80  }
0xa6: {  	_ =	swait.ge [sflag:s24], $0x80  }
0xa7: {  	[sflag:s24] =	ssyncset.done $0x0  }
0xa8: {  	[sflag:s24] =	ssyncadd.s32 $0xFFFFFF80  }
0xa9: {  	_ =	swait.ge [sflag:s24], $0x80  }
0xaa: {  	[sflag:s24] =	ssyncset.done $0x0  }
0xab: {  	[sflag:s24] =	ssyncadd.s32 $0xFFFFFF80  }
0xac: {  	_ =	swait.ge [sflag:s24], $0x80  }
0xad: {  	[sflag:s24] =	ssyncset.done $0x0  }
0xae: {  	[sflag:s24] =	ssyncadd.s32 $0xFFFFFF80  }
0xaf: {  	_ =	swait.ge [sflag:s24], $0x80  }
0xb0: {  	[sflag:s24] =	ssyncset.done $0x0  }
0xb1: {  	[sflag:s24] =	ssyncadd.s32 $0xFFFFFF80  }
0xb2: {  	_ =	swait.ge [sflag:s24], $0x80  }
0xb3: {  	[sflag:s24] =	ssyncset.done $0x0  }
0xb4: {  	[sflag:s24] =	ssyncadd.s32 $0xFFFFFF80  }
0xb5: {  	_ =	swait.ge [sflag:s24], $0x80  }
0xb6: {  	[sflag:s24] =	ssyncset.done $0x0  }
0xb7: {  	[sflag:s24] =	ssyncadd.s32 $0xFFFFFF80  }
0xb8: {  	_ =	swait.ge [sflag:s24], $0x80  }
0xb9: {  	[sflag:s24] =	ssyncset.done $0x0  }
0xba: {  	[sflag:s24] =	ssyncadd.s32 $0xFFFFFF80  }
0xbb: {  	_ =	swait.ge [sflag:s24], $0x80  }
0xbc: {  	[sflag:s24] =	ssyncset.done $0x0  }
0xbd: {  	[sflag:s24] =	ssyncadd.s32 $0xFFFFFF80  }
0xbe: {  	_ =	swait.ge [sflag:s24], $0x80  }
0xbf: {  	[sflag:s24] =	ssyncset.done $0x0  }
0xc0: {  	[sflag:s24] =	ssyncadd.s32 $0xFFFFFF80  }
0xc1: {  	_ =	swait.ge [sflag:s24], $0x80  }
0xc2: {  	[sflag:s24] =	ssyncset.done $0x0  }
0xc3: {  	[sflag:s24] =	ssyncadd.s32 $0xFFFFFF80  }
0xc4: {  	_ =	swait.ge [sflag:s24], $0x80  }
0xc5: {  	[sflag:s24] =	ssyncset.done $0x0  }
0xc6: {  	[sflag:s24] =	ssyncadd.s32 $0xFFFFFF80  }
0xc7: {  	_ =	swait.ge [sflag:s24], $0x80  }
0xc8: {  	[sflag:s24] =	ssyncset.done $0x0  }
0xc9: {  	[sflag:s24] =	ssyncadd.s32 $0xFFFFFF80  }
0xca: {  	s14 =	simm.s32 $0x1;
	s30 =	simm.s32 $0x4;
	_ =	swait.ge [sflag:s24], $0x80  }
0xcb: {  	s31 =	sand.u32 $0x7, s14;
	s26 =	sand.u32 $0x20, s30;
	[sflag:s24] =	ssyncset.done $0x0  }
0xcc: {  	s12 =	simm.s32 $0x800;
	s16 =	sor.u32 s31, s26;
	[sflag:s24] =	ssyncadd.s32 $0xFFFFFF80  }
0xcd: {  	s31 =	simm.s32 $0x0;
	s1 =	simm.s32 $0x1000;
	_ =	swait.ge [sflag:s24], $0x80  }
.LBB2_5:
0xce: {  	s18 =	sshll.u32 s16, $0x7  }
0xcf: {  	[sflag:s24] =	ssyncset.done $0x0;
	s31 =	sadd.s32 $0x80, s31;
	s25 =	smov.u32 s1  }
0xd0: {  	s16 =	sshra.s32 s12, $0x2;
	s26 =	sor.u32 $0x2000, s18;
	[sflag:s24] =	ssyncadd.s32 $0xFFFFFF80  }
0xd1: {  	p0 =	sne.s32 s1, $0x7800;
	s1 =	sadd.s32 $0x800, s1;
	_ =	swait.ge [sflag:s24], $0x80  }
0xd2: {  	s7 =	sor.u32 $0x4000, s18;
	s12 =	smov.u32 s25;
	[sflag:s24] =	ssyncset.done $0x0  }
0xd3: {  	[sflag:s24] =	ssyncadd.s32 $0xFFFFFF80  }
0xd4: {  	s25 =	sshll.u32 s30, $0x7;
	s13 =	sor.u32 $0x6000, s18  }
0xd5: {  	[spmem:s2] =	stream.indirect.scatter.add.f32 [tilespmem:s26], [sflag:$0x1], $0x1, s16, s22, $0xb8;
	[tilespmem:$0x14000] =	vst v63  }
0xd6: {  	s25 =	sand.u32 $0xFFFFF000, s25  }
0xd7: {  	[spmem:s3] =	stream.indirect.scatter.add.f32 [tilespmem:s7], [sflag:$0x1], $0x1, s16, s22, $0xb8;
	[tilespmem:$0x14000] =	vst v63  }
0xd8: {  	s7 =	sadd.s32 s25, s31  }
0xd9: {  	[spmem:s4] =	stream.indirect.scatter.add.f32 [tilespmem:s13], [sflag:$0x1], $0x1, s16, s22, $0xb8;
	[tilespmem:$0x14000] =	vst v63  }
0xda: {  	s13 =	sor.u32 $0x400, s7;
	s7 =	sor.u32 $0xC00, s7  }
0xdb: {  	[spmem:s5] =	stream.indirect.scatter.add.f32 [tilespmem:s23], [sflag:$0x1], $0x1, s16, s22, $0xb8;
	[tilespmem:$0x14000] =	vst v63  }
0xdc: {  	s26 =	sadd.s32 $0x80, s16;
	s25 =	sadd.s32 $0x2000, s13  }
0xdd: {  	[spmem:s2] =	stream.indirect.scatter.add.f32 [tilespmem:s25], [sflag:$0x1], $0x1, s26, s22, $0xb8;
	[tilespmem:$0x14000] =	vst v63  }
0xde: {  	s25 =	sadd.s32 $0x4000, s13  }
0xdf: {  	[spmem:s3] =	stream.indirect.scatter.add.f32 [tilespmem:s25], [sflag:$0x1], $0x1, s26, s22, $0xb8;
	[tilespmem:$0x14000] =	vst v63  }
0xe0: {  	s13 =	sadd.s32 $0x6000, s13  }
0xe1: {  	[spmem:s4] =	stream.indirect.scatter.add.f32 [tilespmem:s13], [sflag:$0x1], $0x1, s26, s22, $0xb8;
	[tilespmem:$0x14000] =	vst v63  }
0xe2: {  	_ = 	snop  }
0xe3: {  	[spmem:s5] =	stream.indirect.scatter.add.f32 [tilespmem:s23], [sflag:$0x1], $0x1, s26, s22, $0xb8;
	[tilespmem:$0x14000] =	vst v63  }
0xe4: {  	s25 =	sadd.s32 $0x100, s16;
	s13 =	sor.u32 $0x2800, s18  }
0xe5: {  	[spmem:s2] =	stream.indirect.scatter.add.f32 [tilespmem:s13], [sflag:$0x1], $0x1, s25, s22, $0xb8;
	[tilespmem:$0x14000] =	vst v63  }
0xe6: {  	s13 =	sor.u32 $0x4800, s18  }
0xe7: {  	[spmem:s3] =	stream.indirect.scatter.add.f32 [tilespmem:s13], [sflag:$0x1], $0x1, s25, s22, $0xb8;
	[tilespmem:$0x14000] =	vst v63  }
0xe8: {  	s13 =	sor.u32 $0x6800, s18  }
0xe9: {  	[spmem:s4] =	stream.indirect.scatter.add.f32 [tilespmem:s13], [sflag:$0x1], $0x1, s25, s22, $0xb8;
	[tilespmem:$0x14000] =	vst v63  }
0xea: {  	_ = 	snop  }
0xeb: {  	[spmem:s5] =	stream.indirect.scatter.add.f32 [tilespmem:s23], [sflag:$0x1], $0x1, s25, s22, $0xb8;
	[tilespmem:$0x14000] =	vst v63  }
0xec: {  	s16 =	sadd.s32 $0x180, s16;
	s13 =	sadd.s32 $0x2000, s7  }
0xed: {  	[spmem:s2] =	stream.indirect.scatter.add.f32 [tilespmem:s13], [sflag:$0x1], $0x1, s16, s22, $0xb8;
	[tilespmem:$0x14000] =	vst v63  }
0xee: {  	s13 =	sadd.s32 $0x4000, s7  }
0xef: {  	[spmem:s3] =	stream.indirect.scatter.add.f32 [tilespmem:s13], [sflag:$0x1], $0x1, s16, s22, $0xb8;
	[tilespmem:$0x14000] =	vst v63  }
0xf0: {  	s7 =	sadd.s32 $0x6000, s7  }
0xf1: {  	[spmem:s4] =	stream.indirect.scatter.add.f32 [tilespmem:s7], [sflag:$0x1], $0x1, s16, s22, $0xb8;
	[tilespmem:$0x14000] =	vst v63  }
0xf2: {  	_ = 	snop  }
0xf3: {  	[spmem:s5] =	stream.indirect.scatter.add.f32 [tilespmem:s23], [sflag:$0x1], $0x1, s16, s22, $0xb8;
	[tilespmem:$0x14000] =	vst v63  }
0xf4: {  	_ =	swait.ge [sflag:s24], $0x80  }
0xf5: {  	[sflag:s24] =	ssyncset.done $0x0  }
0xf6: {  	[sflag:s24] =	ssyncadd.s32 $0xFFFFFF80  }
0xf7: {  	_ =	swait.ge [sflag:s24], $0x80  }
0xf8: {  	[sflag:s24] =	ssyncset.done $0x0  }
0xf9: {  	[sflag:s24] =	ssyncadd.s32 $0xFFFFFF80  }
0xfa: {  	_ =	swait.ge [sflag:s24], $0x80  }
0xfb: {  	[sflag:s24] =	ssyncset.done $0x0  }
0xfc: {  	[sflag:s24] =	ssyncadd.s32 $0xFFFFFF80  }
0xfd: {  	_ =	swait.ge [sflag:s24], $0x80  }
0xfe: {  	[sflag:s24] =	ssyncset.done $0x0  }
0xff: {  	[sflag:s24] =	ssyncadd.s32 $0xFFFFFF80  }
0x100: {  	_ =	swait.ge [sflag:s24], $0x80  }
0x101: {  	[sflag:s24] =	ssyncset.done $0x0  }
0x102: {  	[sflag:s24] =	ssyncadd.s32 $0xFFFFFF80  }
0x103: {  	_ =	swait.ge [sflag:s24], $0x80  }
0x104: {  	[sflag:s24] =	ssyncset.done $0x0  }
0x105: {  	[sflag:s24] =	ssyncadd.s32 $0xFFFFFF80  }
0x106: {  	_ =	swait.ge [sflag:s24], $0x80  }
0x107: {  	[sflag:s24] =	ssyncset.done $0x0  }
0x108: {  	[sflag:s24] =	ssyncadd.s32 $0xFFFFFF80  }
0x109: {  	_ =	swait.ge [sflag:s24], $0x80  }
0x10a: {  	[sflag:s24] =	ssyncset.done $0x0  }
0x10b: {  	[sflag:s24] =	ssyncadd.s32 $0xFFFFFF80  }
0x10c: {  	_ =	swait.ge [sflag:s24], $0x80  }
0x10d: {  	[sflag:s24] =	ssyncset.done $0x0  }
0x10e: {  	[sflag:s24] =	ssyncadd.s32 $0xFFFFFF80  }
0x10f: {  	_ =	swait.ge [sflag:s24], $0x80  }
0x110: {  	[sflag:s24] =	ssyncset.done $0x0  }
0x111: {  	[sflag:s24] =	ssyncadd.s32 $0xFFFFFF80  }
0x112: {  	_ =	swait.ge [sflag:s24], $0x80  }
0x113: {  	[sflag:s24] =	ssyncset.done $0x0  }
0x114: {  	[sflag:s24] =	ssyncadd.s32 $0xFFFFFF80  }
0x115: {  	_ =	swait.ge [sflag:s24], $0x80  }
0x116: {  	[sflag:s24] =	ssyncset.done $0x0  }
0x117: {  	[sflag:s24] =	ssyncadd.s32 $0xFFFFFF80  }
0x118: {  	_ =	swait.ge [sflag:s24], $0x80  }
0x119: {  	[sflag:s24] =	ssyncset.done $0x0  }
.Ltmp1:
0x11a: {  	[sflag:s24] =	ssyncadd.s32 $0xFFFFFF80;
	(pc) =	sbr.rel @p0 .LBB2_5-.Ltmp1, $4  }
0x11b: {  	_ =	swait.ge [sflag:s24], $0x80  }
0x11c: {  	s14 =	sadd.s32 $0x1, s14;
	s30 =	sadd.s32 $0x4, s30;
	[sflag:s24] =	ssyncset.done $0x0  }
0x11d: {  	s13 =	sand.u32 $0x7, s14;
	s7 =	sand.u32 $0x20, s30;
	[sflag:s24] =	ssyncadd.s32 $0xFFFFFF80  }
0x11e: {  	s16 =	sor.u32 s13, s7;
	_ =	swait.ge [sflag:s24], $0x80  }
0x11f: {  	[sflag:s24] =	ssyncset.done $0x0  }
0x120: {  	[sflag:s24] =	ssyncadd.s32 $0xFFFFFF80  }
0x121: {  	_ =	swait.ge [sflag:s24], $0x80  }
0x122: {  	s1 =	sshll.u32 s16, $0x7;
	s12 =	sshra.s32 s12, $0x2;
	[sflag:s24] =	ssyncset.done $0x0  }
0x123: {  	s13 =	sshll.u32 s30, $0x7;
	s7 =	sor.u32 $0x2000, s1;
	[sflag:s24] =	ssyncadd.s32 $0xFFFFFF80  }
0x124: {  	[spmem:s2] =	stream.indirect.scatter.add.f32 [tilespmem:s7], [sflag:$0x1], $0x1, s12, s22, $0xb8;
	[tilespmem:$0x14000] =	vst v63  }
0x125: {  	s18 =	sadd.s32 $0x80, s31;
	s14 =	sor.u32 $0x4000, s1;
	s13 =	sand.u32 $0xFFFFF000, s13  }
0x126: {  	[spmem:s3] =	stream.indirect.scatter.add.f32 [tilespmem:s14], [sflag:$0x1], $0x1, s12, s22, $0xb8;
	[tilespmem:$0x14000] =	vst v63  }
0x127: {  	s25 =	sor.u32 $0x6000, s1;
	s7 =	sadd.s32 s13, s18  }
0x128: {  	[spmem:s4] =	stream.indirect.scatter.add.f32 [tilespmem:s25], [sflag:$0x1], $0x1, s12, s22, $0xb8;
	[tilespmem:$0x14000] =	vst v63  }
0x129: {  	s13 =	sor.u32 $0x400, s7  }
0x12a: {  	[spmem:s5] =	stream.indirect.scatter.add.f32 [tilespmem:s23], [sflag:$0x1], $0x1, s12, s22, $0xb8;
	[tilespmem:$0x14000] =	vst v63  }
0x12b: {  	s30 =	sadd.s32 $0x80, s12;
	s26 =	sadd.s32 $0x2000, s13  }
0x12c: {  	[spmem:s2] =	stream.indirect.scatter.add.f32 [tilespmem:s26], [sflag:$0x1], $0x1, s30, s22, $0xb8;
	[tilespmem:$0x14000] =	vst v63  }
0x12d: {  	s31 =	sadd.s32 $0x4000, s13  }
0x12e: {  	[spmem:s3] =	stream.indirect.scatter.add.f32 [tilespmem:s31], [sflag:$0x1], $0x1, s30, s22, $0xb8;
	[tilespmem:$0x14000] =	vst v63  }
0x12f: {  	s13 =	sadd.s32 $0x6000, s13  }
0x130: {  	[spmem:s4] =	stream.indirect.scatter.add.f32 [tilespmem:s13], [sflag:$0x1], $0x1, s30, s22, $0xb8;
	[tilespmem:$0x14000] =	vst v63  }
0x131: {  	_ = 	snop  }
0x132: {  	[spmem:s5] =	stream.indirect.scatter.add.f32 [tilespmem:s23], [sflag:$0x1], $0x1, s30, s22, $0xb8;
	[tilespmem:$0x14000] =	vst v63  }
0x133: {  	s18 =	sor.u32 $0x2800, s1;
	s25 =	sadd.s32 $0x100, s12  }
0x134: {  	[spmem:s2] =	stream.indirect.scatter.add.f32 [tilespmem:s18], [sflag:$0x1], $0x1, s25, s22, $0xb8;
	[tilespmem:$0x14000] =	vst v63  }
0x135: {  	s26 =	sor.u32 $0x4800, s1  }
0x136: {  	[spmem:s3] =	stream.indirect.scatter.add.f32 [tilespmem:s26], [sflag:$0x1], $0x1, s25, s22, $0xb8;
	[tilespmem:$0x14000] =	vst v63  }
0x137: {  	s1 =	sor.u32 $0x6800, s1  }
0x138: {  	[spmem:s4] =	stream.indirect.scatter.add.f32 [tilespmem:s1], [sflag:$0x1], $0x1, s25, s22, $0xb8;
	[tilespmem:$0x14000] =	vst v63  }
0x139: {  	s30 =	sor.u32 $0xC00, s7  }
0x13a: {  	[spmem:s5] =	stream.indirect.scatter.add.f32 [tilespmem:s23], [sflag:$0x1], $0x1, s25, s22, $0xb8;
	[tilespmem:$0x14000] =	vst v63  }
0x13b: {  	s12 =	sadd.s32 $0x180, s12;
	s7 =	sadd.s32 $0x2000, s30  }
0x13c: {  	[spmem:s2] =	stream.indirect.scatter.add.f32 [tilespmem:s7], [sflag:$0x1], $0x1, s12, s22, $0xb8;
	[tilespmem:$0x14000] =	vst v63  }
0x13d: {  	s31 =	sadd.s32 $0x4000, s30  }
0x13e: {  	[spmem:s3] =	stream.indirect.scatter.add.f32 [tilespmem:s31], [sflag:$0x1], $0x1, s12, s22, $0xb8;
	[tilespmem:$0x14000] =	vst v63  }
0x13f: {  	s1 =	sadd.s32 $0x6000, s30  }
0x140: {  	[spmem:s4] =	stream.indirect.scatter.add.f32 [tilespmem:s1], [sflag:$0x1], $0x1, s12, s22, $0xb8;
	[tilespmem:$0x14000] =	vst v63  }
0x141: {  	_ = 	snop  }
0x142: {  	[spmem:s5] =	stream.indirect.scatter.add.f32 [tilespmem:s23], [sflag:$0x1], $0x1, s12, s22, $0xb8;
	[tilespmem:$0x14000] =	vst v63  }
0x143: {  	_ =	swait.ge [sflag:s24], $0x80  }
0x144: {  	[sflag:s24] =	ssyncset.done $0x0  }
0x145: {  	[sflag:s24] =	ssyncadd.s32 $0xFFFFFF80  }
0x146: {  	_ =	swait.ge [sflag:s24], $0x80  }
0x147: {  	[sflag:s24] =	ssyncset.done $0x0  }
0x148: {  	[sflag:s24] =	ssyncadd.s32 $0xFFFFFF80  }
0x149: {  	_ =	swait.ge [sflag:s24], $0x80  }
0x14a: {  	[sflag:s24] =	ssyncset.done $0x0  }
0x14b: {  	[sflag:s24] =	ssyncadd.s32 $0xFFFFFF80  }
0x14c: {  	_ =	swait.ge [sflag:s24], $0x80  }
0x14d: {  	[sflag:s24] =	ssyncset.done $0x0  }
0x14e: {  	[sflag:s24] =	ssyncadd.s32 $0xFFFFFF80  }
0x14f: {  	_ =	swait.ge [sflag:s24], $0x80  }
0x150: {  	[sflag:s24] =	ssyncset.done $0x0  }
0x151: {  	[sflag:s24] =	ssyncadd.s32 $0xFFFFFF80  }
0x152: {  	_ =	swait.ge [sflag:s24], $0x80  }
0x153: {  	[sflag:s24] =	ssyncset.done $0x0  }
0x154: {  	[sflag:s24] =	ssyncadd.s32 $0xFFFFFF80  }
0x155: {  	_ =	swait.ge [sflag:s24], $0x80  }
0x156: {  	[sflag:s24] =	ssyncset.done $0x0  }
0x157: {  	[sflag:s24] =	ssyncadd.s32 $0xFFFFFF80  }
0x158: {  	_ =	swait.ge [sflag:s24], $0x80  }
0x159: {  	[sflag:s24] =	ssyncset.done $0x0  }
0x15a: {  	[sflag:s24] =	ssyncadd.s32 $0xFFFFFF80  }
0x15b: {  	_ =	swait.ge [sflag:s24], $0x80  }
0x15c: {  	[sflag:s24] =	ssyncset.done $0x0  }
0x15d: {  	[sflag:s24] =	ssyncadd.s32 $0xFFFFFF80  }
0x15e: {  	_ =	swait.ge [sflag:s24], $0x80  }
0x15f: {  	[sflag:s24] =	ssyncset.done $0x0  }
0x160: {  	[sflag:s24] =	ssyncadd.s32 $0xFFFFFF80  }
0x161: {  	_ =	swait.ge [sflag:s24], $0x80  }
0x162: {  	[sflag:s24] =	ssyncset.done $0x0  }
0x163: {  	[sflag:s24] =	ssyncadd.s32 $0xFFFFFF80  }
0x164: {  	_ =	swait.ge [sflag:s24], $0x80  }
0x165: {  	[sflag:s24] =	ssyncset.done $0x0  }
0x166: {  	[sflag:s24] =	ssyncadd.s32 $0xFFFFFF80  }
0x167: {  	_ =	swait.ge [sflag:s24], $0x80  }
0x168: {  	[sflag:s24] =	ssyncset.done $0x0  }
0x169: {  	[sflag:s24] =	ssyncadd.s32 $0xFFFFFF80  }
0x16a: {  	_ =	swait.ge [sflag:s24], $0x80  }
0x16b: {  	[sflag:s24] =	ssyncset.done $0x0  }
0x16c: {  	s29 =	sadd.s32 $0x1, s29;
	[sflag:s24] =	ssyncadd.s32 $0xFFFFFF80  }
0x16d: {  	p0 =	sne.s32 s29, $0x8;
	_ =	swait.ge [sflag:s24], $0x80  }
.Ltmp2:
0x16e: {  	[sflag:s24] =	ssyncset.done $0x0;
	(pc) =	sbr.rel @p0 .LBB2_4-.Ltmp2, $4  }
0x16f: {  	[sflag:s24] =	ssyncadd.s32 $0xFFFFFF80  }
0x170: {  	_ =	swait.ge [sflag:s24], $0x80  }
0x171: {  	[sflag:s24] =	ssyncset.done $0x0  }
0x172: {  	[sflag:s24] =	ssyncadd.s32 $0xFFFFFF80  }
0x173: {  	s1 =	stileid.u32;
	[bflag:$0x0] =	sbarrier.arrive $0xFFFF;
	s13 =	simm.s32 $0x40  }
0x174: {  	s14 =	simm.s32 $0x10;
	s1 =	sshll.u32 s1, $0x6;
	s16 =	rddreg [dreg:$0xa]  }
0x175: {  	s12 =	rddreg [dreg:$0x9];
	s1 =	sor.u32 $0x1C03, s1;
	s7 =	sshrl.u32 s16, $0x3  }
0x176: {  	[hbm:s12@s13], [sflag:s1] =	dma.strided [spmem:s7@s14], $0x400, s24, $0x10   }
0x177: {  	_ =	swait.ge [sflag:s15], $0x400  }
0x178: {  	[sflag:s15] =	ssyncset.done $0x0;
	s18 =	rddreg [dreg:$0xc]  }
0x179: {  	s29 =	rddreg [dreg:$0xb];
	[sflag:s15] =	ssyncadd.s32 $0xFFFFFC00;
	s26 =	sshrl.u32 s18, $0x3  }
0x17a: {  	[hbm:s29@s13], [sflag:s1] =	dma.strided [spmem:s26@s14], $0x400, s24, $0x10   }
0x17b: {  	_ =	swait.ge [sflag:s15], $0x400  }
0x17c: {  	[sflag:s15] =	ssyncset.done $0x0;
	s25 =	rddreg [dreg:$0xe]  }
0x17d: {  	s31 =	rddreg [dreg:$0xd];
	[sflag:s15] =	ssyncadd.s32 $0xFFFFFC00;
	s30 =	sshrl.u32 s25, $0x3  }
0x17e: {  	[hbm:s31@s13], [sflag:s1] =	dma.strided [spmem:s30@s14], $0x400, s24, $0x10   }
0x17f: {  	_ =	swait.ge [sflag:s15], $0x400  }
0x180: {  	[sflag:s15] =	ssyncset.done $0x0;
	s26 =	rddreg [dreg:$0x10]  }
0x181: {  	s29 =	rddreg [dreg:$0xf];
	[sflag:s15] =	ssyncadd.s32 $0xFFFFFC00;
	s12 =	sshrl.u32 s26, $0x3  }
0x182: {  	[hbm:s29@s13], [sflag:s1] =	dma.strided [spmem:s12@s14], $0x400, s24, $0x10   }
0x183: {  	_ =	swait.ge [sflag:s15], $0x400  }
0x184: {  	s30 =	rddreg [dreg:$0x8]  }
0x185: {  	s31 =	rddreg [dreg:$0x11];
	s14 =	sadd.s32 $0x1, s30  }
0x186: {  	p0 =	sne.s32 s14, s31  }
.Ltmp3:
0x187: {  	_ = 	snop;
	(pc) =	sbr.rel @p0 .LBB2_1-.Ltmp3, $3  }
0x188: {  	_ =	sdelay $0x1  }
0x189: {  	[sflag:s15] =	ssyncset.done $0x0  }
0x18a: {  	[sflag:s15] =	ssyncadd.s32 $0xFFFFFC00  }
0x18b: {  	_ =	sfence.sel $0x180000  }
0x18c: {  	[bflag:$0x0] =	sbarrier.arrive $0xFFFF  }
0x18d: {  	_ =	strace $0x90000047  }
0x18e: {  	s0 =	stileid.u32;
	[bflag:$0x2] =	sbarrier.arrive $0xFFFF  }
0x18f: {  	p0 =	sne.s32 s0, $0x0;
	s0 =	rddreg [dreg:$0x7]  }
0x190: {  	s0 =	sadd.s32 @!p0 $0x100000, s0  }
0x191: {  	[sflag:s0] =	ssyncadd.tile.s32 @!p0 $0x1;
	_ =	shalt  }
.Lfunc_end2:
_tile_overlayer_lowered:
.L_overlay_start_2:
0x192: {  	(tag) =	ssettag $0x2  }
0x193: {  	s0 =	rddreg [dreg:$0x0];
	s2 =	stileid.u32  }
0x194: {  	s1 =	rddreg [dreg:$0x1];
	p0 =	sne.s32 s2, $0x0  }
0x195: {  	s3 =	rddreg [dreg:$0x2];
	[bflag:$0x3] =	sbarrier.arrive $0xFFFF;
	s2 =	simm.s32 @!p0 $0x1C03  }
0x196: {  	[timem:s3], [sflag:s2] =	dma.local @!p0 [hbm:s0], s1  }
0x197: {  	s0 =	simm.s32 @!p0 $0x3  }
0x198: {  	_ =	swait.ge @!p0 [sflag:s0], s1  }
0x199: {  	s1 =	ssub.s32 @!p0 $0x0, s1;
	[sflag:s0] =	ssyncset.done @!p0 $0x0  }
0x19a: {  	[sflag:s0] =	ssyncadd.s32 @!p0 s1  }
0x19b: {  	[bflag:$0x3] =	sbarrier.arrive $0xFFFF  }
0x19c: {  	_ =	shalt  }

// kernel: kernel.7.cloned.1.call-start
scs
__scs_entry_jumppad:
0x0: {  	(pc) =	sbr.rel $0x88, $3  }
0x1: {  	(tag) =	ssettag $0x0;
	lr =	simm.s32 $0x1  }
0x2: {  	[smem:$0x3F9E] =	sst lr;
	_ =	strace $0xD0000000  }
0x3: {  	_ = 	snop  }
0x4: {  	_ = 	snop  }
0x5: {  	_ = 	snop  }
0x6: {  	_ = 	snop  }
0x7: {  	_ = 	snop  }
__scs_overlays_trampoline_lowered:
0x8: {  	[smem:$0x3FAD] =	sst s0  }
0x9: {  	[smem:$0x3FAE] =	sst s1  }
0xa: {  	[smem:$0x3FAF] =	sst s2  }
0xb: {  	[smem:$0x3FB0] =	sst s3  }
0xc: {  	[smem:$0x3FB1] =	sst s4  }
0xd: {  	[smem:$0x3FB2] =	sst s5  }
0xe: {  	[smem:$0x3FB3] =	sst s6  }
0xf: {  	[smem:$0x3FB4] =	sst s7  }
0x10: {  	[smem:$0x3FB5] =	sst s8  }
0x11: {  	[smem:$0x3FB6] =	sst s9;
	s0 =	simm.s32 @!p0 $0x0  }
0x12: {  	s1 =	sld [smem:$0x3F9C];
	s0 =	simm.s32 @p0 $0x1  }
0x13: {  	[smem:$0x3FB7] =	sst s0;
	s0 =	simm.s32 @!p1 $0x0  }
0x14: {  	s2 =	sld [smem:$0x3F9B];
	s0 =	simm.s32 @p1 $0x1  }
0x15: {  	[smem:$0x3FB8] =	sst s0;
	s0 =	simm.s32 @!p2 $0x0  }
0x16: {  	s3 =	sld [smem:$0x3FDB];
	s0 =	simm.s32 @p2 $0x1  }
0x17: {  	s4 =	simm.s32 $0x1BF5;
	[smem:$0x3FBA] =	sst s0  }
0x18: {  	s0 =	sld [smem:$0x3F9D];
	_ =	swait.ge [sflag:s4], $0x0  }
0x19: {  	s7 =	sld [smem:$0x3F9E]  }
0x1a: {  	s8 =	sadd.s32 $0xFFFFE003, lr  }
0x1b: {  	s9 =	sadd.s32 $0xFFFFFEF7, lr;
	s5 =	simm.s32 $0xFFFFFFFF;
	p2 =	slt.u32 s8, $0xFFFFF086  }
0x1c: {  	p1 =	slt.u32 s9, $0xF7A;
	s5 =	simm.s32 @!p2 $0x0  }
0x1d: {  	s5 =	simm.s32 @p1 $0x1;
	p0 =	seq.s32 s7, s2  }
0x1e: {  	s7 =	smul.u32 @!p0 $0xF7A, s2;
	p2 =	seq.s32 @!p0 s5, $0x0  }
0x1f: {  	s9 =	smul.u32 $0xF7A, s1;
	s8 =	simm.s32 @!p0 $0x1BF5;
	p2 =	por !p2, p0  }
0x20: {  	[sflag:s8] =	ssyncset.s32 @!p0 $0xFFFFF086;
	s6 =	sadd.s32 @!p0 s3, s7;
	s7 =	simm.s32 @!p0 $0x108  }
0x21: {  	s3 =	sadd.s32 s3, s9;
	s6 =	sadd.s32 @!p0 $0x88, s6;
	s7 =	simm.s32 @p2 $0x1082  }
0x22: {  	[simem:s7], [sflag:s8] =	dma.local @!p0 [hbm:s6], $0xF7A  }
0x23: {  	s9 =	sor.u32 $0xD0000000, s2;
	s6 =	simm.s32 $0x108;
	_ =	swait.ge @!p0 [sflag:s8], $0x0  }
0x24: {  	s3 =	sadd.s32 $0x88, s3;
	s6 =	simm.s32 @!p1 $0x1082;
	[sflag:s4] =	ssyncset.s32 $0xFFFFF086  }
0x25: {  	[simem:s6], [sflag:s4] =	dma.local [hbm:s3], $0xF7A  }
0x26: {  	[smem:$0x3F9E] =	sst s1;
	(tag) =	ssettag s2;
	_ =	strace s9  }
0x27: {  	s1 =	sld [smem:$0x3FAE]  }
0x28: {  	s2 =	sld [smem:$0x3FAF]  }
0x29: {  	s4 =	sld [smem:$0x3FB1]  }
0x2a: {  	p0 =	seq.s32 s5, $0x0;
	s5 =	sld [smem:$0x3FB2]  }
0x2b: {  	s6 =	sld [smem:$0x3FB3]  }
0x2c: {  	s7 =	sld [smem:$0x3FB4]  }
0x2d: {  	s3 =	simm.s32 $0x108;
	s8 =	sld [smem:$0x3FB5]  }
0x2e: {  	s3 =	simm.s32 @!p0 $0x1082;
	s9 =	sld [smem:$0x3FB6]  }
0x2f: {  	lr =	sadd.s32 s0, s3;
	s0 =	sld [smem:$0x3FAD]  }
0x30: {  	s3 =	sld [smem:$0x3FB0]  }
0x31: {  	[smem:$0x3FB9] =	sst s10  }
0x32: {  	s10 =	sld [smem:$0x3FB7];
	_ =	sdelay $0x3  }
0x33: {  	p0 =	seq.s32 s10, $0x1;
	s10 =	sld [smem:$0x3FB9];
	_ =	sdelay $0x3  }
0x34: {  	[smem:$0x3FB9] =	sst s10  }
0x35: {  	s10 =	sld [smem:$0x3FB8];
	_ =	sdelay $0x3  }
0x36: {  	p1 =	seq.s32 s10, $0x1;
	s10 =	sld [smem:$0x3FB9];
	_ =	sdelay $0x3  }
0x37: {  	[smem:$0x3FB9] =	sst s10  }
0x38: {  	s10 =	sld [smem:$0x3FBA]  }
0x39: {  	_ = 	snop;
	(pc) =	sbr.ind lr, $3  }
0x3a: {  	_ = 	snop  }
0x3b: {  	_ = 	snop  }
0x3c: {  	p2 =	seq.s32 s10, $0x1;
	s10 =	sld [smem:$0x3FB9]  }
0x3d: {  	_ =	shalt  }
0x3e: {  	_ =	shalt  }
0x3f: {  	_ =	shalt  }
0x40: {  	_ =	shalt  }
0x41: {  	_ =	shalt  }
0x42: {  	_ =	shalt  }
0x43: {  	_ =	shalt  }
0x44: {  	_ =	shalt  }
0x45: {  	_ =	shalt  }
0x46: {  	_ =	shalt  }
0x47: {  	_ =	shalt  }
0x48: {  	_ =	shalt  }
0x49: {  	_ =	shalt  }
0x4a: {  	_ =	shalt  }
0x4b: {  	_ =	shalt  }
0x4c: {  	_ =	shalt  }
0x4d: {  	_ =	shalt  }
0x4e: {  	_ =	shalt  }
0x4f: {  	_ =	shalt  }
0x50: {  	_ =	shalt  }
0x51: {  	_ =	shalt  }
0x52: {  	_ =	shalt  }
0x53: {  	_ =	shalt  }
0x54: {  	_ =	shalt  }
0x55: {  	_ =	shalt  }
0x56: {  	_ =	shalt  }
0x57: {  	_ =	shalt  }
0x58: {  	_ =	shalt  }
0x59: {  	_ =	shalt  }
0x5a: {  	_ =	shalt  }
0x5b: {  	_ =	shalt  }
0x5c: {  	_ =	shalt  }
0x5d: {  	_ =	shalt  }
0x5e: {  	_ =	shalt  }
0x5f: {  	_ =	shalt  }
0x60: {  	_ =	shalt  }
0x61: {  	_ =	shalt  }
0x62: {  	_ =	shalt  }
0x63: {  	_ =	shalt  }
0x64: {  	_ =	shalt  }
0x65: {  	_ =	shalt  }
0x66: {  	_ =	shalt  }
0x67: {  	_ =	shalt  }
0x68: {  	_ =	shalt  }
0x69: {  	_ =	shalt  }
0x6a: {  	_ =	shalt  }
0x6b: {  	_ =	shalt  }
0x6c: {  	_ =	shalt  }
0x6d: {  	_ =	shalt  }
0x6e: {  	_ =	shalt  }
0x6f: {  	_ =	shalt  }
0x70: {  	_ =	shalt  }
0x71: {  	_ =	shalt  }
0x72: {  	_ =	shalt  }
0x73: {  	_ =	shalt  }
0x74: {  	_ =	shalt  }
0x75: {  	_ =	shalt  }
0x76: {  	_ =	shalt  }
0x77: {  	_ =	shalt  }
0x78: {  	_ =	shalt  }
0x79: {  	_ =	shalt  }
0x7a: {  	_ =	shalt  }
0x7b: {  	_ =	shalt  }
0x7c: {  	_ =	shalt  }
0x7d: {  	_ =	shalt  }
0x7e: {  	_ =	shalt  }
0x7f: {  	_ =	shalt  }
0x80: {  	_ =	shalt  }
0x81: {  	_ =	shalt  }
0x82: {  	_ =	shalt  }
0x83: {  	_ =	shalt  }
0x84: {  	_ =	shalt  }
0x85: {  	_ =	shalt  }
0x86: {  	_ =	shalt  }
0x87: {  	_ =	shalt  }
.Lfunc_end0:
.L_simem_size_0:
called_computation.1_lowered:
.L_overlay_start_0:
0x88: {  	s2 =	sld [smem:$0x3FD9]  }
0x89: {  	s3 =	sld [smem:$0x3FFE];
	_ =	sdelay $0x1  }
0x8a: {  	s1 =	srdreg.scid  }
0x8b: {  	s0 =	sand.u32 $0x1, s1  }
0x8c: {  	s17 =	sshll.u32 s0, $0xA;
	s2 =	sadd.s32 s3, s2  }
0x8d: {  	s2 =	sadd.s32 s2, s17  }
0x8e: {  	[smem:$0x3FC5] =	sst s2  }
0x8f: {  	_ = 	snop  }
0x90: {  	s2 =	sld [smem:$0x3FC9]  }
0x91: {  	s18 =	sld [smem:$0x3FC8]  }
0x92: {  	s4 =	sld [smem:$0x3FD0];
	(tm) =	ssettm $0x1  }
0x93: {  	s5 =	sld [smem:$0x3FFB];
	_ =	sdelay $0x3  }
0x94: {  	_ =	strace s5  }
0x95: {  	s5 =	sld [smem:$0x3FFC];
	_ =	sdelay $0x3  }
0x96: {  	_ =	strace s5  }
0x97: {  	s5 =	sld [smem:$0x3FFD];
	_ =	sdelay $0x3  }
0x98: {  	_ =	strace s5  }
0x99: {  	_ =	strace $0x8FFFFFFF  }
0x9a: {  	s19 =	sld [smem:$0x3FDB];
	_ =	sdelay $0x1  }
0x9b: {  	s6 =	simm.s32 $_scs_section_size  }
0x9c: {  	s7 =	simm.s32 $_size__tile_overlayer_lowered;
	s8 =	simm.s32 $_tile_overlayer_lowered  }
0x9d: {  	s22 =	simm.s32 $0x1BFF;
	s21 =	sshll.u32 s8, $0x1;
	s5 =	sadd.s32 s6, s19  }
0x9e: {  	s9 =	simm.s32 $0x0;
	s20 =	sshll.u32 s7, $0x1;
	s7 =	sadd.s32 s21, s5  }
0x9f: {  	[timem:s9], [sflag:s22] =	dma.local [hbm:s7], s20  }
0xa0: {  	_ =	swait.ge [sflag:s22], s20  }
0xa1: {  	s6 =	ssub.s32 $0x0, s20;
	[sflag:s22] =	ssyncset.done $0x0  }
0xa2: {  	[sflag:s22] =	ssyncadd.s32 s6;
	_ =	sdelay $0x1  }
0xa3: {  	s23 =	simm.s32 $0x1B8B  }
0xa4: {  	_ =	swait.ge [sflag:s23], $0x1  }
0xa5: {  	[sflag:s23] =	ssyncset.done $0x0  }
0xa6: {  	s25 =	simm.s32 $0x1B8E;
	s24 =	sld [smem:$0x3FFE];
	[sflag:s23] =	ssyncadd.s32 $0xFFFFFFFF  }
0xa7: {  	s26 =	simm.s32 $execute0_lowered;
	[smem:$0x3FD2] =	sst s25  }
0xa8: {  	s7 =	sshll.u32 s26, $0x1;
	_ =	strace $0x80000049;
	[dreg:$0x1] =	wrdreg $0xFFFFFFFF  }
0xa9: {  	s28 =	simm.s32 $_size_execute0_lowered;
	s5 =	sadd.s32 s5, s7;
	[dreg:$0x0] =	wrdreg $0x0  }
0xaa: {  	s7 =	sshll.u32 s28, $0x1;
	[dreg:$0x2] =	wrdreg s5  }
0xab: {  	[dreg:$0x3] =	wrdreg s7  }
0xac: {  	[dreg:$0x4] =	wrdreg $0xC0  }
0xad: {  	_ =	task [dreg:s9], $0x5FFFF  }
0xae: {  	[dreg:$0x1] =	wrdreg $0xFFFFFFFF  }
0xaf: {  	[dreg:$0x0] =	wrdreg $0x60  }
0xb0: {  	[dreg:$0x2] =	wrdreg s2  }
0xb1: {  	[dreg:$0x3] =	wrdreg s18  }
0xb2: {  	[dreg:$0x4] =	wrdreg s24  }
0xb3: {  	[dreg:$0x5] =	wrdreg s4  }
0xb4: {  	[dreg:$0x6] =	wrdreg $0x188000  }
0xb5: {  	[dreg:$0x7] =	wrdreg $0x1A8000  }
0xb6: {  	[dreg:$0x8] =	wrdreg $0x9  }
0xb7: {  	_ =	task.clear_ibuf [dreg:s9], $0x9FFFF;
	_ =	strace $0x90000049  }
0xb8: {  	s29 =	simm.s32 $0x9;
	_ =	strace $0x8000004B  }
0xb9: {  	_ =	swait.ge [sflag:s29], $0x1  }
0xba: {  	[sflag:s29] =	ssyncadd.s32 $0xFFFFFFFF  }
0xbb: {  	_ =	strace $0x9000004B  }
0xbc: {  	_ =	sfence  }
0xbd: {  	s30 =	sld [smem:$0x0];
	_ =	sdelay $0x2  }
0xbe: {  	s31 =	sshll.u32 s1, $0xD;
	s1 =	sshrl.u32 s1, $0x2  }
0xbf: {  	s3 =	sand.u32 $0x4000, s31;
	s1 =	sadd.s32 s1, s30  }
0xc0: {  	s0 =	sor.u32 s3, s0;
	s1 =	sshll.u32 s1, $0x11  }
0xc1: {  	s0 =	sor.u32 s1, s0  }
0xc2: {  	s0 =	sadd.s32 $0x8F2B, s0  }
0xc3: {  	[sflag:s0] =	ssyncadd.remote.s32 $0x1  }
0xc4: {  	_ =	sfence.sel $0xFFFF  }
0xc5: {  	[dreg:$0x0] =	wrdreg $0xFFFFFFFF;
	(pc) =	sbr.abs _section_cstart, $3  }
0xc6: {  	[dreg:$0x1] =	wrdreg $0xFFFFFFFF  }
0xc7: {  	_ =	task.clear_ibuf [dreg:s9], $0x2FFFF;
	_ =	strace $0x9FFFFFFF  }
0xc8: {  	(tm) =	ssettm $0x7FFFFFFF  }
0xc9: {  	_ =	shalt  }
tec
execute0_lowered:
.L_overlay_start_1:
0x0: {  	(tag) =	ssettag $0x1  }
0x1: {  	s1 =	rddreg [dreg:$0x0]  }
0x2: {  	s0 =	rddreg [dreg:$0x2]  }
0x3: {  	s4 =	rddreg [dreg:$0x4]  }
0x4: {  	s5 =	rddreg [dreg:$0x5];
	s2 =	simm.s32 $0x0;
	s21 =	srdreg.scid  }
0x5: {  	s8 =	stileid.u32;
	s28 =	simm.s32 $0x3;
	s29 =	simm.s32 $0xD800  }
0x6: {  	s31 =	simm.s32 $0xC800;
	[smem:$0x7FF] =	sst s2;
	s2 =	sand.u32 $0x1, s21  }
0x7: {  	s12 =	sadd.s32 $0xA00, s0;
	s13 =	sadd.s32 $0x20A00, s0;
	s7 =	sshll.u32 s8, $0x1  }
0x8: {  	s22 =	sshll.u32 s8, $0xD;
	s23 =	sadd.s32 $0xA30, s0;
	s24 =	sadd.s32 $0x10A30, s0  }
0x9: {  	s25 =	sadd.s32 $0x10A00, s0;
	_ =	strace $0x8000004A;
	[dreg:$0x9] =	wrdreg s22  }
0xa: {  	s14 =	sadd.s32 $0xA10, s0;
	s15 =	sadd.s32 $0x10A10, s0;
	[dreg:$0xa] =	wrdreg s23  }
0xb: {  	s26 =	sshrl.u32 s8, $0x1;
	s16 =	sadd.s32 $0xA20, s0;
	[dreg:$0xb] =	wrdreg s24  }
0xc: {  	s18 =	sadd.s32 $0x10A20, s0;
	s3 =	ssub.s32 $0x2, s2;
	[dreg:$0xc] =	wrdreg s25  }
0xd: {  	s2 =	sor.u32 s2, s7;
	s17 =	smul.u32 $0xC0, s26;
	[dreg:$0x7] =	wrdreg s12  }
0xe: {  	s24 =	simm.s32 $0x80;
	s25 =	simm.s32 $0x200;
	[dreg:$0x8] =	wrdreg s13  }
0xf: {  	s6 =	sshrl.u32 s3, $0x1;
	s7 =	sshll.u32 s2, $0x4;
	s19 =	sshll.u32 s2, $0x10  }
0x10: {  	s2 =	simm.s32 $0x0;
	s3 =	ssub.s32 s3, s6;
	s20 =	sand.u32 $0x30, s7  }
0x11: {  	s21 =	sadd.s32 $0x40, s17;
	s22 =	sadd.s32 $0x80, s17;
	s30 =	smax.u32 s3, $0x1  }
0x12: {  	s6 =	simm.s32 $0x1;
	s3 =	simm.s32 $0x2;
	[dreg:$0xd] =	wrdreg s30  }
.LBB2_1:
0x13: {  	[dreg:$0xe] =	wrdreg s2;
	s0 =	simm.s32 $0x0  }
.LBB2_2:
0x14: {  	s2 =	sshll.u32 s0, $0xB;
	s7 =	rddreg [dreg:$0x9]  }
0x15: {  	s7 =	sadd.s32 s7, s2  }
0x16: {  	s23 =	rddreg [dreg:$0xa];
	s30 =	sshrl.u32 s7, $0x1  }
0x17: {  	s8 =	simm.s32 $0xD000;
	s2 =	sadd.s32 s30, s23  }
0x18: {  	[tilespmem:s8], [sflag:$0x3] =	stream.strided.gather [hbm4b:s2+s24], $0x800, s25, s24, $0x38;
	[tilespmem:$0x1C800] =	vst v63  }
0x19: {  	_ =	swait.ge [sflag:s28], $0x800  }
0x1a: {  	[sflag:s28] =	ssyncset.done $0x0;
	s26 =	rddreg [dreg:$0xb]  }
0x1b: {  	[sflag:s28] =	ssyncadd.s32 $0xFFFFF800;
	s2 =	sadd.s32 s30, s26  }
0x1c: {  	[tilespmem:s29], [sflag:$0x3] =	stream.strided.gather [hbm4b:s2+s24], $0x800, s25, s24, $0x38;
	[tilespmem:$0x1C800] =	vst v63  }
0x1d: {  	_ =	swait.ge [sflag:s28], $0x800  }
0x1e: {  	[sflag:s28] =	ssyncset.done $0x0  }
0x1f: {  	s2 =	simm.s32 $0x0;
	[sflag:s28] =	ssyncadd.s32 $0xFFFFF800  }
0x20: {  	s8 =	simm.s32 $0x40;
	v0 =	vld [tilespmem:s2+$0xD800]  }
.LBB2_3:
0x21: {  	p0 =	sne.s32 s8, $0x1FC0;
	v1 =	vld [tilespmem:s2+$0xD000];
	_ =	sdelay $0x4  }
0x22: {  	v0 =	vadd.f32 v0, v1;
	_ =	sdelay $0x1  }
0x23: {  	v0 =	vmax.f32 v0, $1.000000000e+00  }
0x24: {  	(erf) = vrcp.f32 v0;
	_ =	sdelay $0x5  }
.Ltmp0:
0x25: {  	(pc) =	sbr.rel @p0 .LBB2_3-.Ltmp0, $3  }
0x26: {  	_ =	sdelay $0x1  }
0x27: {  	s9 =	sshra.s32 s8, $0x2;
	v1 =	vpop (erf)  }
0x28: {  	s8 =	sadd.s32 $0x40, s8;
	v0 =	vld [tilespmem:s9+$0xD800];
	[tilespmem:s2+$0xD000] =	vst v1;
	s2 =	smov.u32 s9  }
0x29: {  	v1 =	vld [tilespmem:s2+$0xD000];
	_ =	sdelay $0x4  }
0x2a: {  	v0 =	vadd.f32 v0, v1;
	_ =	sdelay $0x1  }
0x2b: {  	v0 =	vmax.f32 v0, $1.000000000e+00  }
0x2c: {  	(erf) = vrcp.f32 v0;
	_ =	sdelay $0x8  }
0x2d: {  	v0 =	vpop (erf)  }
0x2e: {  	s10 =	sadd.s32 s13, s30;
	s8 =	simm.s32 $0x0;
	s9 =	simm.s32 $0xE000;
	[tilespmem:s2+$0xD000] =	vst v0  }
0x2f: {  	[tilespmem:s9], [sflag:$0x3] =	stream.linear.gather [hbm4b:s10+s8], $0x2000, $0x38;
	[tilespmem:$0x1C800] =	vst v63  }
0x30: {  	_ =	swait.ge [sflag:s28], $0x2000  }
0x31: {  	[sflag:s28] =	ssyncset.done $0x0  }
0x32: {  	s11 =	sadd.s32 s12, s30;
	[sflag:s28] =	ssyncadd.s32 $0xFFFFE000  }
0x33: {  	[tilespmem:s31], [sflag:$0x3] =	stream.strided.gather [hbm4b:s11+s24], $0x800, s25, s24, $0x38;
	[tilespmem:$0x1C800] =	vst v63  }
0x34: {  	_ =	swait.ge [sflag:s28], $0x800  }
0x35: {  	[sflag:s28] =	ssyncset.done $0x0;
	s23 =	rddreg [dreg:$0xc]  }
0x36: {  	[sflag:s28] =	ssyncadd.s32 $0xFFFFF800;
	s2 =	sadd.s32 s30, s23  }
0x37: {  	[tilespmem:s29], [sflag:$0x3] =	stream.strided.gather [hbm4b:s2+s24], $0x800, s25, s24, $0x38;
	[tilespmem:$0x1C800] =	vst v63  }
0x38: {  	_ =	swait.ge [sflag:s28], $0x800  }
0x39: {  	[sflag:s28] =	ssyncset.done $0x0  }
0x3a: {  	s2 =	simm.s32 $0x0;
	[sflag:s28] =	ssyncadd.s32 $0xFFFFF800  }
0x3b: {  	v0 =	vld [tilespmem:s2+$0xC800]  }
0x3c: {  	v1 =	vld [tilespmem:s2+$0xD800];
	_ =	sdelay $0x2  }
0x3d: {  	s26 =	sand.u32 $0x70, s8;
	s8 =	sand.u32 $0x1E00, s8;
	v2 =	vld [tilespmem:s2+$0xD000]  }
0x3e: {  	s8 =	sor.u32 s26, s8  }
0x3f: {  	v3 =	vadd.f32 v1, v0;
	v1 =	vld [tilespmem:s8+$0xE000];
	_ =	sdelay $0x1  }
0x40: {  	s8 =	simm.s32 $0x10  }
0x41: {  	s9 =	simm.s32 $0x40;
	s26 =	simm.s32 $0x20;
	s23 =	simm.s32 $0x10;
	v0 =	vld [tilespmem:s8+$0xC800];
	v2 =	vmul.f32 v2, v3  }
.LBB2_5:
0x42: {  	p0 =	sne.s32 s26, $0x7F0;
	v3 =	vld [tilespmem:s8+$0xD800]  }
0x43: {  	v1 =	vsub.f32 v1, v2  }
0x44: {  	s10 =	sand.u32 $0x70, s23;
	s11 =	sand.u32 $0x1E00, s9;
	s23 =	smov.u32 s26;
	v2 =	vld [tilespmem:s8+$0xD000]  }
.Ltmp1:
0x45: {  	s10 =	sor.u32 s10, s11;
	[tilespmem:s2+$0xC000] =	vst v1;
	s2 =	smov.u32 s8;
	(pc) =	sbr.rel @p0 .LBB2_5-.Ltmp1, $4  }
0x46: {  	v1 =	vld [tilespmem:s10+$0xE000]  }
0x47: {  	s9 =	sadd.s32 $0x40, s9;
	v3 =	vadd.f32 v3, v0  }
0x48: {  	s8 =	sshra.s32 s9, $0x2  }
0x49: {  	s26 =	sadd.s32 $0x10, s26;
	v0 =	vld [tilespmem:s8+$0xC800];
	v2 =	vmul.f32 v2, v3  }
0x4a: {  	v3 =	vld [tilespmem:s8+$0xD800]  }
0x4b: {  	v1 =	vsub.f32 v1, v2  }
0x4c: {  	s10 =	sand.u32 $0x70, s23;
	s9 =	sand.u32 $0x1E00, s9;
	v2 =	vld [tilespmem:s8+$0xD000]  }
0x4d: {  	s9 =	sor.u32 s10, s9;
	[tilespmem:s2+$0xC000] =	vst v1  }
0x4e: {  	v1 =	vld [tilespmem:s9+$0xE000]  }
0x4f: {  	v0 =	vadd.f32 v3, v0;
	_ =	sdelay $0x1  }
0x50: {  	v0 =	vmul.f32 v2, v0;
	_ =	sdelay $0x1  }
0x51: {  	v0 =	vsub.f32 v1, v0;
	_ =	sdelay $0x1  }
0x52: {  	s10 =	sadd.s32 s30, s14;
	[tilespmem:s8+$0xC000] =	vst v0  }
0x53: {  	[tilespmem:s31], [sflag:$0x3] =	stream.strided.gather [hbm4b:s10+s24], $0x800, s25, s24, $0x38;
	[tilespmem:$0x1C800] =	vst v63  }
0x54: {  	_ =	swait.ge [sflag:s28], $0x800  }
0x55: {  	[sflag:s28] =	ssyncset.done $0x0  }
0x56: {  	s11 =	sadd.s32 s30, s15;
	[sflag:s28] =	ssyncadd.s32 $0xFFFFF800  }
0x57: {  	[tilespmem:s29], [sflag:$0x3] =	stream.strided.gather [hbm4b:s11+s24], $0x800, s25, s24, $0x38;
	[tilespmem:$0x1C800] =	vst v63  }
0x58: {  	_ =	swait.ge [sflag:s28], $0x800  }
0x59: {  	[sflag:s28] =	ssyncset.done $0x0  }
0x5a: {  	s2 =	simm.s32 $0x0;
	[sflag:s28] =	ssyncadd.s32 $0xFFFFF800  }
0x5b: {  	v0 =	vld [tilespmem:s2+$0xC800]  }
0x5c: {  	v1 =	vld [tilespmem:s2+$0xD800]  }
0x5d: {  	s23 =	simm.s32 $0x0  }
0x5e: {  	s26 =	sand.u32 $0x70, s23;
	s8 =	sand.u32 $0x1E00, s23;
	v3 =	vld [tilespmem:s2+$0xD000]  }
0x5f: {  	s8 =	sor.u32 s26, s8  }
0x60: {  	v2 =	vld [tilespmem:s8+$0xE080]  }
0x61: {  	v0 =	vadd.f32 v1, v0  }
0x62: {  	v1 =	vld [tilespmem:s2+$0xC000]  }
0x63: {  	s8 =	simm.s32 $0x10;
	v3 =	vmul.f32 v3, v0  }
0x64: {  	s9 =	simm.s32 $0x40;
	s23 =	simm.s32 $0x10;
	s26 =	simm.s32 $0x20;
	v0 =	vld [tilespmem:s8+$0xC800]  }
.LBB2_7:
0x65: {  	p0 =	sne.s32 s26, $0x7F0;
	v4 =	vld [tilespmem:s8+$0xD800];
	v2 =	vsub.f32 v2, v3;
	_ =	sdelay $0x1  }
0x66: {  	s10 =	sand.u32 $0x70, s23;
	s11 =	sand.u32 $0x1E00, s9;
	s23 =	smov.u32 s26;
	v3 =	vld [tilespmem:s8+$0xD000];
	v1 =	vpack.i.f32.bf16 v2, v1  }
0x67: {  	s10 =	sor.u32 s10, s11;
	[tilespmem:s2+$0x10000] =	vst v1;
	s2 =	smov.u32 s8  }
.Ltmp2:
0x68: {  	v2 =	vld [tilespmem:s10+$0xE080];
	(pc) =	sbr.rel @p0 .LBB2_7-.Ltmp2, $4  }
0x69: {  	v0 =	vadd.f32 v4, v0  }
0x6a: {  	s9 =	sadd.s32 $0x40, s9;
	v1 =	vld [tilespmem:s2+$0xC000]  }
0x6b: {  	s8 =	sshra.s32 s9, $0x2;
	v3 =	vmul.f32 v3, v0  }
0x6c: {  	s26 =	sadd.s32 $0x10, s26;
	v0 =	vld [tilespmem:s8+$0xC800]  }
0x6d: {  	v4 =	vld [tilespmem:s8+$0xD800];
	v2 =	vsub.f32 v2, v3;
	_ =	sdelay $0x1  }
0x6e: {  	s10 =	sand.u32 $0x70, s23;
	s9 =	sand.u32 $0x1E00, s9;
	v3 =	vld [tilespmem:s8+$0xD000];
	v1 =	vpack.i.f32.bf16 v2, v1  }
0x6f: {  	s9 =	sor.u32 s10, s9;
	[tilespmem:s2+$0x10000] =	vst v1  }
0x70: {  	v1 =	vld [tilespmem:s9+$0xE080]  }
0x71: {  	v0 =	vadd.f32 v4, v0  }
0x72: {  	v2 =	vld [tilespmem:s8+$0xC000]  }
0x73: {  	v0 =	vmul.f32 v3, v0;
	_ =	sdelay $0x1  }
0x74: {  	v0 =	vsub.f32 v1, v0;
	_ =	sdelay $0x1  }
0x75: {  	v0 =	vpack.i.f32.bf16 v0, v2  }
0x76: {  	s11 =	sadd.s32 s7, s4;
	s23 =	simm.s32 $0x10000;
	[tilespmem:s8+$0x10000] =	vst v0  }
0x77: {  	[spmem:s11] =	stream.linear.scatter [tilespmem:s23], [sflag:$0x3], $0x800, $0x38;
	[tilespmem:$0x1C800] =	vst v63  }
0x78: {  	_ =	swait.ge [sflag:s28], $0x800  }
0x79: {  	[sflag:s28] =	ssyncset.done $0x0  }
0x7a: {  	s26 =	sadd.s32 s30, s16;
	[sflag:s28] =	ssyncadd.s32 $0xFFFFF800  }
0x7b: {  	[tilespmem:s31], [sflag:$0x3] =	stream.strided.gather [hbm4b:s26+s24], $0x800, s25, s24, $0x38;
	[tilespmem:$0x1C800] =	vst v63  }
0x7c: {  	_ =	swait.ge [sflag:s28], $0x800  }
0x7d: {  	[sflag:s28] =	ssyncset.done $0x0  }
0x7e: {  	s30 =	sadd.s32 s30, s18;
	[sflag:s28] =	ssyncadd.s32 $0xFFFFF800  }
0x7f: {  	[tilespmem:s29], [sflag:$0x3] =	stream.strided.gather [hbm4b:s30+s24], $0x800, s25, s24, $0x38;
	[tilespmem:$0x1C800] =	vst v63  }
0x80: {  	_ =	swait.ge [sflag:s28], $0x800  }
0x81: {  	[sflag:s28] =	ssyncset.done $0x0  }
0x82: {  	s2 =	simm.s32 $0x0;
	[sflag:s28] =	ssyncadd.s32 $0xFFFFF800  }
0x83: {  	s9 =	simm.s32 $0x0;
	s8 =	simm.s32 $0x0;
	s23 =	simm.s32 $0x10;
	v0 =	vld [tilespmem:s2+$0xC800]  }
.LBB2_9:
0x84: {  	p0 =	sne.s32 s23, $0x7F0;
	v1 =	vld [tilespmem:s2+$0xD800];
	_ =	sdelay $0x1  }
0x85: {  	s10 =	sand.u32 $0x70, s9;
	s11 =	sand.u32 $0x1E00, s8;
	s9 =	smov.u32 s23;
	v2 =	vld [tilespmem:s2+$0xD000]  }
0x86: {  	s10 =	sor.u32 s10, s11  }
0x87: {  	v3 =	vld [tilespmem:s10+$0xE100]  }
0x88: {  	v0 =	vadd.f32 v1, v0;
	_ =	sdelay $0x1  }
.Ltmp3:
0x89: {  	v0 =	vmul.f32 v2, v0;
	(pc) =	sbr.rel @p0 .LBB2_9-.Ltmp3, $4  }
0x8a: {  	_ = 	snop  }
0x8b: {  	s8 =	sadd.s32 $0x40, s8;
	v1 =	vsub.f32 v3, v0  }
0x8c: {  	s10 =	sshra.s32 s8, $0x2  }
0x8d: {  	s23 =	sadd.s32 $0x10, s23;
	v0 =	vld [tilespmem:s10+$0xC800];
	[tilespmem:s2+$0xD800] =	vst v1;
	s2 =	smov.u32 s10  }
0x8e: {  	v1 =	vld [tilespmem:s2+$0xD800];
	_ =	sdelay $0x1  }
0x8f: {  	s9 =	sand.u32 $0x70, s9;
	s8 =	sand.u32 $0x1E00, s8;
	v2 =	vld [tilespmem:s2+$0xD000]  }
0x90: {  	s8 =	sor.u32 s9, s8  }
0x91: {  	v3 =	vld [tilespmem:s8+$0xE100]  }
0x92: {  	v0 =	vadd.f32 v1, v0;
	_ =	sdelay $0x1  }
0x93: {  	v0 =	vmul.f32 v2, v0;
	_ =	sdelay $0x1  }
0x94: {  	s0 =	sadd.s32 $0x1, s0;
	v0 =	vsub.f32 v3, v0  }
0x95: {  	p0 =	sne.s32 s0, $0x4  }
.Ltmp4:
0x96: {  	s30 =	sadd.s32 s7, s5;
	[tilespmem:s2+$0xD800] =	vst v0;
	(pc) =	sbr.rel @p0 .LBB2_2-.Ltmp4, $4  }
0x97: {  	[spmem:s30] =	stream.linear.scatter [tilespmem:s29], [sflag:$0x3], $0x800, $0x38;
	[tilespmem:$0x1C800] =	vst v63  }
0x98: {  	_ =	swait.ge [sflag:s28], $0x800  }
0x99: {  	[sflag:s28] =	ssyncset.done $0x0  }
0x9a: {  	[sflag:s28] =	ssyncadd.s32 $0xFFFFF800  }
0x9b: {  	[bflag:$0x0] =	sbarrier.arrive $0xFFFF;
	s30 =	simm.s32 $0x0;
	s0 =	simm.s32 $0x0  }
.LBB2_12:
0x9c: {  	s2 =	sshll.u32 s0, $0xD  }
0x9d: {  	s7 =	sadd.s32 s19, s2  }
0x9e: {  	s8 =	rddreg [dreg:$0x1];
	s2 =	sshrl.u32 s7, $0x3  }
0x9f: {  	s9 =	sshll.u32 s0, $0x1;
	s2 =	sadd.s32 s8, s2  }
0xa0: {  	[tilespmem:s30], [sflag:$0x2] =	stream.linear.gather [hbm4b:s2+s30], $0x2000, $0x38;
	[tilespmem:$0x1C800] =	vst v63  }
0xa1: {  	s2 =	sadd.s32 s20, s9  }
0xa2: {  	s10 =	sadd.s32 s17, s2  }
0xa3: {  	s8 =	sshll.u32 s10, $0x9  }
0xa4: {  	s9 =	simm.s32 $0x2000;
	s11 =	sadd.s32 s21, s2;
	s8 =	sadd.s32 s1, s8  }
0xa5: {  	[tilespmem:s9], [sflag:$0x2] =	stream.linear.gather [hbm4b:s8+s30], $0x2000, $0x38;
	[tilespmem:$0x1C800] =	vst v63  }
0xa6: {  	s2 =	sadd.s32 s22, s2;
	s8 =	sshll.u32 s11, $0x9  }
0xa7: {  	s2 =	sshll.u32 s2, $0x9;
	s8 =	sand.u32 $0x1FFFFC00, s8  }
0xa8: {  	s12 =	simm.s32 $0x4000;
	s2 =	sand.u32 $0x1FFFFC00, s2;
	s8 =	sadd.s32 s1, s8  }
0xa9: {  	[tilespmem:s12], [sflag:$0x2] =	stream.linear.gather [hbm4b:s8+s30], $0x2000, $0x38;
	[tilespmem:$0x1C800] =	vst v63  }
0xaa: {  	s13 =	simm.s32 $0x6000;
	s2 =	sadd.s32 s1, s2  }
0xab: {  	[tilespmem:s13], [sflag:$0x2] =	stream.linear.gather [hbm4b:s2+s30], $0x2000, $0x38;
	[tilespmem:$0x1C800] =	vst v63  }
0xac: {  	_ =	swait.ge [sflag:s3], $0x2000  }
0xad: {  	[sflag:s3] =	ssyncset.done $0x0  }
0xae: {  	[sflag:s3] =	ssyncadd.s32 $0xFFFFE000  }
0xaf: {  	_ =	swait.ge [sflag:s3], $0x2000  }
0xb0: {  	[sflag:s3] =	ssyncset.done $0x0  }
0xb1: {  	[sflag:s3] =	ssyncadd.s32 $0xFFFFE000  }
0xb2: {  	_ =	swait.ge [sflag:s3], $0x2000  }
0xb3: {  	[sflag:s3] =	ssyncset.done $0x0  }
0xb4: {  	[sflag:s3] =	ssyncadd.s32 $0xFFFFE000  }
0xb5: {  	_ =	swait.ge [sflag:s3], $0x2000  }
0xb6: {  	[sflag:s3] =	ssyncset.done $0x0  }
0xb7: {  	s23 =	simm.s32 $0x0;
	s26 =	simm.s32 $0x8000;
	[sflag:s3] =	ssyncadd.s32 $0xFFFFE000  }
0xb8: {  	[tilespmem:s26], [sflag:$0x1] =	stream.indirect.gather [spmem:s4], $0x1, s23, s24, $0xb8;
	[tilespmem:$0x1C800] =	vst v63  }
0xb9: {  	s9 =	simm.s32 $0xA000  }
0xba: {  	[tilespmem:s9], [sflag:$0x1] =	stream.indirect.gather [spmem:s5], $0x1, s23, s24, $0xb8;
	[tilespmem:$0x1C800] =	vst v63  }
0xbb: {  	s10 =	simm.s32 $0x8080;
	s11 =	simm.s32 $0x80  }
0xbc: {  	[tilespmem:s10], [sflag:$0x1] =	stream.indirect.gather [spmem:s4], $0x1, s11, s24, $0xb8;
	[tilespmem:$0x1C800] =	vst v63  }
0xbd: {  	s12 =	simm.s32 $0xA080  }
0xbe: {  	[tilespmem:s12], [sflag:$0x1] =	stream.indirect.gather [spmem:s5], $0x1, s11, s24, $0xb8;
	[tilespmem:$0x1C800] =	vst v63  }
0xbf: {  	s13 =	simm.s32 $0x8100;
	s23 =	simm.s32 $0x100  }
0xc0: {  	[tilespmem:s13], [sflag:$0x1] =	stream.indirect.gather [spmem:s4], $0x1, s23, s24, $0xb8;
	[tilespmem:$0x1C800] =	vst v63  }
0xc1: {  	s26 =	simm.s32 $0xA100  }
0xc2: {  	[tilespmem:s26], [sflag:$0x1] =	stream.indirect.gather [spmem:s5], $0x1, s23, s24, $0xb8;
	[tilespmem:$0x1C800] =	vst v63  }
0xc3: {  	s8 =	simm.s32 $0x8180;
	s9 =	simm.s32 $0x180  }
0xc4: {  	[tilespmem:s8], [sflag:$0x1] =	stream.indirect.gather [spmem:s4], $0x1, s9, s24, $0xb8;
	[tilespmem:$0x1C800] =	vst v63  }
0xc5: {  	s10 =	simm.s32 $0xA180  }
0xc6: {  	[tilespmem:s10], [sflag:$0x1] =	stream.indirect.gather [spmem:s5], $0x1, s9, s24, $0xb8;
	[tilespmem:$0x1C800] =	vst v63  }
0xc7: {  	s11 =	simm.s32 $0x8200;
	s12 =	simm.s32 $0x200  }
0xc8: {  	[tilespmem:s11], [sflag:$0x1] =	stream.indirect.gather [spmem:s4], $0x1, s12, s24, $0xb8;
	[tilespmem:$0x1C800] =	vst v63  }
0xc9: {  	s13 =	simm.s32 $0xA200  }
0xca: {  	[tilespmem:s13], [sflag:$0x1] =	stream.indirect.gather [spmem:s5], $0x1, s12, s24, $0xb8;
	[tilespmem:$0x1C800] =	vst v63  }
0xcb: {  	s23 =	simm.s32 $0x8280;
	s26 =	simm.s32 $0x280  }
0xcc: {  	[tilespmem:s23], [sflag:$0x1] =	stream.indirect.gather [spmem:s4], $0x1, s26, s24, $0xb8;
	[tilespmem:$0x1C800] =	vst v63  }
0xcd: {  	s9 =	simm.s32 $0xA280  }
0xce: {  	[tilespmem:s9], [sflag:$0x1] =	stream.indirect.gather [spmem:s5], $0x1, s26, s24, $0xb8;
	[tilespmem:$0x1C800] =	vst v63  }
0xcf: {  	s10 =	simm.s32 $0x8300;
	s11 =	simm.s32 $0x300  }
0xd0: {  	[tilespmem:s10], [sflag:$0x1] =	stream.indirect.gather [spmem:s4], $0x1, s11, s24, $0xb8;
	[tilespmem:$0x1C800] =	vst v63  }
0xd1: {  	s12 =	simm.s32 $0xA300  }
0xd2: {  	[tilespmem:s12], [sflag:$0x1] =	stream.indirect.gather [spmem:s5], $0x1, s11, s24, $0xb8;
	[tilespmem:$0x1C800] =	vst v63  }
0xd3: {  	s13 =	simm.s32 $0x8380;
	s23 =	simm.s32 $0x380  }
0xd4: {  	[tilespmem:s13], [sflag:$0x1] =	stream.indirect.gather [spmem:s4], $0x1, s23, s24, $0xb8;
	[tilespmem:$0x1C800] =	vst v63  }
0xd5: {  	s26 =	simm.s32 $0xA380  }
0xd6: {  	[tilespmem:s26], [sflag:$0x1] =	stream.indirect.gather [spmem:s5], $0x1, s23, s24, $0xb8;
	[tilespmem:$0x1C800] =	vst v63  }
0xd7: {  	_ =	swait.ge [sflag:s6], $0x80  }
0xd8: {  	[sflag:s6] =	ssyncset.done $0x0  }
0xd9: {  	[sflag:s6] =	ssyncadd.s32 $0xFFFFFF80  }
0xda: {  	_ =	swait.ge [sflag:s6], $0x80  }
0xdb: {  	[sflag:s6] =	ssyncset.done $0x0  }
0xdc: {  	[sflag:s6] =	ssyncadd.s32 $0xFFFFFF80  }
0xdd: {  	_ =	swait.ge [sflag:s6], $0x80  }
0xde: {  	[sflag:s6] =	ssyncset.done $0x0  }
0xdf: {  	[sflag:s6] =	ssyncadd.s32 $0xFFFFFF80  }
0xe0: {  	_ =	swait.ge [sflag:s6], $0x80  }
0xe1: {  	[sflag:s6] =	ssyncset.done $0x0  }
0xe2: {  	[sflag:s6] =	ssyncadd.s32 $0xFFFFFF80  }
0xe3: {  	_ =	swait.ge [sflag:s6], $0x80  }
0xe4: {  	[sflag:s6] =	ssyncset.done $0x0  }
0xe5: {  	[sflag:s6] =	ssyncadd.s32 $0xFFFFFF80  }
0xe6: {  	_ =	swait.ge [sflag:s6], $0x80  }
0xe7: {  	[sflag:s6] =	ssyncset.done $0x0  }
0xe8: {  	[sflag:s6] =	ssyncadd.s32 $0xFFFFFF80  }
0xe9: {  	_ =	swait.ge [sflag:s6], $0x80  }
0xea: {  	[sflag:s6] =	ssyncset.done $0x0  }
0xeb: {  	[sflag:s6] =	ssyncadd.s32 $0xFFFFFF80  }
0xec: {  	_ =	swait.ge [sflag:s6], $0x80  }
0xed: {  	[sflag:s6] =	ssyncset.done $0x0  }
0xee: {  	[sflag:s6] =	ssyncadd.s32 $0xFFFFFF80  }
0xef: {  	_ =	swait.ge [sflag:s6], $0x80  }
0xf0: {  	[sflag:s6] =	ssyncset.done $0x0  }
0xf1: {  	[sflag:s6] =	ssyncadd.s32 $0xFFFFFF80  }
0xf2: {  	_ =	swait.ge [sflag:s6], $0x80  }
0xf3: {  	[sflag:s6] =	ssyncset.done $0x0  }
0xf4: {  	[sflag:s6] =	ssyncadd.s32 $0xFFFFFF80  }
0xf5: {  	_ =	swait.ge [sflag:s6], $0x80  }
0xf6: {  	[sflag:s6] =	ssyncset.done $0x0  }
0xf7: {  	[sflag:s6] =	ssyncadd.s32 $0xFFFFFF80  }
0xf8: {  	_ =	swait.ge [sflag:s6], $0x80  }
0xf9: {  	[sflag:s6] =	ssyncset.done $0x0  }
0xfa: {  	[sflag:s6] =	ssyncadd.s32 $0xFFFFFF80  }
0xfb: {  	_ =	swait.ge [sflag:s6], $0x80  }
0xfc: {  	[sflag:s6] =	ssyncset.done $0x0  }
0xfd: {  	[sflag:s6] =	ssyncadd.s32 $0xFFFFFF80  }
0xfe: {  	_ =	swait.ge [sflag:s6], $0x80  }
0xff: {  	[sflag:s6] =	ssyncset.done $0x0  }
0x100: {  	[sflag:s6] =	ssyncadd.s32 $0xFFFFFF80  }
0x101: {  	_ =	swait.ge [sflag:s6], $0x80  }
0x102: {  	[sflag:s6] =	ssyncset.done $0x0  }
0x103: {  	[sflag:s6] =	ssyncadd.s32 $0xFFFFFF80  }
0x104: {  	_ =	swait.ge [sflag:s6], $0x80  }
0x105: {  	s8 =	simm.s32 $0x2000;
	s26 =	simm.s32 $0x400;
	[sflag:s6] =	ssyncset.done $0x0  }
.LBB2_13:
0x106: {  	s9 =	sadd.s32 $0x8000, s26  }
0x107: {  	[sflag:s6] =	ssyncadd.s32 $0xFFFFFF80;
	s2 =	smov.u32 s8;
	s23 =	sadd.s32 $0x1000, s8  }
0x108: {  	[tilespmem:s9], [sflag:$0x1] =	stream.indirect.gather [spmem:s4], $0x1, s26, s24, $0xb8;
	[tilespmem:$0x1C800] =	vst v63  }
0x109: {  	p0 =	sne.s32 s8, $0x7000;
	s8 =	sadd.s32 $0xA000, s26  }
0x10a: {  	[tilespmem:s8], [sflag:$0x1] =	stream.indirect.gather [spmem:s5], $0x1, s26, s24, $0xb8;
	[tilespmem:$0x1C800] =	vst v63  }
0x10b: {  	s9 =	sadd.s32 $0x80, s26;
	s8 =	sadd.s32 $0x8080, s26  }
0x10c: {  	[tilespmem:s8], [sflag:$0x1] =	stream.indirect.gather [spmem:s4], $0x1, s9, s24, $0xb8;
	[tilespmem:$0x1C800] =	vst v63  }
0x10d: {  	s8 =	sadd.s32 $0xA080, s26  }
0x10e: {  	[tilespmem:s8], [sflag:$0x1] =	stream.indirect.gather [spmem:s5], $0x1, s9, s24, $0xb8;
	[tilespmem:$0x1C800] =	vst v63  }
0x10f: {  	s8 =	sadd.s32 $0x8100, s26;
	s9 =	sadd.s32 $0x100, s26  }
0x110: {  	[tilespmem:s8], [sflag:$0x1] =	stream.indirect.gather [spmem:s4], $0x1, s9, s24, $0xb8;
	[tilespmem:$0x1C800] =	vst v63  }
0x111: {  	s8 =	sadd.s32 $0xA100, s26  }
0x112: {  	[tilespmem:s8], [sflag:$0x1] =	stream.indirect.gather [spmem:s5], $0x1, s9, s24, $0xb8;
	[tilespmem:$0x1C800] =	vst v63  }
0x113: {  	s8 =	sadd.s32 $0x8180, s26;
	s9 =	sadd.s32 $0x180, s26  }
0x114: {  	[tilespmem:s8], [sflag:$0x1] =	stream.indirect.gather [spmem:s4], $0x1, s9, s24, $0xb8;
	[tilespmem:$0x1C800] =	vst v63  }
0x115: {  	s8 =	sadd.s32 $0xA180, s26  }
0x116: {  	[tilespmem:s8], [sflag:$0x1] =	stream.indirect.gather [spmem:s5], $0x1, s9, s24, $0xb8;
	[tilespmem:$0x1C800] =	vst v63  }
0x117: {  	s8 =	sadd.s32 $0x8200, s26;
	s9 =	sadd.s32 $0x200, s26  }
0x118: {  	[tilespmem:s8], [sflag:$0x1] =	stream.indirect.gather [spmem:s4], $0x1, s9, s24, $0xb8;
	[tilespmem:$0x1C800] =	vst v63  }
0x119: {  	s8 =	sadd.s32 $0xA200, s26  }
0x11a: {  	[tilespmem:s8], [sflag:$0x1] =	stream.indirect.gather [spmem:s5], $0x1, s9, s24, $0xb8;
	[tilespmem:$0x1C800] =	vst v63  }
0x11b: {  	s8 =	sadd.s32 $0x8280, s26;
	s9 =	sadd.s32 $0x280, s26  }
0x11c: {  	[tilespmem:s8], [sflag:$0x1] =	stream.indirect.gather [spmem:s4], $0x1, s9, s24, $0xb8;
	[tilespmem:$0x1C800] =	vst v63  }
0x11d: {  	s8 =	sadd.s32 $0xA280, s26  }
0x11e: {  	[tilespmem:s8], [sflag:$0x1] =	stream.indirect.gather [spmem:s5], $0x1, s9, s24, $0xb8;
	[tilespmem:$0x1C800] =	vst v63  }
0x11f: {  	s8 =	sadd.s32 $0x8300, s26;
	s9 =	sadd.s32 $0x300, s26  }
0x120: {  	[tilespmem:s8], [sflag:$0x1] =	stream.indirect.gather [spmem:s4], $0x1, s9, s24, $0xb8;
	[tilespmem:$0x1C800] =	vst v63  }
0x121: {  	s8 =	sadd.s32 $0xA300, s26  }
0x122: {  	[tilespmem:s8], [sflag:$0x1] =	stream.indirect.gather [spmem:s5], $0x1, s9, s24, $0xb8;
	[tilespmem:$0x1C800] =	vst v63  }
0x123: {  	s8 =	sadd.s32 $0x8380, s26;
	s9 =	sadd.s32 $0x380, s26  }
0x124: {  	[tilespmem:s8], [sflag:$0x1] =	stream.indirect.gather [spmem:s4], $0x1, s9, s24, $0xb8;
	[tilespmem:$0x1C800] =	vst v63  }
0x125: {  	s8 =	sadd.s32 $0xA380, s26  }
0x126: {  	[tilespmem:s8], [sflag:$0x1] =	stream.indirect.gather [spmem:s5], $0x1, s9, s24, $0xb8;
	[tilespmem:$0x1C800] =	vst v63  }
0x127: {  	_ =	swait.ge [sflag:s6], $0x80  }
0x128: {  	[sflag:s6] =	ssyncset.done $0x0  }
0x129: {  	[sflag:s6] =	ssyncadd.s32 $0xFFFFFF80  }
0x12a: {  	_ =	swait.ge [sflag:s6], $0x80  }
0x12b: {  	[sflag:s6] =	ssyncset.done $0x0  }
0x12c: {  	[sflag:s6] =	ssyncadd.s32 $0xFFFFFF80  }
0x12d: {  	_ =	swait.ge [sflag:s6], $0x80  }
0x12e: {  	[sflag:s6] =	ssyncset.done $0x0  }
0x12f: {  	[sflag:s6] =	ssyncadd.s32 $0xFFFFFF80  }
0x130: {  	_ =	swait.ge [sflag:s6], $0x80  }
0x131: {  	[sflag:s6] =	ssyncset.done $0x0  }
0x132: {  	[sflag:s6] =	ssyncadd.s32 $0xFFFFFF80  }
0x133: {  	_ =	swait.ge [sflag:s6], $0x80  }
0x134: {  	[sflag:s6] =	ssyncset.done $0x0  }
0x135: {  	[sflag:s6] =	ssyncadd.s32 $0xFFFFFF80  }
0x136: {  	_ =	swait.ge [sflag:s6], $0x80  }
0x137: {  	[sflag:s6] =	ssyncset.done $0x0  }
0x138: {  	[sflag:s6] =	ssyncadd.s32 $0xFFFFFF80  }
0x139: {  	_ =	swait.ge [sflag:s6], $0x80  }
0x13a: {  	[sflag:s6] =	ssyncset.done $0x0  }
0x13b: {  	[sflag:s6] =	ssyncadd.s32 $0xFFFFFF80  }
0x13c: {  	_ =	swait.ge [sflag:s6], $0x80  }
0x13d: {  	[sflag:s6] =	ssyncset.done $0x0  }
0x13e: {  	[sflag:s6] =	ssyncadd.s32 $0xFFFFFF80  }
0x13f: {  	_ =	swait.ge [sflag:s6], $0x80  }
0x140: {  	[sflag:s6] =	ssyncset.done $0x0  }
0x141: {  	[sflag:s6] =	ssyncadd.s32 $0xFFFFFF80  }
0x142: {  	_ =	swait.ge [sflag:s6], $0x80  }
0x143: {  	[sflag:s6] =	ssyncset.done $0x0  }
0x144: {  	[sflag:s6] =	ssyncadd.s32 $0xFFFFFF80  }
0x145: {  	_ =	swait.ge [sflag:s6], $0x80  }
0x146: {  	[sflag:s6] =	ssyncset.done $0x0  }
0x147: {  	[sflag:s6] =	ssyncadd.s32 $0xFFFFFF80  }
0x148: {  	_ =	swait.ge [sflag:s6], $0x80  }
0x149: {  	[sflag:s6] =	ssyncset.done $0x0  }
0x14a: {  	[sflag:s6] =	ssyncadd.s32 $0xFFFFFF80  }
0x14b: {  	_ =	swait.ge [sflag:s6], $0x80  }
0x14c: {  	[sflag:s6] =	ssyncset.done $0x0  }
0x14d: {  	[sflag:s6] =	ssyncadd.s32 $0xFFFFFF80  }
0x14e: {  	_ =	swait.ge [sflag:s6], $0x80  }
0x14f: {  	[sflag:s6] =	ssyncset.done $0x0  }
0x150: {  	[sflag:s6] =	ssyncadd.s32 $0xFFFFFF80  }
.Ltmp5:
0x151: {  	_ =	swait.ge [sflag:s6], $0x80;
	(pc) =	sbr.rel @p0 .LBB2_13-.Ltmp5, $4  }
0x152: {  	[sflag:s6] =	ssyncset.done $0x0  }
0x153: {  	[sflag:s6] =	ssyncadd.s32 $0xFFFFFF80  }
0x154: {  	_ =	swait.ge [sflag:s6], $0x80  }
0x155: {  	s26 =	sshra.s32 s2, $0x2;
	s8 =	smov.u32 s23;
	[sflag:s6] =	ssyncset.done $0x0  }
0x156: {  	s2 =	sadd.s32 $0x8000, s26;
	[sflag:s6] =	ssyncadd.s32 $0xFFFFFF80  }
0x157: {  	[tilespmem:s2], [sflag:$0x1] =	stream.indirect.gather [spmem:s4], $0x1, s26, s24, $0xb8;
	[tilespmem:$0x1C800] =	vst v63  }
0x158: {  	s12 =	sadd.s32 $0xA000, s26  }
0x159: {  	[tilespmem:s12], [sflag:$0x1] =	stream.indirect.gather [spmem:s5], $0x1, s26, s24, $0xb8;
	[tilespmem:$0x1C800] =	vst v63  }
0x15a: {  	s13 =	sadd.s32 $0x8080, s26;
	s8 =	sadd.s32 $0x80, s26  }
0x15b: {  	[tilespmem:s13], [sflag:$0x1] =	stream.indirect.gather [spmem:s4], $0x1, s8, s24, $0xb8;
	[tilespmem:$0x1C800] =	vst v63  }
0x15c: {  	s23 =	sadd.s32 $0xA080, s26  }
0x15d: {  	[tilespmem:s23], [sflag:$0x1] =	stream.indirect.gather [spmem:s5], $0x1, s8, s24, $0xb8;
	[tilespmem:$0x1C800] =	vst v63  }
0x15e: {  	s9 =	sadd.s32 $0x8100, s26;
	s10 =	sadd.s32 $0x100, s26  }
0x15f: {  	[tilespmem:s9], [sflag:$0x1] =	stream.indirect.gather [spmem:s4], $0x1, s10, s24, $0xb8;
	[tilespmem:$0x1C800] =	vst v63  }
0x160: {  	s11 =	sadd.s32 $0xA100, s26  }
0x161: {  	[tilespmem:s11], [sflag:$0x1] =	stream.indirect.gather [spmem:s5], $0x1, s10, s24, $0xb8;
	[tilespmem:$0x1C800] =	vst v63  }
0x162: {  	s12 =	sadd.s32 $0x8180, s26;
	s13 =	sadd.s32 $0x180, s26  }
0x163: {  	[tilespmem:s12], [sflag:$0x1] =	stream.indirect.gather [spmem:s4], $0x1, s13, s24, $0xb8;
	[tilespmem:$0x1C800] =	vst v63  }
0x164: {  	s23 =	sadd.s32 $0xA180, s26  }
0x165: {  	[tilespmem:s23], [sflag:$0x1] =	stream.indirect.gather [spmem:s5], $0x1, s13, s24, $0xb8;
	[tilespmem:$0x1C800] =	vst v63  }
0x166: {  	s9 =	sadd.s32 $0x8200, s26;
	s10 =	sadd.s32 $0x200, s26  }
0x167: {  	[tilespmem:s9], [sflag:$0x1] =	stream.indirect.gather [spmem:s4], $0x1, s10, s24, $0xb8;
	[tilespmem:$0x1C800] =	vst v63  }
0x168: {  	s11 =	sadd.s32 $0xA200, s26  }
0x169: {  	[tilespmem:s11], [sflag:$0x1] =	stream.indirect.gather [spmem:s5], $0x1, s10, s24, $0xb8;
	[tilespmem:$0x1C800] =	vst v63  }
0x16a: {  	s12 =	sadd.s32 $0x8280, s26;
	s13 =	sadd.s32 $0x280, s26  }
0x16b: {  	[tilespmem:s12], [sflag:$0x1] =	stream.indirect.gather [spmem:s4], $0x1, s13, s24, $0xb8;
	[tilespmem:$0x1C800] =	vst v63  }
0x16c: {  	s23 =	sadd.s32 $0xA280, s26  }
0x16d: {  	[tilespmem:s23], [sflag:$0x1] =	stream.indirect.gather [spmem:s5], $0x1, s13, s24, $0xb8;
	[tilespmem:$0x1C800] =	vst v63  }
0x16e: {  	s9 =	sadd.s32 $0x8300, s26;
	s10 =	sadd.s32 $0x300, s26  }
0x16f: {  	[tilespmem:s9], [sflag:$0x1] =	stream.indirect.gather [spmem:s4], $0x1, s10, s24, $0xb8;
	[tilespmem:$0x1C800] =	vst v63  }
0x170: {  	s11 =	sadd.s32 $0xA300, s26  }
0x171: {  	[tilespmem:s11], [sflag:$0x1] =	stream.indirect.gather [spmem:s5], $0x1, s10, s24, $0xb8;
	[tilespmem:$0x1C800] =	vst v63  }
0x172: {  	s12 =	sadd.s32 $0x8380, s26;
	s13 =	sadd.s32 $0x380, s26  }
0x173: {  	[tilespmem:s12], [sflag:$0x1] =	stream.indirect.gather [spmem:s4], $0x1, s13, s24, $0xb8;
	[tilespmem:$0x1C800] =	vst v63  }
0x174: {  	s23 =	sadd.s32 $0xA380, s26  }
0x175: {  	[tilespmem:s23], [sflag:$0x1] =	stream.indirect.gather [spmem:s5], $0x1, s13, s24, $0xb8;
	[tilespmem:$0x1C800] =	vst v63  }
0x176: {  	_ =	swait.ge [sflag:s6], $0x80  }
0x177: {  	[sflag:s6] =	ssyncset.done $0x0  }
0x178: {  	[sflag:s6] =	ssyncadd.s32 $0xFFFFFF80  }
0x179: {  	_ =	swait.ge [sflag:s6], $0x80  }
0x17a: {  	[sflag:s6] =	ssyncset.done $0x0  }
0x17b: {  	[sflag:s6] =	ssyncadd.s32 $0xFFFFFF80  }
0x17c: {  	_ =	swait.ge [sflag:s6], $0x80  }
0x17d: {  	[sflag:s6] =	ssyncset.done $0x0  }
0x17e: {  	[sflag:s6] =	ssyncadd.s32 $0xFFFFFF80  }
0x17f: {  	_ =	swait.ge [sflag:s6], $0x80  }
0x180: {  	[sflag:s6] =	ssyncset.done $0x0  }
0x181: {  	[sflag:s6] =	ssyncadd.s32 $0xFFFFFF80  }
0x182: {  	_ =	swait.ge [sflag:s6], $0x80  }
0x183: {  	[sflag:s6] =	ssyncset.done $0x0  }
0x184: {  	[sflag:s6] =	ssyncadd.s32 $0xFFFFFF80  }
0x185: {  	_ =	swait.ge [sflag:s6], $0x80  }
0x186: {  	[sflag:s6] =	ssyncset.done $0x0  }
0x187: {  	[sflag:s6] =	ssyncadd.s32 $0xFFFFFF80  }
0x188: {  	_ =	swait.ge [sflag:s6], $0x80  }
0x189: {  	[sflag:s6] =	ssyncset.done $0x0  }
0x18a: {  	[sflag:s6] =	ssyncadd.s32 $0xFFFFFF80  }
0x18b: {  	_ =	swait.ge [sflag:s6], $0x80  }
0x18c: {  	[sflag:s6] =	ssyncset.done $0x0  }
0x18d: {  	[sflag:s6] =	ssyncadd.s32 $0xFFFFFF80  }
0x18e: {  	_ =	swait.ge [sflag:s6], $0x80  }
0x18f: {  	[sflag:s6] =	ssyncset.done $0x0  }
0x190: {  	[sflag:s6] =	ssyncadd.s32 $0xFFFFFF80  }
0x191: {  	_ =	swait.ge [sflag:s6], $0x80  }
0x192: {  	[sflag:s6] =	ssyncset.done $0x0  }
0x193: {  	[sflag:s6] =	ssyncadd.s32 $0xFFFFFF80  }
0x194: {  	_ =	swait.ge [sflag:s6], $0x80  }
0x195: {  	[sflag:s6] =	ssyncset.done $0x0  }
0x196: {  	[sflag:s6] =	ssyncadd.s32 $0xFFFFFF80  }
0x197: {  	_ =	swait.ge [sflag:s6], $0x80  }
0x198: {  	[sflag:s6] =	ssyncset.done $0x0  }
0x199: {  	[sflag:s6] =	ssyncadd.s32 $0xFFFFFF80  }
0x19a: {  	_ =	swait.ge [sflag:s6], $0x80  }
0x19b: {  	[sflag:s6] =	ssyncset.done $0x0  }
0x19c: {  	[sflag:s6] =	ssyncadd.s32 $0xFFFFFF80  }
0x19d: {  	_ =	swait.ge [sflag:s6], $0x80  }
0x19e: {  	[sflag:s6] =	ssyncset.done $0x0  }
0x19f: {  	[sflag:s6] =	ssyncadd.s32 $0xFFFFFF80  }
0x1a0: {  	s9 =	simm.s32 $0x0;
	_ =	swait.ge [sflag:s6], $0x80  }
0x1a1: {  	s26 =	simm.s32 $0x0;
	s8 =	sand.u32 $0x20, s9;
	[sflag:s6] =	ssyncset.done $0x0  }
0x1a2: {  	s9 =	sand.u32 $0x18, s26;
	s10 =	simm.s32 $0x0;
	[sflag:s6] =	ssyncadd.s32 $0xFFFFFF80  }
0x1a3: {  	s8 =	sor.u32 s8, s9;
	s10 =	sand.u32 $0x7, s10;
	_ =	swait.ge [sflag:s6], $0x80  }
0x1a4: {  	s2 =	sand.u32 $0x70, s26;
	s8 =	sor.u32 s10, s8;
	[sflag:s6] =	ssyncset.done $0x0  }
0x1a5: {  	s11 =	simm.s32 $0x8000;
	s8 =	sshll.u32 s8, $0x7;
	[sflag:s6] =	ssyncadd.s32 $0xFFFFFF80  }
0x1a6: {  	s8 =	sor.u32 s2, s8;
	v0 =	vld [tilespmem:s11+$0x0]  }
0x1a7: {  	v1 =	vld [tilespmem:s8+$0x2000];
	_ =	sdelay $0x3  }
0x1a8: {  	s12 =	simm.s32 $0x0;
	v2 =	vunpack.i.l.bf16.f32 v0  }
0x1a9: {  	s9 =	sand.u32 $0x3FFFFE00, s12;
	v1 =	vadd.f32 v1, v2  }
0x1aa: {  	s2 =	sor.u32 s2, s9  }
0x1ab: {  	[tilespmem:s2+$0x10800] =	vst v1  }
0x1ac: {  	v1 =	vld [tilespmem:s8+$0x4000];
	_ =	sdelay $0x3  }
0x1ad: {  	v0 =	vunpack.i.u.bf16.f32 v0  }
0x1ae: {  	v0 =	vadd.f32 v1, v0  }
0x1af: {  	s9 =	sadd.s32 $0x10800, s2  }
0x1b0: {  	s2 =	simm.s32 $0xA000;
	[tilespmem:s9+$0x80] =	vst v0  }
0x1b1: {  	v0 =	vld [tilespmem:s2+$0x0]  }
0x1b2: {  	v1 =	vld [tilespmem:s8+$0x6000];
	_ =	sdelay $0x1  }
0x1b3: {  	s26 =	simm.s32 $0x10  }
0x1b4: {  	s10 =	simm.s32 $0x2;
	s23 =	simm.s32 $0x1;
	s13 =	simm.s32 $0x0  }
0x1b5: {  	s12 =	simm.s32 $0x0;
	s11 =	sand.u32 $0x18, s23;
	s8 =	sand.u32 $0x20, s13  }
0x1b6: {  	s12 =	sand.u32 $0x7, s12;
	s11 =	sor.u32 s8, s11;
	s8 =	simm.s32 $0x8010;
	v0 =	vadd.f32 v1, v0  }
.LBB2_15:
0x1b7: {  	s11 =	sor.u32 s12, s11  }
0x1b8: {  	s2 =	sadd.s32 $0x10, s2;
	s12 =	smov.u32 s10;
	s13 =	sadd.s32 $0x1, s10  }
0x1b9: {  	p0 =	sne.s32 s10, $0x1FF;
	s10 =	sand.u32 $0x70, s26;
	s11 =	sshll.u32 s11, $0x7;
	[tilespmem:s9+$0x100] =	vst v0  }
0x1ba: {  	v0 =	vld [tilespmem:s8+$0x0];
	s11 =	sor.u32 s10, s11  }
0x1bb: {  	v1 =	vld [tilespmem:s11+$0x2000];
	_ =	sdelay $0x3  }
0x1bc: {  	s9 =	sshll.u32 s23, $0x6;
	s23 =	smov.u32 s12;
	v2 =	vunpack.i.l.bf16.f32 v0  }
0x1bd: {  	s9 =	sand.u32 $0x3FFFFE00, s9;
	v1 =	vadd.f32 v1, v2  }
0x1be: {  	s9 =	sor.u32 s10, s9  }
0x1bf: {  	[tilespmem:s9+$0x10800] =	vst v1  }
0x1c0: {  	v1 =	vld [tilespmem:s11+$0x4000];
	_ =	sdelay $0x3  }
0x1c1: {  	v0 =	vunpack.i.u.bf16.f32 v0  }
0x1c2: {  	v0 =	vadd.f32 v1, v0  }
0x1c3: {  	s9 =	sadd.s32 $0x10800, s9  }
0x1c4: {  	[tilespmem:s9+$0x80] =	vst v0  }
0x1c5: {  	v0 =	vld [tilespmem:s2+$0x0]  }
0x1c6: {  	v1 =	vld [tilespmem:s11+$0x6000]  }
.Ltmp6:
0x1c7: {  	(pc) =	sbr.rel @p0 .LBB2_15-.Ltmp6, $4  }
0x1c8: {  	_ = 	snop  }
0x1c9: {  	s26 =	sadd.s32 $0x10, s26;
	s12 =	sshrl.u32 s23, $0x5;
	s10 =	sshrl.u32 s23, $0x3  }
0x1ca: {  	s8 =	sadd.s32 $0x10, s8;
	s10 =	sand.u32 $0x20, s10;
	s11 =	sand.u32 $0x18, s23  }
0x1cb: {  	s12 =	sand.u32 $0x7, s12;
	s11 =	sor.u32 s10, s11;
	s10 =	smov.u32 s13;
	v0 =	vadd.f32 v1, v0  }
0x1cc: {  	s10 =	sor.u32 s12, s11  }
0x1cd: {  	s13 =	sand.u32 $0x70, s26;
	s10 =	sshll.u32 s10, $0x7;
	[tilespmem:s9+$0x100] =	vst v0  }
0x1ce: {  	v0 =	vld [tilespmem:s8+$0x0];
	s26 =	sor.u32 s13, s10  }
0x1cf: {  	v1 =	vld [tilespmem:s26+$0x2000];
	_ =	sdelay $0x3  }
0x1d0: {  	s10 =	sshll.u32 s23, $0x6;
	v2 =	vunpack.i.l.bf16.f32 v0  }
0x1d1: {  	s9 =	sand.u32 $0x3FFFFE00, s10;
	v1 =	vadd.f32 v1, v2  }
0x1d2: {  	s9 =	sor.u32 s13, s9  }
0x1d3: {  	[tilespmem:s9+$0x10800] =	vst v1  }
0x1d4: {  	v1 =	vld [tilespmem:s26+$0x4000];
	_ =	sdelay $0x3  }
0x1d5: {  	v0 =	vunpack.i.u.bf16.f32 v0  }
0x1d6: {  	v0 =	vadd.f32 v1, v0  }
0x1d7: {  	s9 =	sadd.s32 $0x10800, s9  }
0x1d8: {  	s2 =	sadd.s32 $0x10, s2;
	[tilespmem:s9+$0x80] =	vst v0  }
0x1d9: {  	v0 =	vld [tilespmem:s2+$0x0]  }
0x1da: {  	v63 =	vld [tilespmem:s26+$0x6000];
	_ =	sdelay $0x4  }
0x1db: {  	s12 =	sshrl.u32 s7, $0x1;
	s0 =	sadd.s32 $0x1, s0;
	v0 =	vadd.f32 v63, v0  }
0x1dc: {  	p0 =	sne.s32 s0, $0x8;
	s23 =	simm.s32 $0x0;
	s13 =	rddreg [dreg:$0x3]  }
.Ltmp7:
0x1dd: {  	s2 =	sadd.s32 s13, s12;
	s26 =	simm.s32 $0x10800;
	[tilespmem:s9+$0x100] =	vst v0;
	(pc) =	sbr.rel @p0 .LBB2_12-.Ltmp7, $4  }
0x1de: {  	[hbm4b:s2+s23] =	stream.linear.scatter [tilespmem:s26], [sflag:$0x3], $0x8000, $0x38;
	[tilespmem:$0x1C800] =	vst v63  }
0x1df: {  	_ =	swait.ge [sflag:s28], $0x8000  }
0x1e0: {  	[sflag:s28] =	ssyncset.done $0x0  }
0x1e1: {  	[sflag:s28] =	ssyncadd.s32 $0xFFFF8000  }
0x1e2: {  	s2 =	rddreg [dreg:$0xe]  }
0x1e3: {  	s0 =	rddreg [dreg:$0xd];
	s2 =	sadd.s32 $0x1, s2  }
0x1e4: {  	p0 =	sne.s32 s2, s0  }
.Ltmp8:
0x1e5: {  	_ = 	snop;
	(pc) =	sbr.rel @p0 .LBB2_1-.Ltmp8, $3  }
0x1e6: {  	_ =	sdelay $0x1  }
0x1e7: {  	s12 =	rddreg [dreg:$0x7]  }
0x1e8: {  	s13 =	rddreg [dreg:$0x8]  }
0x1e9: {  	_ =	sfence.sel $0x180000  }
0x1ea: {  	[bflag:$0x0] =	sbarrier.arrive $0xFFFF  }
0x1eb: {  	_ =	strace $0x9000004A  }
0x1ec: {  	s0 =	stileid.u32;
	[bflag:$0x2] =	sbarrier.arrive $0xFFFF  }
0x1ed: {  	p0 =	sne.s32 s0, $0x0;
	s0 =	rddreg [dreg:$0x6]  }
0x1ee: {  	s0 =	sadd.s32 @!p0 $0x100000, s0  }
0x1ef: {  	[sflag:s0] =	ssyncadd.tile.s32 @!p0 $0x1;
	_ =	shalt  }
.Lfunc_end2:
_tile_overlayer_lowered:
.L_overlay_start_2:
0x1f0: {  	(tag) =	ssettag $0x2  }
0x1f1: {  	s0 =	rddreg [dreg:$0x0];
	s2 =	stileid.u32  }
0x1f2: {  	s1 =	rddreg [dreg:$0x1];
	p0 =	sne.s32 s2, $0x0  }
0x1f3: {  	s3 =	rddreg [dreg:$0x2];
	[bflag:$0x3] =	sbarrier.arrive $0xFFFF;
	s2 =	simm.s32 @!p0 $0x1C03  }
0x1f4: {  	[timem:s3], [sflag:s2] =	dma.local @!p0 [hbm:s0], s1  }
0x1f5: {  	s0 =	simm.s32 @!p0 $0x3  }
0x1f6: {  	_ =	swait.ge @!p0 [sflag:s0], s1  }
0x1f7: {  	s1 =	ssub.s32 @!p0 $0x0, s1;
	[sflag:s0] =	ssyncset.done @!p0 $0x0  }
0x1f8: {  	[sflag:s0] =	ssyncadd.s32 @!p0 s1  }
0x1f9: {  	[bflag:$0x3] =	sbarrier.arrive $0xFFFF  }
0x1fa: {  	_ =	shalt  }

</sc_bundles>
